<compile_context>
chip_gen: v7x
topology: tpu7x:2x2x1
jax: 0.10.2.dev20260603
libtpu: 0.0.44.dev20260713+nightly
codegen_flags: <defaults>
</compile_context>

<pallas_src>
import functools

import jax
import jax.numpy as jnp
from jax import lax
from jax.experimental import pallas as pl
from jax.experimental.pallas import tpu as pltpu
from jax.experimental.pallas import tpu_sc as plsc

B, S, H, G = 16, 4096, 256, 512
NC, NS, L = 2, 16, 16
NW = NC * NS
SPT = NW // B
GT = G // SPT
K = 48
HV = H // L


def _at(ref, r):
    return ref[pl.ds(r, L)][0]


def _lower_bound(ids_v, target):
    def step(_, lohi):
        lo, hi = lohi
        mid = (lo + hi) // 2
        v = _at(ids_v, jnp.minimum(mid, S - 1))
        go = lo < hi
        less = v < target
        lo = jnp.where(go & less, mid + 1, lo)
        hi = jnp.where(go & (~less), mid, hi)
        return lo, hi
    lo, _ = lax.fori_loop(0, 13, step, (jnp.int32(0), jnp.int32(S)))
    return lo


def _seg_mean_body(feats_hbm, seg_hbm, out_hbm,
                   ids_v, stage, outbuf, cnt_v, sem0, sem1):
    c = lax.axis_index("c")
    s = lax.axis_index("s")
    w = s * NC + c
    b = w // SPT
    g0 = (w % SPT) * GT

    zero16 = jnp.zeros((L,), jnp.float32)

    ids_v[pl.ds(S, L)] = jnp.full((L,), G, jnp.int32)
    ids_copy = pltpu.make_async_copy(
        seg_hbm.at[b], ids_v.at[pl.ds(0, S)], sem0)
    ids_copy.start()

    def zrow(r, carry):
        for k in range(HV):
            outbuf[r, pl.ds(k * L, L)] = zero16
        cnt_v[r] = zero16
        return carry
    lax.fori_loop(0, GT, zrow, 0)

    ids_copy.wait()
    start = _lower_bound(ids_v, g0)
    end = _lower_bound(ids_v, g0 + GT)
    start_al = (start // 8) * 8
    nchunk = (end - start_al + K - 1) // K

    def fetch(off, buf):
        return pltpu.make_async_copy(
            feats_hbm.at[b, pl.ds(off, K)],
            stage.at[buf],
            sem0 if buf == 0 else sem1)

    def chunk_off(ci):
        return pl.multiple_of(jnp.minimum(start_al + ci * K, S - K), 8)

    @pl.when(nchunk > 0)
    def _():
        fetch(chunk_off(0), 0).start()

    def chunk_body(ci, carry):
        off = chunk_off(ci)
        buf = lax.rem(ci, 2)
        lo = jnp.maximum(start, start_al + ci * K)
        hi = jnp.minimum(end, start_al + ci * K + K)

        @pl.when(buf == 0)
        def _():
            fetch(off, 0).wait()

            @pl.when(ci + 1 < nchunk)
            def _():
                fetch(chunk_off(ci + 1), 1).start()

        @pl.when(buf == 1)
        def _():
            fetch(off, 1).wait()

            @pl.when(ci + 1 < nchunk)
            def _():
                fetch(chunk_off(ci + 1), 0).start()

        gs = _at(ids_v, lo) - g0
        ge = _at(ids_v, hi - 1) - g0

        def seg_body(g, rlo):
            lo_s = rlo
            hi_s = hi
            for _ in range(6):
                mid = (lo_s + hi_s) // 2
                v = _at(ids_v, jnp.minimum(mid, S - 1))
                go = lo_s < hi_s
                le = v <= g + g0
                lo_s = jnp.where(go & le, mid + 1, lo_s)
                hi_s = jnp.where(go & (~le), mid, hi_s)
            rhi = lo_s

            def row_body(r, acc):
                return tuple(
                    acc[k] + stage[buf, r, pl.ds(k * L, L)]
                    for k in range(HV))
            acc = lax.fori_loop(rlo - off, rhi - off, row_body,
                                tuple(zero16 for _ in range(HV)))
            for k in range(HV):
                plsc.addupdate(outbuf.at[g, pl.ds(k * L, L)], acc[k])
            cnt = (rhi - rlo).astype(jnp.float32)
            plsc.addupdate(cnt_v.at[g], jnp.full((L,), cnt, jnp.float32))
            return rhi
        lax.fori_loop(gs, ge + 1, seg_body, lo)
        return carry
    lax.fori_loop(0, nchunk, chunk_body, 0)

    def div_body(r, carry):
        wv = jnp.float32(1.0) / jnp.maximum(cnt_v[r], jnp.float32(1.0))
        for k in range(HV):
            outbuf[r, pl.ds(k * L, L)] = outbuf[r, pl.ds(k * L, L)] * wv
        return carry
    lax.fori_loop(0, GT, div_body, 0)
    pltpu.sync_copy(outbuf, out_hbm.at[pl.ds(b * G + g0, GT)])


_seg_mean = functools.partial(
    pl.kernel,
    mesh=plsc.VectorSubcoreMesh(core_axis_name="c", subcore_axis_name="s"),
    out_type=jax.ShapeDtypeStruct((B * G, H), jnp.float32),
    scratch_types=[
        pltpu.VMEM((S + L,), jnp.int32),
        pltpu.VMEM((2, K, H), jnp.float32),
        pltpu.VMEM((GT, H), jnp.float32),
        pltpu.VMEM((GT, L), jnp.float32),
        pltpu.SemaphoreType.DMA,
        pltpu.SemaphoreType.DMA,
    ],
)(_seg_mean_body)


def kernel(feats, segment_ids):
    seg = segment_ids.astype(jnp.int32)
    out = _seg_mean(feats, seg)
    return out.reshape(B, G, H)

# --- scband reference (transcript-rebuilt; emitter-appended) ---
"""Pipeline reference for scband-grouping-8598524526677 (READ-ONLY COPY).

The authoritative reference and input builder live on the scoring server;
editing this copy changes nothing except your own understanding.
"""

import jax, jax.numpy as jnp
import numpy as np

B, S, H, G = 16, 4096, 256, 512

def setup_inputs(seed: int = 0) -> dict:
    key = jax.random.key(seed)
    k1, k2 = jax.random.split(key)
    feats = jax.random.normal(k1, (B, S, H), dtype=jnp.float32)
    # each row of segment_ids is sorted, emulating contiguous group spans per batch
    segment_ids = jnp.sort(jax.random.randint(k2, (B, S), 0, G), axis=-1).astype(jnp.int64)
    return {"feats": feats, "segment_ids": segment_ids}

def reference(feats, segment_ids):
    # Faithful to Grouping('mean'): the torch module builds a batched sparse
    # weight matrix W[b, g, s] = 1/len(group g) for s in group g and computes
    # bmm(W, feats) -> [B, G, H]. That is exactly a per-batch segment mean.
    seg = segment_ids.astype(jnp.int32)

    def per_batch(f, s):
        sums = jax.ops.segment_sum(f, s, num_segments=G)  # [G, H]
        counts = jax.ops.segment_sum(jnp.ones((f.shape[0],), dtype=f.dtype), s, num_segments=G)  # [G]
        # aggregation='mean' -> pow=-1 -> weights 1/len(group); empty groups map to 0 rows
        return sums / jnp.maximum(counts, 1.0)[:, None]

    grouped = jax.vmap(per_batch)(feats, seg)  # [B, G, H]
    return grouped

if __name__ == "__main__":
    import jax
    _d = setup_inputs()
    print(jax.jit(kernel)(*tuple(_d.values())))

</pallas_src>

<mosaic_0001>
#map = affine_map<(d0, d1) -> (0, 0, 0)>
#map1 = affine_map<(d0, d1) -> (0, 0)>
module attributes {stable_mosaic.version = 14 : i64} {
  func.func @_seg_mean_body(%arg0: i32, %arg1: i32, %arg2: memref<16x4096x256xf32, #tpu.memory_space<hbm>>, %arg3: memref<16x4096xi32, #tpu.memory_space<hbm>>, %arg4: memref<8192x256xf32, #tpu.memory_space<hbm>>, %arg5: memref<4112xi32, #tpu.memory_space<vmem>>, %arg6: memref<2x48x256xf32, #tpu.memory_space<vmem>>, %arg7: memref<256x256xf32, #tpu.memory_space<vmem>>, %arg8: memref<256x16xf32, #tpu.memory_space<vmem>>, %arg9: memref<!tpu.dma_semaphore, #tpu.memory_space<semaphore_mem>>, %arg10: memref<!tpu.dma_semaphore, #tpu.memory_space<semaphore_mem>>) attributes {dimension_semantics = [#tpu.dimension_semantics<core_parallel>, #tpu.dimension_semantics<subcore_parallel>], iteration_bounds = array<i64: 2, 16>, scalar_prefetch = 0 : i64, scratch_operands = 6 : i64, tpu.core_type = #tpu.core_type<sc_vector_subcore>, window_params = [{transform_indices = #map}, {transform_indices = #map1}, {transform_indices = #map1}]} {
    %mul3A = arith.constant 2 : i32
    %mul3A_0 = arith.muli %arg1, %mul3A : i32
    %add3A = arith.addi %mul3A_0, %arg0 : i32
    %jit3A = arith.constant 2 : i32
    %div3A = arith.divsi %add3A, %jit3A : i32
    %sign3A = arith.constant 0 : i32
    %sign3A_1 = arith.cmpi sgt, %add3A, %sign3A : i32
    %sign3A_2 = arith.extui %sign3A_1 : i1 to i32
    %sign3A_3 = arith.constant 0 : i32
    %sign3A_4 = arith.cmpi slt, %add3A, %sign3A_3 : i32
    %sign3A_5 = arith.extui %sign3A_4 : i1 to i32
    %sign3A_6 = arith.subi %sign3A_2, %sign3A_5 : i32
    %sign3A_7 = arith.constant 0 : i32
    %sign3A_8 = arith.cmpi sgt, %jit3A, %sign3A_7 : i32
    %sign3A_9 = arith.extui %sign3A_8 : i1 to i32
    %sign3A_10 = arith.constant 0 : i32
    %sign3A_11 = arith.cmpi slt, %jit3A, %sign3A_10 : i32
    %sign3A_12 = arith.extui %sign3A_11 : i1 to i32
    %sign3A_13 = arith.subi %sign3A_9, %sign3A_12 : i32
    %ne3A = arith.cmpi ne, %sign3A_6, %sign3A_13 : i32
    %rem3A = arith.remsi %add3A, %jit3A : i32
    %ne3A_14 = arith.constant 0 : i32
    %ne3A_15 = arith.cmpi ne, %rem3A, %ne3A_14 : i32
    %and3A = arith.andi %ne3A, %ne3A_15 : i1
    %sub3A = arith.constant 1 : i32
    %sub3A_16 = arith.subi %div3A, %sub3A : i32
    %select_n3A = arith.select %and3A, %sub3A_16, %div3A : i32
    %jit3A_17 = arith.constant 2 : i32
    %eq3A = arith.constant 0 : i32
    %eq3A_18 = arith.cmpi eq, %jit3A_17, %eq3A : i32
    %jit3A_19 = arith.constant 1 : i32
    %select_n3A_20 = arith.select %eq3A_18, %jit3A_19, %jit3A_17 : i32
    %rem3A_21 = arith.remsi %add3A, %select_n3A_20 : i32
    %ne3A_22 = arith.constant 0 : i32
    %ne3A_23 = arith.cmpi ne, %rem3A_21, %ne3A_22 : i32
    %lt3A = arith.constant 0 : i32
    %lt3A_24 = arith.cmpi slt, %rem3A_21, %lt3A : i32
    %lt3A_25 = arith.constant 0 : i32
    %lt3A_26 = arith.cmpi slt, %select_n3A_20, %lt3A_25 : i32
    %ne3A_27 = arith.xori %lt3A_24, %lt3A_26 : i1
    %and3A_28 = arith.andi %ne3A_27, %ne3A_23 : i1
    %add3A_29 = arith.addi %rem3A_21, %select_n3A_20 : i32
    %select_n3A_30 = arith.select %and3A_28, %add3A_29, %rem3A_21 : i32
    %mul3A_31 = arith.constant 256 : i32
    %mul3A_32 = arith.muli %select_n3A_30, %mul3A_31 : i32
    %broadcast_in_dim3A = arith.constant 0.000000e+00 : f32
    %broadcast_in_dim3A_33 = vector.broadcast %broadcast_in_dim3A : f32 to vector<16xf32>
    %broadcast_in_dim3A_34 = arith.constant 512 : i32
    %broadcast_in_dim3A_35 = vector.broadcast %broadcast_in_dim3A_34 : i32 to vector<16xi32>
    %swap3A = arith.constant 4096 : index
    %swap3A_36 = tpu.vector_load %arg5[%swap3A] {strides = array<i32>} : memref<4112xi32, #tpu.memory_space<vmem>>, vector<16xi32>,
    %swap3A_37 = vector.shape_cast %swap3A_36 : vector<16xi32> to vector<16xi32>
    %swap3A_38 = vector.shape_cast %broadcast_in_dim3A_35 : vector<16xi32> to vector<16xi32>
    tpu.vector_store %arg5[%swap3A], %swap3A_38 {strides = array<i32>} : memref<4112xi32, #tpu.memory_space<vmem>>, vector<16xi32>,
    %dma_start3A = arith.constant 0 : i32
    %dma_start3A_39 = tpu.memref_slice %arg5[%dma_start3A] : memref<4112xi32, #tpu.memory_space<vmem>> -> memref<4096xi32, #tpu.memory_space<vmem>>
    %dma_start3A_40 = arith.constant 0 : i32
    %dma_start3A_41 = tpu.memref_slice %arg3[%select_n3A, %dma_start3A_40] : memref<16x4096xi32, #tpu.memory_space<hbm>> -> memref<1x4096xi32, #tpu.memory_space<hbm>>
    %dma_start3A_42 = tpu.memref_squeeze %dma_start3A_41 : memref<1x4096xi32, #tpu.memory_space<hbm>> -> memref<4096xi32, #tpu.memory_space<hbm>>
    %dma_start3A_43 = arith.constant 0 : i32
    %dma_start3A_44 = tpu.memref_slice %arg5[%dma_start3A_43] : memref<4112xi32, #tpu.memory_space<vmem>> -> memref<4096xi32, #tpu.memory_space<vmem>>
    %dma_start3A_45 = arith.constant 0 : i32
    %dma_start3A_46 = tpu.memref_slice %arg3[%select_n3A, %dma_start3A_45] : memref<16x4096xi32, #tpu.memory_space<hbm>> -> memref<1x4096xi32, #tpu.memory_space<hbm>>
    %dma_start3A_47 = tpu.memref_squeeze %dma_start3A_46 : memref<1x4096xi32, #tpu.memory_space<hbm>> -> memref<4096xi32, #tpu.memory_space<hbm>>
    tpu.enqueue_dma source(%dma_start3A_47 : memref<4096xi32, #tpu.memory_space<hbm>>) target(%dma_start3A_44 : memref<4096xi32, #tpu.memory_space<vmem>>) target_semaphore(%arg9 : memref<!tpu.dma_semaphore, #tpu.memory_space<semaphore_mem>>)
    %scan3A = arith.constant 0 : i32
    %scan3A_48 = arith.constant 0 : i32
    %scan3A_49 = arith.constant 256 : i32
    %scan3A_50 = arith.addi %scan3A_48, %scan3A_49 : i32
    %scan3A_51 = arith.constant 1 : i32
    scf.for %scan3A_155 = %scan3A_48 to %scan3A_50 step %scan3A_51  : i32 {
      %swap3A_156 = arith.index_cast %scan3A_155 : i32 to index
      %swap3A_157 = arith.constant 0 : index
      %swap3A_158 = tpu.vector_load %arg7[%swap3A_156, %swap3A_157] {strides = array<i32>} : memref<256x256xf32, #tpu.memory_space<vmem>>, vector<1x16xf32>,
      %swap3A_159 = vector.shape_cast %swap3A_158 : vector<1x16xf32> to vector<16xf32>
      %swap3A_160 = vector.shape_cast %broadcast_in_dim3A_33 : vector<16xf32> to vector<1x16xf32>
      tpu.vector_store %arg7[%swap3A_156, %swap3A_157], %swap3A_160 {strides = array<i32>} : memref<256x256xf32, #tpu.memory_space<vmem>>, vector<1x16xf32>,
      %swap3A_161 = arith.index_cast %scan3A_155 : i32 to index
      %swap3A_162 = arith.constant 16 : index
      %swap3A_163 = tpu.vector_load %arg7[%swap3A_161, %swap3A_162] {strides = array<i32>} : memref<256x256xf32, #tpu.memory_space<vmem>>, vector<1x16xf32>,
      %swap3A_164 = vector.shape_cast %swap3A_163 : vector<1x16xf32> to vector<16xf32>
      %swap3A_165 = vector.shape_cast %broadcast_in_dim3A_33 : vector<16xf32> to vector<1x16xf32>
      tpu.vector_store %arg7[%swap3A_161, %swap3A_162], %swap3A_165 {strides = array<i32>} : memref<256x256xf32, #tpu.memory_space<vmem>>, vector<1x16xf32>,
      %swap3A_166 = arith.index_cast %scan3A_155 : i32 to index
      %swap3A_167 = arith.constant 32 : index
      %swap3A_168 = tpu.vector_load %arg7[%swap3A_166, %swap3A_167] {strides = array<i32>} : memref<256x256xf32, #tpu.memory_space<vmem>>, vector<1x16xf32>,
      %swap3A_169 = vector.shape_cast %swap3A_168 : vector<1x16xf32> to vector<16xf32>
      %swap3A_170 = vector.shape_cast %broadcast_in_dim3A_33 : vector<16xf32> to vector<1x16xf32>
      tpu.vector_store %arg7[%swap3A_166, %swap3A_167], %swap3A_170 {strides = array<i32>} : memref<256x256xf32, #tpu.memory_space<vmem>>, vector<1x16xf32>,
      %swap3A_171 = arith.index_cast %scan3A_155 : i32 to index
      %swap3A_172 = arith.constant 48 : index
      %swap3A_173 = tpu.vector_load %arg7[%swap3A_171, %swap3A_172] {strides = array<i32>} : memref<256x256xf32, #tpu.memory_space<vmem>>, vector<1x16xf32>,
      %swap3A_174 = vector.shape_cast %swap3A_173 : vector<1x16xf32> to vector<16xf32>
      %swap3A_175 = vector.shape_cast %broadcast_in_dim3A_33 : vector<16xf32> to vector<1x16xf32>
      tpu.vector_store %arg7[%swap3A_171, %swap3A_172], %swap3A_175 {strides = array<i32>} : memref<256x256xf32, #tpu.memory_space<vmem>>, vector<1x16xf32>,
      %swap3A_176 = arith.index_cast %scan3A_155 : i32 to index
      %swap3A_177 = arith.constant 64 : index
      %swap3A_178 = tpu.vector_load %arg7[%swap3A_176, %swap3A_177] {strides = array<i32>} : memref<256x256xf32, #tpu.memory_space<vmem>>, vector<1x16xf32>,
      %swap3A_179 = vector.shape_cast %swap3A_178 : vector<1x16xf32> to vector<16xf32>
      %swap3A_180 = vector.shape_cast %broadcast_in_dim3A_33 : vector<16xf32> to vector<1x16xf32>
      tpu.vector_store %arg7[%swap3A_176, %swap3A_177], %swap3A_180 {strides = array<i32>} : memref<256x256xf32, #tpu.memory_space<vmem>>, vector<1x16xf32>,
      %swap3A_181 = arith.index_cast %scan3A_155 : i32 to index
      %swap3A_182 = arith.constant 80 : index
      %swap3A_183 = tpu.vector_load %arg7[%swap3A_181, %swap3A_182] {strides = array<i32>} : memref<256x256xf32, #tpu.memory_space<vmem>>, vector<1x16xf32>,
      %swap3A_184 = vector.shape_cast %swap3A_183 : vector<1x16xf32> to vector<16xf32>
      %swap3A_185 = vector.shape_cast %broadcast_in_dim3A_33 : vector<16xf32> to vector<1x16xf32>
      tpu.vector_store %arg7[%swap3A_181, %swap3A_182], %swap3A_185 {strides = array<i32>} : memref<256x256xf32, #tpu.memory_space<vmem>>, vector<1x16xf32>,
      %swap3A_186 = arith.index_cast %scan3A_155 : i32 to index
      %swap3A_187 = arith.constant 96 : index
      %swap3A_188 = tpu.vector_load %arg7[%swap3A_186, %swap3A_187] {strides = array<i32>} : memref<256x256xf32, #tpu.memory_space<vmem>>, vector<1x16xf32>,
      %swap3A_189 = vector.shape_cast %swap3A_188 : vector<1x16xf32> to vector<16xf32>
      %swap3A_190 = vector.shape_cast %broadcast_in_dim3A_33 : vector<16xf32> to vector<1x16xf32>
      tpu.vector_store %arg7[%swap3A_186, %swap3A_187], %swap3A_190 {strides = array<i32>} : memref<256x256xf32, #tpu.memory_space<vmem>>, vector<1x16xf32>,
      %swap3A_191 = arith.index_cast %scan3A_155 : i32 to index
      %swap3A_192 = arith.constant 112 : index
      %swap3A_193 = tpu.vector_load %arg7[%swap3A_191, %swap3A_192] {strides = array<i32>} : memref<256x256xf32, #tpu.memory_space<vmem>>, vector<1x16xf32>,
      %swap3A_194 = vector.shape_cast %swap3A_193 : vector<1x16xf32> to vector<16xf32>
      %swap3A_195 = vector.shape_cast %broadcast_in_dim3A_33 : vector<16xf32> to vector<1x16xf32>
      tpu.vector_store %arg7[%swap3A_191, %swap3A_192], %swap3A_195 {strides = array<i32>} : memref<256x256xf32, #tpu.memory_space<vmem>>, vector<1x16xf32>,
      %swap3A_196 = arith.index_cast %scan3A_155 : i32 to index
      %swap3A_197 = arith.constant 128 : index
      %swap3A_198 = tpu.vector_load %arg7[%swap3A_196, %swap3A_197] {strides = array<i32>} : memref<256x256xf32, #tpu.memory_space<vmem>>, vector<1x16xf32>,
      %swap3A_199 = vector.shape_cast %swap3A_198 : vector<1x16xf32> to vector<16xf32>
      %swap3A_200 = vector.shape_cast %broadcast_in_dim3A_33 : vector<16xf32> to vector<1x16xf32>
      tpu.vector_store %arg7[%swap3A_196, %swap3A_197], %swap3A_200 {strides = array<i32>} : memref<256x256xf32, #tpu.memory_space<vmem>>, vector<1x16xf32>,
      %swap3A_201 = arith.index_cast %scan3A_155 : i32 to index
      %swap3A_202 = arith.constant 144 : index
      %swap3A_203 = tpu.vector_load %arg7[%swap3A_201, %swap3A_202] {strides = array<i32>} : memref<256x256xf32, #tpu.memory_space<vmem>>, vector<1x16xf32>,
      %swap3A_204 = vector.shape_cast %swap3A_203 : vector<1x16xf32> to vector<16xf32>
      %swap3A_205 = vector.shape_cast %broadcast_in_dim3A_33 : vector<16xf32> to vector<1x16xf32>
      tpu.vector_store %arg7[%swap3A_201, %swap3A_202], %swap3A_205 {strides = array<i32>} : memref<256x256xf32, #tpu.memory_space<vmem>>, vector<1x16xf32>,
      %swap3A_206 = arith.index_cast %scan3A_155 : i32 to index
      %swap3A_207 = arith.constant 160 : index
      %swap3A_208 = tpu.vector_load %arg7[%swap3A_206, %swap3A_207] {strides = array<i32>} : memref<256x256xf32, #tpu.memory_space<vmem>>, vector<1x16xf32>,
      %swap3A_209 = vector.shape_cast %swap3A_208 : vector<1x16xf32> to vector<16xf32>
      %swap3A_210 = vector.shape_cast %broadcast_in_dim3A_33 : vector<16xf32> to vector<1x16xf32>
      tpu.vector_store %arg7[%swap3A_206, %swap3A_207], %swap3A_210 {strides = array<i32>} : memref<256x256xf32, #tpu.memory_space<vmem>>, vector<1x16xf32>,
      %swap3A_211 = arith.index_cast %scan3A_155 : i32 to index
      %swap3A_212 = arith.constant 176 : index
      %swap3A_213 = tpu.vector_load %arg7[%swap3A_211, %swap3A_212] {strides = array<i32>} : memref<256x256xf32, #tpu.memory_space<vmem>>, vector<1x16xf32>,
      %swap3A_214 = vector.shape_cast %swap3A_213 : vector<1x16xf32> to vector<16xf32>
      %swap3A_215 = vector.shape_cast %broadcast_in_dim3A_33 : vector<16xf32> to vector<1x16xf32>
      tpu.vector_store %arg7[%swap3A_211, %swap3A_212], %swap3A_215 {strides = array<i32>} : memref<256x256xf32, #tpu.memory_space<vmem>>, vector<1x16xf32>,
      %swap3A_216 = arith.index_cast %scan3A_155 : i32 to index
      %swap3A_217 = arith.constant 192 : index
      %swap3A_218 = tpu.vector_load %arg7[%swap3A_216, %swap3A_217] {strides = array<i32>} : memref<256x256xf32, #tpu.memory_space<vmem>>, vector<1x16xf32>,
      %swap3A_219 = vector.shape_cast %swap3A_218 : vector<1x16xf32> to vector<16xf32>
      %swap3A_220 = vector.shape_cast %broadcast_in_dim3A_33 : vector<16xf32> to vector<1x16xf32>
      tpu.vector_store %arg7[%swap3A_216, %swap3A_217], %swap3A_220 {strides = array<i32>} : memref<256x256xf32, #tpu.memory_space<vmem>>, vector<1x16xf32>,
      %swap3A_221 = arith.index_cast %scan3A_155 : i32 to index
      %swap3A_222 = arith.constant 208 : index
      %swap3A_223 = tpu.vector_load %arg7[%swap3A_221, %swap3A_222] {strides = array<i32>} : memref<256x256xf32, #tpu.memory_space<vmem>>, vector<1x16xf32>,
      %swap3A_224 = vector.shape_cast %swap3A_223 : vector<1x16xf32> to vector<16xf32>
      %swap3A_225 = vector.shape_cast %broadcast_in_dim3A_33 : vector<16xf32> to vector<1x16xf32>
      tpu.vector_store %arg7[%swap3A_221, %swap3A_222], %swap3A_225 {strides = array<i32>} : memref<256x256xf32, #tpu.memory_space<vmem>>, vector<1x16xf32>,
      %swap3A_226 = arith.index_cast %scan3A_155 : i32 to index
      %swap3A_227 = arith.constant 224 : index
      %swap3A_228 = tpu.vector_load %arg7[%swap3A_226, %swap3A_227] {strides = array<i32>} : memref<256x256xf32, #tpu.memory_space<vmem>>, vector<1x16xf32>,
      %swap3A_229 = vector.shape_cast %swap3A_228 : vector<1x16xf32> to vector<16xf32>
      %swap3A_230 = vector.shape_cast %broadcast_in_dim3A_33 : vector<16xf32> to vector<1x16xf32>
      tpu.vector_store %arg7[%swap3A_226, %swap3A_227], %swap3A_230 {strides = array<i32>} : memref<256x256xf32, #tpu.memory_space<vmem>>, vector<1x16xf32>,
      %swap3A_231 = arith.index_cast %scan3A_155 : i32 to index
      %swap3A_232 = arith.constant 240 : index
      %swap3A_233 = tpu.vector_load %arg7[%swap3A_231, %swap3A_232] {strides = array<i32>} : memref<256x256xf32, #tpu.memory_space<vmem>>, vector<1x16xf32>,
      %swap3A_234 = vector.shape_cast %swap3A_233 : vector<1x16xf32> to vector<16xf32>
      %swap3A_235 = vector.shape_cast %broadcast_in_dim3A_33 : vector<16xf32> to vector<1x16xf32>
      tpu.vector_store %arg7[%swap3A_231, %swap3A_232], %swap3A_235 {strides = array<i32>} : memref<256x256xf32, #tpu.memory_space<vmem>>, vector<1x16xf32>,
      %swap3A_236 = arith.index_cast %scan3A_155 : i32 to index
      %swap3A_237 = arith.constant 0 : index
      %swap3A_238 = tpu.vector_load %arg8[%swap3A_236, %swap3A_237] {strides = array<i32>} : memref<256x16xf32, #tpu.memory_space<vmem>>, vector<1x16xf32>,
      %swap3A_239 = vector.shape_cast %swap3A_238 : vector<1x16xf32> to vector<16xf32>
      %swap3A_240 = vector.shape_cast %broadcast_in_dim3A_33 : vector<16xf32> to vector<1x16xf32>
      tpu.vector_store %arg8[%swap3A_236, %swap3A_237], %swap3A_240 {strides = array<i32>} : memref<256x16xf32, #tpu.memory_space<vmem>>, vector<1x16xf32>,
    }
    %scan3A_52 = arith.constant 256 : i32
    %dma_wait3A = arith.constant 0 : i32
    %dma_wait3A_53 = tpu.memref_slice %arg5[%dma_wait3A] : memref<4112xi32, #tpu.memory_space<vmem>> -> memref<4096xi32, #tpu.memory_space<vmem>>
    %dma_wait3A_54 = arith.constant 0 : i32
    %dma_wait3A_55 = tpu.memref_slice %arg3[%select_n3A, %dma_wait3A_54] : memref<16x4096xi32, #tpu.memory_space<hbm>> -> memref<1x4096xi32, #tpu.memory_space<hbm>>
    %dma_wait3A_56 = tpu.memref_squeeze %dma_wait3A_55 : memref<1x4096xi32, #tpu.memory_space<hbm>> -> memref<4096xi32, #tpu.memory_space<hbm>>
    %dma_wait3A_57 = arith.constant 0 : i32
    %dma_wait3A_58 = tpu.memref_slice %arg5[%dma_wait3A_57] : memref<4112xi32, #tpu.memory_space<vmem>> -> memref<4096xi32, #tpu.memory_space<vmem>>
    %dma_wait3A_59 = arith.constant 0 : i32
    %dma_wait3A_60 = tpu.memref_slice %arg3[%select_n3A, %dma_wait3A_59] : memref<16x4096xi32, #tpu.memory_space<hbm>> -> memref<1x4096xi32, #tpu.memory_space<hbm>>
    %dma_wait3A_61 = tpu.memref_squeeze %dma_wait3A_60 : memref<1x4096xi32, #tpu.memory_space<hbm>> -> memref<4096xi32, #tpu.memory_space<hbm>>
    tpu.wait_dma2 semaphore(%arg9 : memref<!tpu.dma_semaphore, #tpu.memory_space<semaphore_mem>>) src(%dma_wait3A_61 : memref<4096xi32, #tpu.memory_space<hbm>>) dst(%dma_wait3A_58 : memref<4096xi32, #tpu.memory_space<vmem>>)
    %scan3A_62 = arith.constant 0 : i32
    %scan3A_63 = arith.constant 4096 : i32
    %scan3A_64 = arith.constant 0 : i32
    %scan3A_65 = arith.constant 13 : i32
    %scan3A_66 = arith.addi %scan3A_64, %scan3A_65 : i32
    %scan3A_67 = arith.constant 1 : i32
    %scan3A_68:2 = scf.for %scan3A_155 = %scan3A_64 to %scan3A_66 step %scan3A_67 iter_args(%scan3A_156 = %scan3A_62, %scan3A_157 = %scan3A_63) -> (i32, i32)  : i32 {
      %add3A_158 = arith.addi %scan3A_156, %scan3A_157 : i32
      %jit3A_159 = arith.constant 2 : i32
      %div3A_160 = arith.divsi %add3A_158, %jit3A_159 : i32
      %sign3A_161 = arith.constant 0 : i32
      %sign3A_162 = arith.cmpi sgt, %add3A_158, %sign3A_161 : i32
      %sign3A_163 = arith.extui %sign3A_162 : i1 to i32
      %sign3A_164 = arith.constant 0 : i32
      %sign3A_165 = arith.cmpi slt, %add3A_158, %sign3A_164 : i32
      %sign3A_166 = arith.extui %sign3A_165 : i1 to i32
      %sign3A_167 = arith.subi %sign3A_163, %sign3A_166 : i32
      %sign3A_168 = arith.constant 0 : i32
      %sign3A_169 = arith.cmpi sgt, %jit3A_159, %sign3A_168 : i32
      %sign3A_170 = arith.extui %sign3A_169 : i1 to i32
      %sign3A_171 = arith.constant 0 : i32
      %sign3A_172 = arith.cmpi slt, %jit3A_159, %sign3A_171 : i32
      %sign3A_173 = arith.extui %sign3A_172 : i1 to i32
      %sign3A_174 = arith.subi %sign3A_170, %sign3A_173 : i32
      %ne3A_175 = arith.cmpi ne, %sign3A_167, %sign3A_174 : i32
      %rem3A_176 = arith.remsi %add3A_158, %jit3A_159 : i32
      %ne3A_177 = arith.constant 0 : i32
      %ne3A_178 = arith.cmpi ne, %rem3A_176, %ne3A_177 : i32
      %and3A_179 = arith.andi %ne3A_175, %ne3A_178 : i1
      %sub3A_180 = arith.constant 1 : i32
      %sub3A_181 = arith.subi %div3A_160, %sub3A_180 : i32
      %select_n3A_182 = arith.select %and3A_179, %sub3A_181, %div3A_160 : i32
      %min3A = arith.constant 4095 : i32
      %min3A_183 = arith.minsi %select_n3A_182, %min3A : i32
      %get3A = arith.index_cast %min3A_183 : i32 to index
      %get3A_184 = tpu.vector_load %arg5[%get3A] {strides = array<i32>} : memref<4112xi32, #tpu.memory_space<vmem>>, vector<16xi32>,
      %get3A_185 = vector.shape_cast %get3A_184 : vector<16xi32> to vector<16xi32>
      %slice3A = vector.extract_strided_slice %get3A_185 {offsets = [0], sizes = [1], strides = [1]} : vector<16xi32> to vector<1xi32>
      %squeeze3A = vector.extract %slice3A[0] : i32 from vector<1xi32>
      %lt3A_186 = arith.cmpi slt, %scan3A_156, %scan3A_157 : i32
      %lt3A_187 = arith.cmpi slt, %squeeze3A, %mul3A_32 : i32
      %and3A_188 = arith.andi %lt3A_186, %lt3A_187 : i1
      %add3A_189 = arith.constant 1 : i32
      %add3A_190 = arith.addi %select_n3A_182, %add3A_189 : i32
      %select_n3A_191 = arith.select %and3A_188, %add3A_190, %scan3A_156 : i32
      %not3A = arith.constant true
      %not3A_192 = arith.xori %lt3A_187, %not3A : i1
      %and3A_193 = arith.andi %lt3A_186, %not3A_192 : i1
      %select_n3A_194 = arith.select %and3A_193, %select_n3A_182, %scan3A_157 : i32
      scf.yield %select_n3A_191, %select_n3A_194 : i32, i32
    }
    %scan3A_69 = arith.constant 13 : i32
    %add3A_70 = arith.constant 256 : i32
    %add3A_71 = arith.addi %mul3A_32, %add3A_70 : i32
    %scan3A_72 = arith.constant 0 : i32
    %scan3A_73 = arith.constant 4096 : i32
    %scan3A_74 = arith.constant 0 : i32
    %scan3A_75 = arith.constant 13 : i32
    %scan3A_76 = arith.addi %scan3A_74, %scan3A_75 : i32
    %scan3A_77 = arith.constant 1 : i32
    %scan3A_78:2 = scf.for %scan3A_155 = %scan3A_74 to %scan3A_76 step %scan3A_77 iter_args(%scan3A_156 = %scan3A_72, %scan3A_157 = %scan3A_73) -> (i32, i32)  : i32 {
      %add3A_158 = arith.addi %scan3A_156, %scan3A_157 : i32
      %jit3A_159 = arith.constant 2 : i32
      %div3A_160 = arith.divsi %add3A_158, %jit3A_159 : i32
      %sign3A_161 = arith.constant 0 : i32
      %sign3A_162 = arith.cmpi sgt, %add3A_158, %sign3A_161 : i32
      %sign3A_163 = arith.extui %sign3A_162 : i1 to i32
      %sign3A_164 = arith.constant 0 : i32
      %sign3A_165 = arith.cmpi slt, %add3A_158, %sign3A_164 : i32
      %sign3A_166 = arith.extui %sign3A_165 : i1 to i32
      %sign3A_167 = arith.subi %sign3A_163, %sign3A_166 : i32
      %sign3A_168 = arith.constant 0 : i32
      %sign3A_169 = arith.cmpi sgt, %jit3A_159, %sign3A_168 : i32
      %sign3A_170 = arith.extui %sign3A_169 : i1 to i32
      %sign3A_171 = arith.constant 0 : i32
      %sign3A_172 = arith.cmpi slt, %jit3A_159, %sign3A_171 : i32
      %sign3A_173 = arith.extui %sign3A_172 : i1 to i32
      %sign3A_174 = arith.subi %sign3A_170, %sign3A_173 : i32
      %ne3A_175 = arith.cmpi ne, %sign3A_167, %sign3A_174 : i32
      %rem3A_176 = arith.remsi %add3A_158, %jit3A_159 : i32
      %ne3A_177 = arith.constant 0 : i32
      %ne3A_178 = arith.cmpi ne, %rem3A_176, %ne3A_177 : i32
      %and3A_179 = arith.andi %ne3A_175, %ne3A_178 : i1
      %sub3A_180 = arith.constant 1 : i32
      %sub3A_181 = arith.subi %div3A_160, %sub3A_180 : i32
      %select_n3A_182 = arith.select %and3A_179, %sub3A_181, %div3A_160 : i32
      %min3A = arith.constant 4095 : i32
      %min3A_183 = arith.minsi %select_n3A_182, %min3A : i32
      %get3A = arith.index_cast %min3A_183 : i32 to index
      %get3A_184 = tpu.vector_load %arg5[%get3A] {strides = array<i32>} : memref<4112xi32, #tpu.memory_space<vmem>>, vector<16xi32>,
      %get3A_185 = vector.shape_cast %get3A_184 : vector<16xi32> to vector<16xi32>
      %slice3A = vector.extract_strided_slice %get3A_185 {offsets = [0], sizes = [1], strides = [1]} : vector<16xi32> to vector<1xi32>
      %squeeze3A = vector.extract %slice3A[0] : i32 from vector<1xi32>
      %lt3A_186 = arith.cmpi slt, %scan3A_156, %scan3A_157 : i32
      %lt3A_187 = arith.cmpi slt, %squeeze3A, %add3A_71 : i32
      %and3A_188 = arith.andi %lt3A_186, %lt3A_187 : i1
      %add3A_189 = arith.constant 1 : i32
      %add3A_190 = arith.addi %select_n3A_182, %add3A_189 : i32
      %select_n3A_191 = arith.select %and3A_188, %add3A_190, %scan3A_156 : i32
      %not3A = arith.constant true
      %not3A_192 = arith.xori %lt3A_187, %not3A : i1
      %and3A_193 = arith.andi %lt3A_186, %not3A_192 : i1
      %select_n3A_194 = arith.select %and3A_193, %select_n3A_182, %scan3A_157 : i32
      scf.yield %select_n3A_191, %select_n3A_194 : i32, i32
    }
    %scan3A_79 = arith.constant 13 : i32
    %jit3A_80 = arith.constant 8 : i32
    %div3A_81 = arith.divsi %scan3A_68#0, %jit3A_80 : i32
    %sign3A_82 = arith.constant 0 : i32
    %sign3A_83 = arith.cmpi sgt, %scan3A_68#0, %sign3A_82 : i32
    %sign3A_84 = arith.extui %sign3A_83 : i1 to i32
    %sign3A_85 = arith.constant 0 : i32
    %sign3A_86 = arith.cmpi slt, %scan3A_68#0, %sign3A_85 : i32
    %sign3A_87 = arith.extui %sign3A_86 : i1 to i32
    %sign3A_88 = arith.subi %sign3A_84, %sign3A_87 : i32
    %sign3A_89 = arith.constant 0 : i32
    %sign3A_90 = arith.cmpi sgt, %jit3A_80, %sign3A_89 : i32
    %sign3A_91 = arith.extui %sign3A_90 : i1 to i32
    %sign3A_92 = arith.constant 0 : i32
    %sign3A_93 = arith.cmpi slt, %jit3A_80, %sign3A_92 : i32
    %sign3A_94 = arith.extui %sign3A_93 : i1 to i32
    %sign3A_95 = arith.subi %sign3A_91, %sign3A_94 : i32
    %ne3A_96 = arith.cmpi ne, %sign3A_88, %sign3A_95 : i32
    %rem3A_97 = arith.remsi %scan3A_68#0, %jit3A_80 : i32
    %ne3A_98 = arith.constant 0 : i32
    %ne3A_99 = arith.cmpi ne, %rem3A_97, %ne3A_98 : i32
    %and3A_100 = arith.andi %ne3A_96, %ne3A_99 : i1
    %sub3A_101 = arith.constant 1 : i32
    %sub3A_102 = arith.subi %div3A_81, %sub3A_101 : i32
    %select_n3A_103 = arith.select %and3A_100, %sub3A_102, %div3A_81 : i32
    %mul3A_104 = arith.constant 8 : i32
    %mul3A_105 = arith.muli %select_n3A_103, %mul3A_104 : i32
    %sub3A_106 = arith.subi %scan3A_78#0, %mul3A_105 : i32
    %add3A_107 = arith.constant 48 : i32
    %add3A_108 = arith.addi %sub3A_106, %add3A_107 : i32
    %sub3A_109 = arith.constant 1 : i32
    %sub3A_110 = arith.subi %add3A_108, %sub3A_109 : i32
    %jit3A_111 = arith.constant 48 : i32
    %div3A_112 = arith.divsi %sub3A_110, %jit3A_111 : i32
    %sign3A_113 = arith.constant 0 : i32
    %sign3A_114 = arith.cmpi sgt, %sub3A_110, %sign3A_113 : i32
    %sign3A_115 = arith.extui %sign3A_114 : i1 to i32
    %sign3A_116 = arith.constant 0 : i32
    %sign3A_117 = arith.cmpi slt, %sub3A_110, %sign3A_116 : i32
    %sign3A_118 = arith.extui %sign3A_117 : i1 to i32
    %sign3A_119 = arith.subi %sign3A_115, %sign3A_118 : i32
    %sign3A_120 = arith.constant 0 : i32
    %sign3A_121 = arith.cmpi sgt, %jit3A_111, %sign3A_120 : i32
    %sign3A_122 = arith.extui %sign3A_121 : i1 to i32
    %sign3A_123 = arith.constant 0 : i32
    %sign3A_124 = arith.cmpi slt, %jit3A_111, %sign3A_123 : i32
    %sign3A_125 = arith.extui %sign3A_124 : i1 to i32
    %sign3A_126 = arith.subi %sign3A_122, %sign3A_125 : i32
    %ne3A_127 = arith.cmpi ne, %sign3A_119, %sign3A_126 : i32
    %rem3A_128 = arith.remsi %sub3A_110, %jit3A_111 : i32
    %ne3A_129 = arith.constant 0 : i32
    %ne3A_130 = arith.cmpi ne, %rem3A_128, %ne3A_129 : i32
    %and3A_131 = arith.andi %ne3A_127, %ne3A_130 : i1
    %sub3A_132 = arith.constant 1 : i32
    %sub3A_133 = arith.subi %div3A_112, %sub3A_132 : i32
    %select_n3A_134 = arith.select %and3A_131, %sub3A_133, %div3A_112 : i32
    %gt3A = arith.constant 0 : i32
    %gt3A_135 = arith.cmpi sgt, %select_n3A_134, %gt3A : i32
    %convert_element_type3A = arith.extui %gt3A_135 : i1 to i32
    %cond3A = arith.constant 0 : i32
    %cond3A_136 = arith.cmpi ne, %convert_element_type3A, %cond3A : i32
    scf.if %cond3A_136 {
      %add3A_155 = arith.constant 0 : i32
      %add3A_156 = arith.addi %mul3A_105, %add3A_155 : i32
      %min3A = arith.constant 4048 : i32
      %min3A_157 = arith.minsi %add3A_156, %min3A : i32
      %multiple_of3A = tpu.assume_multiple %min3A_157, 8 : i32
      %dma_start3A_158 = arith.constant 0 : i32
      %dma_start3A_159 = arith.constant 0 : i32
      %dma_start3A_160 = arith.constant 0 : i32
      %dma_start3A_161 = tpu.memref_slice %arg6[%dma_start3A_158, %dma_start3A_159, %dma_start3A_160] : memref<2x48x256xf32, #tpu.memory_space<vmem>> -> memref<1x48x256xf32, #tpu.memory_space<vmem>>
      %dma_start3A_162 = tpu.memref_squeeze %dma_start3A_161 : memref<1x48x256xf32, #tpu.memory_space<vmem>> -> memref<48x256xf32, #tpu.memory_space<vmem>>
      %dma_start3A_163 = arith.constant 0 : i32
      %dma_start3A_164 = tpu.memref_slice %arg2[%select_n3A, %multiple_of3A, %dma_start3A_163] : memref<16x4096x256xf32, #tpu.memory_space<hbm>> -> memref<1x48x256xf32, #tpu.memory_space<hbm>>
      %dma_start3A_165 = tpu.memref_squeeze %dma_start3A_164 : memref<1x48x256xf32, #tpu.memory_space<hbm>> -> memref<48x256xf32, #tpu.memory_space<hbm>>
      %dma_start3A_166 = arith.constant 0 : i32
      %dma_start3A_167 = arith.constant 0 : i32
      %dma_start3A_168 = tpu.memref_slice %arg6[%dma_start3A_158, %dma_start3A_166, %dma_start3A_167] : memref<2x48x256xf32, #tpu.memory_space<vmem>> -> memref<1x48x256xf32, #tpu.memory_space<vmem>>
      %dma_start3A_169 = tpu.memref_squeeze %dma_start3A_168 : memref<1x48x256xf32, #tpu.memory_space<vmem>> -> memref<48x256xf32, #tpu.memory_space<vmem>>
      %dma_start3A_170 = arith.constant 0 : i32
      %dma_start3A_171 = tpu.memref_slice %arg2[%select_n3A, %multiple_of3A, %dma_start3A_170] : memref<16x4096x256xf32, #tpu.memory_space<hbm>> -> memref<1x48x256xf32, #tpu.memory_space<hbm>>
      %dma_start3A_172 = tpu.memref_squeeze %dma_start3A_171 : memref<1x48x256xf32, #tpu.memory_space<hbm>> -> memref<48x256xf32, #tpu.memory_space<hbm>>
      tpu.enqueue_dma source(%dma_start3A_172 : memref<48x256xf32, #tpu.memory_space<hbm>>) target(%dma_start3A_169 : memref<48x256xf32, #tpu.memory_space<vmem>>) target_semaphore(%arg9 : memref<!tpu.dma_semaphore, #tpu.memory_space<semaphore_mem>>)
    } else {
    }
    %while3A = arith.constant 0 : i32
    %while3A_137 = arith.constant 0 : i32
    %while3A_138 = arith.subi %select_n3A_134, %while3A_137 : i32
    %while3A_139 = arith.addi %while3A_137, %while3A_138 : i32
    %while3A_140 = arith.constant 1 : i32
    %while3A_141 = arith.divsi %while3A_138, %while3A_140 : i32
    %while3A_142 = arith.muli %while3A_141, %while3A_140 : i32
    %while3A_143 = arith.addi %while3A_137, %while3A_142 : i32
    %while3A_144 = arith.constant 1 : i32
    scf.for %while3A_155 = %while3A_137 to %while3A_143 step %while3A_144  : i32 {
      %mul3A_156 = arith.constant 48 : i32
      %mul3A_157 = arith.muli %while3A_155, %mul3A_156 : i32
      %add3A_158 = arith.addi %mul3A_105, %mul3A_157 : i32
      %min3A = arith.constant 4048 : i32
      %min3A_159 = arith.minsi %add3A_158, %min3A : i32
      %multiple_of3A = tpu.assume_multiple %min3A_159, 8 : i32
      %rem3A_160 = arith.constant 2 : i32
      %rem3A_161 = arith.remsi %while3A_155, %rem3A_160 : i32
      %mul3A_162 = arith.constant 48 : i32
      %mul3A_163 = arith.muli %while3A_155, %mul3A_162 : i32
      %add3A_164 = arith.addi %mul3A_105, %mul3A_163 : i32
      %max3A = arith.maxsi %scan3A_68#0, %add3A_164 : i32
      %mul3A_165 = arith.constant 48 : i32
      %mul3A_166 = arith.muli %while3A_155, %mul3A_165 : i32
      %add3A_167 = arith.addi %mul3A_105, %mul3A_166 : i32
      %add3A_168 = arith.constant 48 : i32
      %add3A_169 = arith.addi %add3A_167, %add3A_168 : i32
      %min3A_170 = arith.minsi %scan3A_78#0, %add3A_169 : i32
      %eq3A_171 = arith.constant 0 : i32
      %eq3A_172 = arith.cmpi eq, %rem3A_161, %eq3A_171 : i32
      %convert_element_type3A_173 = arith.extui %eq3A_172 : i1 to i32
      %cond3A_174 = arith.constant 0 : i32
      %cond3A_175 = arith.cmpi ne, %convert_element_type3A_173, %cond3A_174 : i32
      scf.if %cond3A_175 {
        %dma_wait3A_204 = arith.constant 0 : i32
        %dma_wait3A_205 = arith.constant 0 : i32
        %dma_wait3A_206 = arith.constant 0 : i32
        %dma_wait3A_207 = tpu.memref_slice %arg6[%dma_wait3A_204, %dma_wait3A_205, %dma_wait3A_206] : memref<2x48x256xf32, #tpu.memory_space<vmem>> -> memref<1x48x256xf32, #tpu.memory_space<vmem>>
        %dma_wait3A_208 = tpu.memref_squeeze %dma_wait3A_207 : memref<1x48x256xf32, #tpu.memory_space<vmem>> -> memref<48x256xf32, #tpu.memory_space<vmem>>
        %dma_wait3A_209 = arith.constant 0 : i32
        %dma_wait3A_210 = tpu.memref_slice %arg2[%select_n3A, %multiple_of3A, %dma_wait3A_209] : memref<16x4096x256xf32, #tpu.memory_space<hbm>> -> memref<1x48x256xf32, #tpu.memory_space<hbm>>
        %dma_wait3A_211 = tpu.memref_squeeze %dma_wait3A_210 : memref<1x48x256xf32, #tpu.memory_space<hbm>> -> memref<48x256xf32, #tpu.memory_space<hbm>>
        %dma_wait3A_212 = arith.constant 0 : i32
        %dma_wait3A_213 = arith.constant 0 : i32
        %dma_wait3A_214 = tpu.memref_slice %arg6[%dma_wait3A_204, %dma_wait3A_212, %dma_wait3A_213] : memref<2x48x256xf32, #tpu.memory_space<vmem>> -> memref<1x48x256xf32, #tpu.memory_space<vmem>>
        %dma_wait3A_215 = tpu.memref_squeeze %dma_wait3A_214 : memref<1x48x256xf32, #tpu.memory_space<vmem>> -> memref<48x256xf32, #tpu.memory_space<vmem>>
        %dma_wait3A_216 = arith.constant 0 : i32
        %dma_wait3A_217 = tpu.memref_slice %arg2[%select_n3A, %multiple_of3A, %dma_wait3A_216] : memref<16x4096x256xf32, #tpu.memory_space<hbm>> -> memref<1x48x256xf32, #tpu.memory_space<hbm>>
        %dma_wait3A_218 = tpu.memref_squeeze %dma_wait3A_217 : memref<1x48x256xf32, #tpu.memory_space<hbm>> -> memref<48x256xf32, #tpu.memory_space<hbm>>
        tpu.wait_dma2 semaphore(%arg9 : memref<!tpu.dma_semaphore, #tpu.memory_space<semaphore_mem>>) src(%dma_wait3A_218 : memref<48x256xf32, #tpu.memory_space<hbm>>) dst(%dma_wait3A_215 : memref<48x256xf32, #tpu.memory_space<vmem>>)
        %add3A_219 = arith.constant 1 : i32
        %add3A_220 = arith.addi %while3A_155, %add3A_219 : i32
        %lt3A_221 = arith.cmpi slt, %add3A_220, %select_n3A_134 : i32
        %convert_element_type3A_222 = arith.extui %lt3A_221 : i1 to i32
        %cond3A_223 = arith.constant 0 : i32
        %cond3A_224 = arith.cmpi ne, %convert_element_type3A_222, %cond3A_223 : i32
        scf.if %cond3A_224 {
          %add3A_225 = arith.constant 1 : i32
          %add3A_226 = arith.addi %while3A_155, %add3A_225 : i32
          %mul3A_227 = arith.constant 48 : i32
          %mul3A_228 = arith.muli %add3A_226, %mul3A_227 : i32
          %add3A_229 = arith.addi %mul3A_105, %mul3A_228 : i32
          %min3A_230 = arith.constant 4048 : i32
          %min3A_231 = arith.minsi %add3A_229, %min3A_230 : i32
          %multiple_of3A_232 = tpu.assume_multiple %min3A_231, 8 : i32
          %dma_start3A_233 = arith.constant 1 : i32
          %dma_start3A_234 = arith.constant 0 : i32
          %dma_start3A_235 = arith.constant 0 : i32
          %dma_start3A_236 = tpu.memref_slice %arg6[%dma_start3A_233, %dma_start3A_234, %dma_start3A_235] : memref<2x48x256xf32, #tpu.memory_space<vmem>> -> memref<1x48x256xf32, #tpu.memory_space<vmem>>
          %dma_start3A_237 = tpu.memref_squeeze %dma_start3A_236 : memref<1x48x256xf32, #tpu.memory_space<vmem>> -> memref<48x256xf32, #tpu.memory_space<vmem>>
          %dma_start3A_238 = arith.constant 0 : i32
          %dma_start3A_239 = tpu.memref_slice %arg2[%select_n3A, %multiple_of3A_232, %dma_start3A_238] : memref<16x4096x256xf32, #tpu.memory_space<hbm>> -> memref<1x48x256xf32, #tpu.memory_space<hbm>>
          %dma_start3A_240 = tpu.memref_squeeze %dma_start3A_239 : memref<1x48x256xf32, #tpu.memory_space<hbm>> -> memref<48x256xf32, #tpu.memory_space<hbm>>
          %dma_start3A_241 = arith.constant 0 : i32
          %dma_start3A_242 = arith.constant 0 : i32
          %dma_start3A_243 = tpu.memref_slice %arg6[%dma_start3A_233, %dma_start3A_241, %dma_start3A_242] : memref<2x48x256xf32, #tpu.memory_space<vmem>> -> memref<1x48x256xf32, #tpu.memory_space<vmem>>
          %dma_start3A_244 = tpu.memref_squeeze %dma_start3A_243 : memref<1x48x256xf32, #tpu.memory_space<vmem>> -> memref<48x256xf32, #tpu.memory_space<vmem>>
          %dma_start3A_245 = arith.constant 0 : i32
          %dma_start3A_246 = tpu.memref_slice %arg2[%select_n3A, %multiple_of3A_232, %dma_start3A_245] : memref<16x4096x256xf32, #tpu.memory_space<hbm>> -> memref<1x48x256xf32, #tpu.memory_space<hbm>>
          %dma_start3A_247 = tpu.memref_squeeze %dma_start3A_246 : memref<1x48x256xf32, #tpu.memory_space<hbm>> -> memref<48x256xf32, #tpu.memory_space<hbm>>
          tpu.enqueue_dma source(%dma_start3A_247 : memref<48x256xf32, #tpu.memory_space<hbm>>) target(%dma_start3A_244 : memref<48x256xf32, #tpu.memory_space<vmem>>) target_semaphore(%arg10 : memref<!tpu.dma_semaphore, #tpu.memory_space<semaphore_mem>>)
        } else {
        }
      } else {
      }
      %eq3A_176 = arith.constant 1 : i32
      %eq3A_177 = arith.cmpi eq, %rem3A_161, %eq3A_176 : i32
      %convert_element_type3A_178 = arith.extui %eq3A_177 : i1 to i32
      %cond3A_179 = arith.constant 0 : i32
      %cond3A_180 = arith.cmpi ne, %convert_element_type3A_178, %cond3A_179 : i32
      scf.if %cond3A_180 {
        %dma_wait3A_204 = arith.constant 1 : i32
        %dma_wait3A_205 = arith.constant 0 : i32
        %dma_wait3A_206 = arith.constant 0 : i32
        %dma_wait3A_207 = tpu.memref_slice %arg6[%dma_wait3A_204, %dma_wait3A_205, %dma_wait3A_206] : memref<2x48x256xf32, #tpu.memory_space<vmem>> -> memref<1x48x256xf32, #tpu.memory_space<vmem>>
        %dma_wait3A_208 = tpu.memref_squeeze %dma_wait3A_207 : memref<1x48x256xf32, #tpu.memory_space<vmem>> -> memref<48x256xf32, #tpu.memory_space<vmem>>
        %dma_wait3A_209 = arith.constant 0 : i32
        %dma_wait3A_210 = tpu.memref_slice %arg2[%select_n3A, %multiple_of3A, %dma_wait3A_209] : memref<16x4096x256xf32, #tpu.memory_space<hbm>> -> memref<1x48x256xf32, #tpu.memory_space<hbm>>
        %dma_wait3A_211 = tpu.memref_squeeze %dma_wait3A_210 : memref<1x48x256xf32, #tpu.memory_space<hbm>> -> memref<48x256xf32, #tpu.memory_space<hbm>>
        %dma_wait3A_212 = arith.constant 0 : i32
        %dma_wait3A_213 = arith.constant 0 : i32
        %dma_wait3A_214 = tpu.memref_slice %arg6[%dma_wait3A_204, %dma_wait3A_212, %dma_wait3A_213] : memref<2x48x256xf32, #tpu.memory_space<vmem>> -> memref<1x48x256xf32, #tpu.memory_space<vmem>>
        %dma_wait3A_215 = tpu.memref_squeeze %dma_wait3A_214 : memref<1x48x256xf32, #tpu.memory_space<vmem>> -> memref<48x256xf32, #tpu.memory_space<vmem>>
        %dma_wait3A_216 = arith.constant 0 : i32
        %dma_wait3A_217 = tpu.memref_slice %arg2[%select_n3A, %multiple_of3A, %dma_wait3A_216] : memref<16x4096x256xf32, #tpu.memory_space<hbm>> -> memref<1x48x256xf32, #tpu.memory_space<hbm>>
        %dma_wait3A_218 = tpu.memref_squeeze %dma_wait3A_217 : memref<1x48x256xf32, #tpu.memory_space<hbm>> -> memref<48x256xf32, #tpu.memory_space<hbm>>
        tpu.wait_dma2 semaphore(%arg10 : memref<!tpu.dma_semaphore, #tpu.memory_space<semaphore_mem>>) src(%dma_wait3A_218 : memref<48x256xf32, #tpu.memory_space<hbm>>) dst(%dma_wait3A_215 : memref<48x256xf32, #tpu.memory_space<vmem>>)
        %add3A_219 = arith.constant 1 : i32
        %add3A_220 = arith.addi %while3A_155, %add3A_219 : i32
        %lt3A_221 = arith.cmpi slt, %add3A_220, %select_n3A_134 : i32
        %convert_element_type3A_222 = arith.extui %lt3A_221 : i1 to i32
        %cond3A_223 = arith.constant 0 : i32
        %cond3A_224 = arith.cmpi ne, %convert_element_type3A_222, %cond3A_223 : i32
        scf.if %cond3A_224 {
          %add3A_225 = arith.constant 1 : i32
          %add3A_226 = arith.addi %while3A_155, %add3A_225 : i32
          %mul3A_227 = arith.constant 48 : i32
          %mul3A_228 = arith.muli %add3A_226, %mul3A_227 : i32
          %add3A_229 = arith.addi %mul3A_105, %mul3A_228 : i32
          %min3A_230 = arith.constant 4048 : i32
          %min3A_231 = arith.minsi %add3A_229, %min3A_230 : i32
          %multiple_of3A_232 = tpu.assume_multiple %min3A_231, 8 : i32
          %dma_start3A_233 = arith.constant 0 : i32
          %dma_start3A_234 = arith.constant 0 : i32
          %dma_start3A_235 = arith.constant 0 : i32
          %dma_start3A_236 = tpu.memref_slice %arg6[%dma_start3A_233, %dma_start3A_234, %dma_start3A_235] : memref<2x48x256xf32, #tpu.memory_space<vmem>> -> memref<1x48x256xf32, #tpu.memory_space<vmem>>
          %dma_start3A_237 = tpu.memref_squeeze %dma_start3A_236 : memref<1x48x256xf32, #tpu.memory_space<vmem>> -> memref<48x256xf32, #tpu.memory_space<vmem>>
          %dma_start3A_238 = arith.constant 0 : i32
          %dma_start3A_239 = tpu.memref_slice %arg2[%select_n3A, %multiple_of3A_232, %dma_start3A_238] : memref<16x4096x256xf32, #tpu.memory_space<hbm>> -> memref<1x48x256xf32, #tpu.memory_space<hbm>>
          %dma_start3A_240 = tpu.memref_squeeze %dma_start3A_239 : memref<1x48x256xf32, #tpu.memory_space<hbm>> -> memref<48x256xf32, #tpu.memory_space<hbm>>
          %dma_start3A_241 = arith.constant 0 : i32
          %dma_start3A_242 = arith.constant 0 : i32
          %dma_start3A_243 = tpu.memref_slice %arg6[%dma_start3A_233, %dma_start3A_241, %dma_start3A_242] : memref<2x48x256xf32, #tpu.memory_space<vmem>> -> memref<1x48x256xf32, #tpu.memory_space<vmem>>
          %dma_start3A_244 = tpu.memref_squeeze %dma_start3A_243 : memref<1x48x256xf32, #tpu.memory_space<vmem>> -> memref<48x256xf32, #tpu.memory_space<vmem>>
          %dma_start3A_245 = arith.constant 0 : i32
          %dma_start3A_246 = tpu.memref_slice %arg2[%select_n3A, %multiple_of3A_232, %dma_start3A_245] : memref<16x4096x256xf32, #tpu.memory_space<hbm>> -> memref<1x48x256xf32, #tpu.memory_space<hbm>>
          %dma_start3A_247 = tpu.memref_squeeze %dma_start3A_246 : memref<1x48x256xf32, #tpu.memory_space<hbm>> -> memref<48x256xf32, #tpu.memory_space<hbm>>
          tpu.enqueue_dma source(%dma_start3A_247 : memref<48x256xf32, #tpu.memory_space<hbm>>) target(%dma_start3A_244 : memref<48x256xf32, #tpu.memory_space<vmem>>) target_semaphore(%arg9 : memref<!tpu.dma_semaphore, #tpu.memory_space<semaphore_mem>>)
        } else {
        }
      } else {
      }
      %get3A = arith.index_cast %max3A : i32 to index
      %get3A_181 = tpu.vector_load %arg5[%get3A] {strides = array<i32>} : memref<4112xi32, #tpu.memory_space<vmem>>, vector<16xi32>,
      %get3A_182 = vector.shape_cast %get3A_181 : vector<16xi32> to vector<16xi32>
      %slice3A = vector.extract_strided_slice %get3A_182 {offsets = [0], sizes = [1], strides = [1]} : vector<16xi32> to vector<1xi32>
      %squeeze3A = vector.extract %slice3A[0] : i32 from vector<1xi32>
      %sub3A_183 = arith.subi %squeeze3A, %mul3A_32 : i32
      %sub3A_184 = arith.constant 1 : i32
      %sub3A_185 = arith.subi %min3A_170, %sub3A_184 : i32
      %get3A_186 = arith.index_cast %sub3A_185 : i32 to index
      %get3A_187 = tpu.vector_load %arg5[%get3A_186] {strides = array<i32>} : memref<4112xi32, #tpu.memory_space<vmem>>, vector<16xi32>,
      %get3A_188 = vector.shape_cast %get3A_187 : vector<16xi32> to vector<16xi32>
      %slice3A_189 = vector.extract_strided_slice %get3A_188 {offsets = [0], sizes = [1], strides = [1]} : vector<16xi32> to vector<1xi32>
      %squeeze3A_190 = vector.extract %slice3A_189[0] : i32 from vector<1xi32>
      %sub3A_191 = arith.subi %squeeze3A_190, %mul3A_32 : i32
      %add3A_192 = arith.constant 1 : i32
      %add3A_193 = arith.addi %sub3A_191, %add3A_192 : i32
      %while3A_194 = arith.subi %add3A_193, %sub3A_183 : i32
      %while3A_195 = arith.addi %sub3A_183, %while3A_194 : i32
      %while3A_196 = arith.constant 1 : i32
      %while3A_197 = arith.divsi %while3A_194, %while3A_196 : i32
      %while3A_198 = arith.muli %while3A_197, %while3A_196 : i32
      %while3A_199 = arith.addi %sub3A_183, %while3A_198 : i32
      %while3A_200 = arith.constant 1 : i32
      %while3A_201 = scf.for %while3A_204 = %sub3A_183 to %while3A_199 step %while3A_200 iter_args(%while3A_205 = %max3A) -> (i32)  : i32 {
        %add3A_206 = arith.addi %while3A_205, %min3A_170 : i32
        %jit3A_207 = arith.constant 2 : i32
        %div3A_208 = arith.divsi %add3A_206, %jit3A_207 : i32
        %sign3A_209 = arith.constant 0 : i32
        %sign3A_210 = arith.cmpi sgt, %add3A_206, %sign3A_209 : i32
        %sign3A_211 = arith.extui %sign3A_210 : i1 to i32
        %sign3A_212 = arith.constant 0 : i32
        %sign3A_213 = arith.cmpi slt, %add3A_206, %sign3A_212 : i32
        %sign3A_214 = arith.extui %sign3A_213 : i1 to i32
        %sign3A_215 = arith.subi %sign3A_211, %sign3A_214 : i32
        %sign3A_216 = arith.constant 0 : i32
        %sign3A_217 = arith.cmpi sgt, %jit3A_207, %sign3A_216 : i32
        %sign3A_218 = arith.extui %sign3A_217 : i1 to i32
        %sign3A_219 = arith.constant 0 : i32
        %sign3A_220 = arith.cmpi slt, %jit3A_207, %sign3A_219 : i32
        %sign3A_221 = arith.extui %sign3A_220 : i1 to i32
        %sign3A_222 = arith.subi %sign3A_218, %sign3A_221 : i32
        %ne3A_223 = arith.cmpi ne, %sign3A_215, %sign3A_222 : i32
        %rem3A_224 = arith.remsi %add3A_206, %jit3A_207 : i32
        %ne3A_225 = arith.constant 0 : i32
        %ne3A_226 = arith.cmpi ne, %rem3A_224, %ne3A_225 : i32
        %and3A_227 = arith.andi %ne3A_223, %ne3A_226 : i1
        %sub3A_228 = arith.constant 1 : i32
        %sub3A_229 = arith.subi %div3A_208, %sub3A_228 : i32
        %select_n3A_230 = arith.select %and3A_227, %sub3A_229, %div3A_208 : i32
        %min3A_231 = arith.constant 4095 : i32
        %min3A_232 = arith.minsi %select_n3A_230, %min3A_231 : i32
        %get3A_233 = arith.index_cast %min3A_232 : i32 to index
        %get3A_234 = tpu.vector_load %arg5[%get3A_233] {strides = array<i32>} : memref<4112xi32, #tpu.memory_space<vmem>>, vector<16xi32>,
        %get3A_235 = vector.shape_cast %get3A_234 : vector<16xi32> to vector<16xi32>
        %slice3A_236 = vector.extract_strided_slice %get3A_235 {offsets = [0], sizes = [1], strides = [1]} : vector<16xi32> to vector<1xi32>
        %squeeze3A_237 = vector.extract %slice3A_236[0] : i32 from vector<1xi32>
        %lt3A_238 = arith.cmpi slt, %while3A_205, %min3A_170 : i32
        %add3A_239 = arith.addi %while3A_204, %mul3A_32 : i32
        %le3A = arith.cmpi sle, %squeeze3A_237, %add3A_239 : i32
        %and3A_240 = arith.andi %lt3A_238, %le3A : i1
        %add3A_241 = arith.constant 1 : i32
        %add3A_242 = arith.addi %select_n3A_230, %add3A_241 : i32
        %select_n3A_243 = arith.select %and3A_240, %add3A_242, %while3A_205 : i32
        %not3A = arith.constant true
        %not3A_244 = arith.xori %le3A, %not3A : i1
        %and3A_245 = arith.andi %lt3A_238, %not3A_244 : i1
        %select_n3A_246 = arith.select %and3A_245, %select_n3A_230, %min3A_170 : i32
        %add3A_247 = arith.addi %select_n3A_243, %select_n3A_246 : i32
        %jit3A_248 = arith.constant 2 : i32
        %div3A_249 = arith.divsi %add3A_247, %jit3A_248 : i32
        %sign3A_250 = arith.constant 0 : i32
        %sign3A_251 = arith.cmpi sgt, %add3A_247, %sign3A_250 : i32
        %sign3A_252 = arith.extui %sign3A_251 : i1 to i32
        %sign3A_253 = arith.constant 0 : i32
        %sign3A_254 = arith.cmpi slt, %add3A_247, %sign3A_253 : i32
        %sign3A_255 = arith.extui %sign3A_254 : i1 to i32
        %sign3A_256 = arith.subi %sign3A_252, %sign3A_255 : i32
        %sign3A_257 = arith.constant 0 : i32
        %sign3A_258 = arith.cmpi sgt, %jit3A_248, %sign3A_257 : i32
        %sign3A_259 = arith.extui %sign3A_258 : i1 to i32
        %sign3A_260 = arith.constant 0 : i32
        %sign3A_261 = arith.cmpi slt, %jit3A_248, %sign3A_260 : i32
        %sign3A_262 = arith.extui %sign3A_261 : i1 to i32
        %sign3A_263 = arith.subi %sign3A_259, %sign3A_262 : i32
        %ne3A_264 = arith.cmpi ne, %sign3A_256, %sign3A_263 : i32
        %rem3A_265 = arith.remsi %add3A_247, %jit3A_248 : i32
        %ne3A_266 = arith.constant 0 : i32
        %ne3A_267 = arith.cmpi ne, %rem3A_265, %ne3A_266 : i32
        %and3A_268 = arith.andi %ne3A_264, %ne3A_267 : i1
        %sub3A_269 = arith.constant 1 : i32
        %sub3A_270 = arith.subi %div3A_249, %sub3A_269 : i32
        %select_n3A_271 = arith.select %and3A_268, %sub3A_270, %div3A_249 : i32
        %min3A_272 = arith.constant 4095 : i32
        %min3A_273 = arith.minsi %select_n3A_271, %min3A_272 : i32
        %get3A_274 = arith.index_cast %min3A_273 : i32 to index
        %get3A_275 = tpu.vector_load %arg5[%get3A_274] {strides = array<i32>} : memref<4112xi32, #tpu.memory_space<vmem>>, vector<16xi32>,
        %get3A_276 = vector.shape_cast %get3A_275 : vector<16xi32> to vector<16xi32>
        %slice3A_277 = vector.extract_strided_slice %get3A_276 {offsets = [0], sizes = [1], strides = [1]} : vector<16xi32> to vector<1xi32>
        %squeeze3A_278 = vector.extract %slice3A_277[0] : i32 from vector<1xi32>
        %lt3A_279 = arith.cmpi slt, %select_n3A_243, %select_n3A_246 : i32
        %add3A_280 = arith.addi %while3A_204, %mul3A_32 : i32
        %le3A_281 = arith.cmpi sle, %squeeze3A_278, %add3A_280 : i32
        %and3A_282 = arith.andi %lt3A_279, %le3A_281 : i1
        %add3A_283 = arith.constant 1 : i32
        %add3A_284 = arith.addi %select_n3A_271, %add3A_283 : i32
        %select_n3A_285 = arith.select %and3A_282, %add3A_284, %select_n3A_243 : i32
        %not3A_286 = arith.constant true
        %not3A_287 = arith.xori %le3A_281, %not3A_286 : i1
        %and3A_288 = arith.andi %lt3A_279, %not3A_287 : i1
        %select_n3A_289 = arith.select %and3A_288, %select_n3A_271, %select_n3A_246 : i32
        %add3A_290 = arith.addi %select_n3A_285, %select_n3A_289 : i32
        %jit3A_291 = arith.constant 2 : i32
        %div3A_292 = arith.divsi %add3A_290, %jit3A_291 : i32
        %sign3A_293 = arith.constant 0 : i32
        %sign3A_294 = arith.cmpi sgt, %add3A_290, %sign3A_293 : i32
        %sign3A_295 = arith.extui %sign3A_294 : i1 to i32
        %sign3A_296 = arith.constant 0 : i32
        %sign3A_297 = arith.cmpi slt, %add3A_290, %sign3A_296 : i32
        %sign3A_298 = arith.extui %sign3A_297 : i1 to i32
        %sign3A_299 = arith.subi %sign3A_295, %sign3A_298 : i32
        %sign3A_300 = arith.constant 0 : i32
        %sign3A_301 = arith.cmpi sgt, %jit3A_291, %sign3A_300 : i32
        %sign3A_302 = arith.extui %sign3A_301 : i1 to i32
        %sign3A_303 = arith.constant 0 : i32
        %sign3A_304 = arith.cmpi slt, %jit3A_291, %sign3A_303 : i32
        %sign3A_305 = arith.extui %sign3A_304 : i1 to i32
        %sign3A_306 = arith.subi %sign3A_302, %sign3A_305 : i32
        %ne3A_307 = arith.cmpi ne, %sign3A_299, %sign3A_306 : i32
        %rem3A_308 = arith.remsi %add3A_290, %jit3A_291 : i32
        %ne3A_309 = arith.constant 0 : i32
        %ne3A_310 = arith.cmpi ne, %rem3A_308, %ne3A_309 : i32
        %and3A_311 = arith.andi %ne3A_307, %ne3A_310 : i1
        %sub3A_312 = arith.constant 1 : i32
        %sub3A_313 = arith.subi %div3A_292, %sub3A_312 : i32
        %select_n3A_314 = arith.select %and3A_311, %sub3A_313, %div3A_292 : i32
        %min3A_315 = arith.constant 4095 : i32
        %min3A_316 = arith.minsi %select_n3A_314, %min3A_315 : i32
        %get3A_317 = arith.index_cast %min3A_316 : i32 to index
        %get3A_318 = tpu.vector_load %arg5[%get3A_317] {strides = array<i32>} : memref<4112xi32, #tpu.memory_space<vmem>>, vector<16xi32>,
        %get3A_319 = vector.shape_cast %get3A_318 : vector<16xi32> to vector<16xi32>
        %slice3A_320 = vector.extract_strided_slice %get3A_319 {offsets = [0], sizes = [1], strides = [1]} : vector<16xi32> to vector<1xi32>
        %squeeze3A_321 = vector.extract %slice3A_320[0] : i32 from vector<1xi32>
        %lt3A_322 = arith.cmpi slt, %select_n3A_285, %select_n3A_289 : i32
        %add3A_323 = arith.addi %while3A_204, %mul3A_32 : i32
        %le3A_324 = arith.cmpi sle, %squeeze3A_321, %add3A_323 : i32
        %and3A_325 = arith.andi %lt3A_322, %le3A_324 : i1
        %add3A_326 = arith.constant 1 : i32
        %add3A_327 = arith.addi %select_n3A_314, %add3A_326 : i32
        %select_n3A_328 = arith.select %and3A_325, %add3A_327, %select_n3A_285 : i32
        %not3A_329 = arith.constant true
        %not3A_330 = arith.xori %le3A_324, %not3A_329 : i1
        %and3A_331 = arith.andi %lt3A_322, %not3A_330 : i1
        %select_n3A_332 = arith.select %and3A_331, %select_n3A_314, %select_n3A_289 : i32
        %add3A_333 = arith.addi %select_n3A_328, %select_n3A_332 : i32
        %jit3A_334 = arith.constant 2 : i32
        %div3A_335 = arith.divsi %add3A_333, %jit3A_334 : i32
        %sign3A_336 = arith.constant 0 : i32
        %sign3A_337 = arith.cmpi sgt, %add3A_333, %sign3A_336 : i32
        %sign3A_338 = arith.extui %sign3A_337 : i1 to i32
        %sign3A_339 = arith.constant 0 : i32
        %sign3A_340 = arith.cmpi slt, %add3A_333, %sign3A_339 : i32
        %sign3A_341 = arith.extui %sign3A_340 : i1 to i32
        %sign3A_342 = arith.subi %sign3A_338, %sign3A_341 : i32
        %sign3A_343 = arith.constant 0 : i32
        %sign3A_344 = arith.cmpi sgt, %jit3A_334, %sign3A_343 : i32
        %sign3A_345 = arith.extui %sign3A_344 : i1 to i32
        %sign3A_346 = arith.constant 0 : i32
        %sign3A_347 = arith.cmpi slt, %jit3A_334, %sign3A_346 : i32
        %sign3A_348 = arith.extui %sign3A_347 : i1 to i32
        %sign3A_349 = arith.subi %sign3A_345, %sign3A_348 : i32
        %ne3A_350 = arith.cmpi ne, %sign3A_342, %sign3A_349 : i32
        %rem3A_351 = arith.remsi %add3A_333, %jit3A_334 : i32
        %ne3A_352 = arith.constant 0 : i32
        %ne3A_353 = arith.cmpi ne, %rem3A_351, %ne3A_352 : i32
        %and3A_354 = arith.andi %ne3A_350, %ne3A_353 : i1
        %sub3A_355 = arith.constant 1 : i32
        %sub3A_356 = arith.subi %div3A_335, %sub3A_355 : i32
        %select_n3A_357 = arith.select %and3A_354, %sub3A_356, %div3A_335 : i32
        %min3A_358 = arith.constant 4095 : i32
        %min3A_359 = arith.minsi %select_n3A_357, %min3A_358 : i32
        %get3A_360 = arith.index_cast %min3A_359 : i32 to index
        %get3A_361 = tpu.vector_load %arg5[%get3A_360] {strides = array<i32>} : memref<4112xi32, #tpu.memory_space<vmem>>, vector<16xi32>,
        %get3A_362 = vector.shape_cast %get3A_361 : vector<16xi32> to vector<16xi32>
        %slice3A_363 = vector.extract_strided_slice %get3A_362 {offsets = [0], sizes = [1], strides = [1]} : vector<16xi32> to vector<1xi32>
        %squeeze3A_364 = vector.extract %slice3A_363[0] : i32 from vector<1xi32>
        %lt3A_365 = arith.cmpi slt, %select_n3A_328, %select_n3A_332 : i32
        %add3A_366 = arith.addi %while3A_204, %mul3A_32 : i32
        %le3A_367 = arith.cmpi sle, %squeeze3A_364, %add3A_366 : i32
        %and3A_368 = arith.andi %lt3A_365, %le3A_367 : i1
        %add3A_369 = arith.constant 1 : i32
        %add3A_370 = arith.addi %select_n3A_357, %add3A_369 : i32
        %select_n3A_371 = arith.select %and3A_368, %add3A_370, %select_n3A_328 : i32
        %not3A_372 = arith.constant true
        %not3A_373 = arith.xori %le3A_367, %not3A_372 : i1
        %and3A_374 = arith.andi %lt3A_365, %not3A_373 : i1
        %select_n3A_375 = arith.select %and3A_374, %select_n3A_357, %select_n3A_332 : i32
        %add3A_376 = arith.addi %select_n3A_371, %select_n3A_375 : i32
        %jit3A_377 = arith.constant 2 : i32
        %div3A_378 = arith.divsi %add3A_376, %jit3A_377 : i32
        %sign3A_379 = arith.constant 0 : i32
        %sign3A_380 = arith.cmpi sgt, %add3A_376, %sign3A_379 : i32
        %sign3A_381 = arith.extui %sign3A_380 : i1 to i32
        %sign3A_382 = arith.constant 0 : i32
        %sign3A_383 = arith.cmpi slt, %add3A_376, %sign3A_382 : i32
        %sign3A_384 = arith.extui %sign3A_383 : i1 to i32
        %sign3A_385 = arith.subi %sign3A_381, %sign3A_384 : i32
        %sign3A_386 = arith.constant 0 : i32
        %sign3A_387 = arith.cmpi sgt, %jit3A_377, %sign3A_386 : i32
        %sign3A_388 = arith.extui %sign3A_387 : i1 to i32
        %sign3A_389 = arith.constant 0 : i32
        %sign3A_390 = arith.cmpi slt, %jit3A_377, %sign3A_389 : i32
        %sign3A_391 = arith.extui %sign3A_390 : i1 to i32
        %sign3A_392 = arith.subi %sign3A_388, %sign3A_391 : i32
        %ne3A_393 = arith.cmpi ne, %sign3A_385, %sign3A_392 : i32
        %rem3A_394 = arith.remsi %add3A_376, %jit3A_377 : i32
        %ne3A_395 = arith.constant 0 : i32
        %ne3A_396 = arith.cmpi ne, %rem3A_394, %ne3A_395 : i32
        %and3A_397 = arith.andi %ne3A_393, %ne3A_396 : i1
        %sub3A_398 = arith.constant 1 : i32
        %sub3A_399 = arith.subi %div3A_378, %sub3A_398 : i32
        %select_n3A_400 = arith.select %and3A_397, %sub3A_399, %div3A_378 : i32
        %min3A_401 = arith.constant 4095 : i32
        %min3A_402 = arith.minsi %select_n3A_400, %min3A_401 : i32
        %get3A_403 = arith.index_cast %min3A_402 : i32 to index
        %get3A_404 = tpu.vector_load %arg5[%get3A_403] {strides = array<i32>} : memref<4112xi32, #tpu.memory_space<vmem>>, vector<16xi32>,
        %get3A_405 = vector.shape_cast %get3A_404 : vector<16xi32> to vector<16xi32>
        %slice3A_406 = vector.extract_strided_slice %get3A_405 {offsets = [0], sizes = [1], strides = [1]} : vector<16xi32> to vector<1xi32>
        %squeeze3A_407 = vector.extract %slice3A_406[0] : i32 from vector<1xi32>
        %lt3A_408 = arith.cmpi slt, %select_n3A_371, %select_n3A_375 : i32
        %add3A_409 = arith.addi %while3A_204, %mul3A_32 : i32
        %le3A_410 = arith.cmpi sle, %squeeze3A_407, %add3A_409 : i32
        %and3A_411 = arith.andi %lt3A_408, %le3A_410 : i1
        %add3A_412 = arith.constant 1 : i32
        %add3A_413 = arith.addi %select_n3A_400, %add3A_412 : i32
        %select_n3A_414 = arith.select %and3A_411, %add3A_413, %select_n3A_371 : i32
        %not3A_415 = arith.constant true
        %not3A_416 = arith.xori %le3A_410, %not3A_415 : i1
        %and3A_417 = arith.andi %lt3A_408, %not3A_416 : i1
        %select_n3A_418 = arith.select %and3A_417, %select_n3A_400, %select_n3A_375 : i32
        %add3A_419 = arith.addi %select_n3A_414, %select_n3A_418 : i32
        %jit3A_420 = arith.constant 2 : i32
        %div3A_421 = arith.divsi %add3A_419, %jit3A_420 : i32
        %sign3A_422 = arith.constant 0 : i32
        %sign3A_423 = arith.cmpi sgt, %add3A_419, %sign3A_422 : i32
        %sign3A_424 = arith.extui %sign3A_423 : i1 to i32
        %sign3A_425 = arith.constant 0 : i32
        %sign3A_426 = arith.cmpi slt, %add3A_419, %sign3A_425 : i32
        %sign3A_427 = arith.extui %sign3A_426 : i1 to i32
        %sign3A_428 = arith.subi %sign3A_424, %sign3A_427 : i32
        %sign3A_429 = arith.constant 0 : i32
        %sign3A_430 = arith.cmpi sgt, %jit3A_420, %sign3A_429 : i32
        %sign3A_431 = arith.extui %sign3A_430 : i1 to i32
        %sign3A_432 = arith.constant 0 : i32
        %sign3A_433 = arith.cmpi slt, %jit3A_420, %sign3A_432 : i32
        %sign3A_434 = arith.extui %sign3A_433 : i1 to i32
        %sign3A_435 = arith.subi %sign3A_431, %sign3A_434 : i32
        %ne3A_436 = arith.cmpi ne, %sign3A_428, %sign3A_435 : i32
        %rem3A_437 = arith.remsi %add3A_419, %jit3A_420 : i32
        %ne3A_438 = arith.constant 0 : i32
        %ne3A_439 = arith.cmpi ne, %rem3A_437, %ne3A_438 : i32
        %and3A_440 = arith.andi %ne3A_436, %ne3A_439 : i1
        %sub3A_441 = arith.constant 1 : i32
        %sub3A_442 = arith.subi %div3A_421, %sub3A_441 : i32
        %select_n3A_443 = arith.select %and3A_440, %sub3A_442, %div3A_421 : i32
        %min3A_444 = arith.constant 4095 : i32
        %min3A_445 = arith.minsi %select_n3A_443, %min3A_444 : i32
        %get3A_446 = arith.index_cast %min3A_445 : i32 to index
        %get3A_447 = tpu.vector_load %arg5[%get3A_446] {strides = array<i32>} : memref<4112xi32, #tpu.memory_space<vmem>>, vector<16xi32>,
        %get3A_448 = vector.shape_cast %get3A_447 : vector<16xi32> to vector<16xi32>
        %slice3A_449 = vector.extract_strided_slice %get3A_448 {offsets = [0], sizes = [1], strides = [1]} : vector<16xi32> to vector<1xi32>
        %squeeze3A_450 = vector.extract %slice3A_449[0] : i32 from vector<1xi32>
        %lt3A_451 = arith.cmpi slt, %select_n3A_414, %select_n3A_418 : i32
        %add3A_452 = arith.addi %while3A_204, %mul3A_32 : i32
        %le3A_453 = arith.cmpi sle, %squeeze3A_450, %add3A_452 : i32
        %and3A_454 = arith.andi %lt3A_451, %le3A_453 : i1
        %add3A_455 = arith.constant 1 : i32
        %add3A_456 = arith.addi %select_n3A_443, %add3A_455 : i32
        %select_n3A_457 = arith.select %and3A_454, %add3A_456, %select_n3A_414 : i32
        %not3A_458 = arith.constant true
        %not3A_459 = arith.xori %le3A_453, %not3A_458 : i1
        %and3A_460 = arith.andi %lt3A_451, %not3A_459 : i1
        %select_n3A_461 = arith.select %and3A_460, %select_n3A_443, %select_n3A_418 : i32
        %sub3A_462 = arith.subi %while3A_205, %multiple_of3A : i32
        %sub3A_463 = arith.subi %select_n3A_457, %multiple_of3A : i32
        %while3A_464 = arith.subi %sub3A_463, %sub3A_462 : i32
        %while3A_465 = arith.addi %sub3A_462, %while3A_464 : i32
        %while3A_466 = arith.constant 1 : i32
        %while3A_467 = arith.divsi %while3A_464, %while3A_466 : i32
        %while3A_468 = arith.muli %while3A_467, %while3A_466 : i32
        %while3A_469 = arith.addi %sub3A_462, %while3A_468 : i32
        %while3A_470 = arith.constant 1 : i32
        %while3A_471:16 = scf.for %while3A_562 = %sub3A_462 to %while3A_469 step %while3A_470 iter_args(%while3A_563 = %broadcast_in_dim3A_33, %while3A_564 = %broadcast_in_dim3A_33, %while3A_565 = %broadcast_in_dim3A_33, %while3A_566 = %broadcast_in_dim3A_33, %while3A_567 = %broadcast_in_dim3A_33, %while3A_568 = %broadcast_in_dim3A_33, %while3A_569 = %broadcast_in_dim3A_33, %while3A_570 = %broadcast_in_dim3A_33, %while3A_571 = %broadcast_in_dim3A_33, %while3A_572 = %broadcast_in_dim3A_33, %while3A_573 = %broadcast_in_dim3A_33, %while3A_574 = %broadcast_in_dim3A_33, %while3A_575 = %broadcast_in_dim3A_33, %while3A_576 = %broadcast_in_dim3A_33, %while3A_577 = %broadcast_in_dim3A_33, %while3A_578 = %broadcast_in_dim3A_33) -> (vector<16xf32>, vector<16xf32>, vector<16xf32>, vector<16xf32>, vector<16xf32>, vector<16xf32>, vector<16xf32>, vector<16xf32>, vector<16xf32>, vector<16xf32>, vector<16xf32>, vector<16xf32>, vector<16xf32>, vector<16xf32>, vector<16xf32>, vector<16xf32>)  : i32 {
          %get3A_579 = arith.index_cast %rem3A_161 : i32 to index
          %get3A_580 = arith.index_cast %while3A_562 : i32 to index
          %get3A_581 = arith.constant 0 : index
          %get3A_582 = tpu.vector_load %arg6[%get3A_579, %get3A_580, %get3A_581] {strides = array<i32>} : memref<2x48x256xf32, #tpu.memory_space<vmem>>, vector<1x1x16xf32>,
          %get3A_583 = vector.shape_cast %get3A_582 : vector<1x1x16xf32> to vector<16xf32>
          %add3A_584 = arith.addf %while3A_563, %get3A_583 : vector<16xf32>
          %get3A_585 = arith.index_cast %rem3A_161 : i32 to index
          %get3A_586 = arith.index_cast %while3A_562 : i32 to index
          %get3A_587 = arith.constant 16 : index
          %get3A_588 = tpu.vector_load %arg6[%get3A_585, %get3A_586, %get3A_587] {strides = array<i32>} : memref<2x48x256xf32, #tpu.memory_space<vmem>>, vector<1x1x16xf32>,
          %get3A_589 = vector.shape_cast %get3A_588 : vector<1x1x16xf32> to vector<16xf32>
          %add3A_590 = arith.addf %while3A_564, %get3A_589 : vector<16xf32>
          %get3A_591 = arith.index_cast %rem3A_161 : i32 to index
          %get3A_592 = arith.index_cast %while3A_562 : i32 to index
          %get3A_593 = arith.constant 32 : index
          %get3A_594 = tpu.vector_load %arg6[%get3A_591, %get3A_592, %get3A_593] {strides = array<i32>} : memref<2x48x256xf32, #tpu.memory_space<vmem>>, vector<1x1x16xf32>,
          %get3A_595 = vector.shape_cast %get3A_594 : vector<1x1x16xf32> to vector<16xf32>
          %add3A_596 = arith.addf %while3A_565, %get3A_595 : vector<16xf32>
          %get3A_597 = arith.index_cast %rem3A_161 : i32 to index
          %get3A_598 = arith.index_cast %while3A_562 : i32 to index
          %get3A_599 = arith.constant 48 : index
          %get3A_600 = tpu.vector_load %arg6[%get3A_597, %get3A_598, %get3A_599] {strides = array<i32>} : memref<2x48x256xf32, #tpu.memory_space<vmem>>, vector<1x1x16xf32>,
          %get3A_601 = vector.shape_cast %get3A_600 : vector<1x1x16xf32> to vector<16xf32>
          %add3A_602 = arith.addf %while3A_566, %get3A_601 : vector<16xf32>
          %get3A_603 = arith.index_cast %rem3A_161 : i32 to index
          %get3A_604 = arith.index_cast %while3A_562 : i32 to index
          %get3A_605 = arith.constant 64 : index
          %get3A_606 = tpu.vector_load %arg6[%get3A_603, %get3A_604, %get3A_605] {strides = array<i32>} : memref<2x48x256xf32, #tpu.memory_space<vmem>>, vector<1x1x16xf32>,
          %get3A_607 = vector.shape_cast %get3A_606 : vector<1x1x16xf32> to vector<16xf32>
          %add3A_608 = arith.addf %while3A_567, %get3A_607 : vector<16xf32>
          %get3A_609 = arith.index_cast %rem3A_161 : i32 to index
          %get3A_610 = arith.index_cast %while3A_562 : i32 to index
          %get3A_611 = arith.constant 80 : index
          %get3A_612 = tpu.vector_load %arg6[%get3A_609, %get3A_610, %get3A_611] {strides = array<i32>} : memref<2x48x256xf32, #tpu.memory_space<vmem>>, vector<1x1x16xf32>,
          %get3A_613 = vector.shape_cast %get3A_612 : vector<1x1x16xf32> to vector<16xf32>
          %add3A_614 = arith.addf %while3A_568, %get3A_613 : vector<16xf32>
          %get3A_615 = arith.index_cast %rem3A_161 : i32 to index
          %get3A_616 = arith.index_cast %while3A_562 : i32 to index
          %get3A_617 = arith.constant 96 : index
          %get3A_618 = tpu.vector_load %arg6[%get3A_615, %get3A_616, %get3A_617] {strides = array<i32>} : memref<2x48x256xf32, #tpu.memory_space<vmem>>, vector<1x1x16xf32>,
          %get3A_619 = vector.shape_cast %get3A_618 : vector<1x1x16xf32> to vector<16xf32>
          %add3A_620 = arith.addf %while3A_569, %get3A_619 : vector<16xf32>
          %get3A_621 = arith.index_cast %rem3A_161 : i32 to index
          %get3A_622 = arith.index_cast %while3A_562 : i32 to index
          %get3A_623 = arith.constant 112 : index
          %get3A_624 = tpu.vector_load %arg6[%get3A_621, %get3A_622, %get3A_623] {strides = array<i32>} : memref<2x48x256xf32, #tpu.memory_space<vmem>>, vector<1x1x16xf32>,
          %get3A_625 = vector.shape_cast %get3A_624 : vector<1x1x16xf32> to vector<16xf32>
          %add3A_626 = arith.addf %while3A_570, %get3A_625 : vector<16xf32>
          %get3A_627 = arith.index_cast %rem3A_161 : i32 to index
          %get3A_628 = arith.index_cast %while3A_562 : i32 to index
          %get3A_629 = arith.constant 128 : index
          %get3A_630 = tpu.vector_load %arg6[%get3A_627, %get3A_628, %get3A_629] {strides = array<i32>} : memref<2x48x256xf32, #tpu.memory_space<vmem>>, vector<1x1x16xf32>,
          %get3A_631 = vector.shape_cast %get3A_630 : vector<1x1x16xf32> to vector<16xf32>
          %add3A_632 = arith.addf %while3A_571, %get3A_631 : vector<16xf32>
          %get3A_633 = arith.index_cast %rem3A_161 : i32 to index
          %get3A_634 = arith.index_cast %while3A_562 : i32 to index
          %get3A_635 = arith.constant 144 : index
          %get3A_636 = tpu.vector_load %arg6[%get3A_633, %get3A_634, %get3A_635] {strides = array<i32>} : memref<2x48x256xf32, #tpu.memory_space<vmem>>, vector<1x1x16xf32>,
          %get3A_637 = vector.shape_cast %get3A_636 : vector<1x1x16xf32> to vector<16xf32>
          %add3A_638 = arith.addf %while3A_572, %get3A_637 : vector<16xf32>
          %get3A_639 = arith.index_cast %rem3A_161 : i32 to index
          %get3A_640 = arith.index_cast %while3A_562 : i32 to index
          %get3A_641 = arith.constant 160 : index
          %get3A_642 = tpu.vector_load %arg6[%get3A_639, %get3A_640, %get3A_641] {strides = array<i32>} : memref<2x48x256xf32, #tpu.memory_space<vmem>>, vector<1x1x16xf32>,
          %get3A_643 = vector.shape_cast %get3A_642 : vector<1x1x16xf32> to vector<16xf32>
          %add3A_644 = arith.addf %while3A_573, %get3A_643 : vector<16xf32>
          %get3A_645 = arith.index_cast %rem3A_161 : i32 to index
          %get3A_646 = arith.index_cast %while3A_562 : i32 to index
          %get3A_647 = arith.constant 176 : index
          %get3A_648 = tpu.vector_load %arg6[%get3A_645, %get3A_646, %get3A_647] {strides = array<i32>} : memref<2x48x256xf32, #tpu.memory_space<vmem>>, vector<1x1x16xf32>,
          %get3A_649 = vector.shape_cast %get3A_648 : vector<1x1x16xf32> to vector<16xf32>
          %add3A_650 = arith.addf %while3A_574, %get3A_649 : vector<16xf32>
          %get3A_651 = arith.index_cast %rem3A_161 : i32 to index
          %get3A_652 = arith.index_cast %while3A_562 : i32 to index
          %get3A_653 = arith.constant 192 : index
          %get3A_654 = tpu.vector_load %arg6[%get3A_651, %get3A_652, %get3A_653] {strides = array<i32>} : memref<2x48x256xf32, #tpu.memory_space<vmem>>, vector<1x1x16xf32>,
          %get3A_655 = vector.shape_cast %get3A_654 : vector<1x1x16xf32> to vector<16xf32>
          %add3A_656 = arith.addf %while3A_575, %get3A_655 : vector<16xf32>
          %get3A_657 = arith.index_cast %rem3A_161 : i32 to index
          %get3A_658 = arith.index_cast %while3A_562 : i32 to index
          %get3A_659 = arith.constant 208 : index
          %get3A_660 = tpu.vector_load %arg6[%get3A_657, %get3A_658, %get3A_659] {strides = array<i32>} : memref<2x48x256xf32, #tpu.memory_space<vmem>>, vector<1x1x16xf32>,
          %get3A_661 = vector.shape_cast %get3A_660 : vector<1x1x16xf32> to vector<16xf32>
          %add3A_662 = arith.addf %while3A_576, %get3A_661 : vector<16xf32>
          %get3A_663 = arith.index_cast %rem3A_161 : i32 to index
          %get3A_664 = arith.index_cast %while3A_562 : i32 to index
          %get3A_665 = arith.constant 224 : index
          %get3A_666 = tpu.vector_load %arg6[%get3A_663, %get3A_664, %get3A_665] {strides = array<i32>} : memref<2x48x256xf32, #tpu.memory_space<vmem>>, vector<1x1x16xf32>,
          %get3A_667 = vector.shape_cast %get3A_666 : vector<1x1x16xf32> to vector<16xf32>
          %add3A_668 = arith.addf %while3A_577, %get3A_667 : vector<16xf32>
          %get3A_669 = arith.index_cast %rem3A_161 : i32 to index
          %get3A_670 = arith.index_cast %while3A_562 : i32 to index
          %get3A_671 = arith.constant 240 : index
          %get3A_672 = tpu.vector_load %arg6[%get3A_669, %get3A_670, %get3A_671] {strides = array<i32>} : memref<2x48x256xf32, #tpu.memory_space<vmem>>, vector<1x1x16xf32>,
          %get3A_673 = vector.shape_cast %get3A_672 : vector<1x1x16xf32> to vector<16xf32>
          %add3A_674 = arith.addf %while3A_578, %get3A_673 : vector<16xf32>
          scf.yield %add3A_584, %add3A_590, %add3A_596, %add3A_602, %add3A_608, %add3A_614, %add3A_620, %add3A_626, %add3A_632, %add3A_638, %add3A_644, %add3A_650, %add3A_656, %add3A_662, %add3A_668, %add3A_674 : vector<16xf32>, vector<16xf32>, vector<16xf32>, vector<16xf32>, vector<16xf32>, vector<16xf32>, vector<16xf32>, vector<16xf32>, vector<16xf32>, vector<16xf32>, vector<16xf32>, vector<16xf32>, vector<16xf32>, vector<16xf32>, vector<16xf32>, vector<16xf32>
        }
        %while3A_472 = arith.constant 1 : i32
        %while3A_473:16 = scf.for %while3A_562 = %while3A_469 to %while3A_465 step %while3A_472 iter_args(%while3A_563 = %while3A_471#0, %while3A_564 = %while3A_471#1, %while3A_565 = %while3A_471#2, %while3A_566 = %while3A_471#3, %while3A_567 = %while3A_471#4, %while3A_568 = %while3A_471#5, %while3A_569 = %while3A_471#6, %while3A_570 = %while3A_471#7, %while3A_571 = %while3A_471#8, %while3A_572 = %while3A_471#9, %while3A_573 = %while3A_471#10, %while3A_574 = %while3A_471#11, %while3A_575 = %while3A_471#12, %while3A_576 = %while3A_471#13, %while3A_577 = %while3A_471#14, %while3A_578 = %while3A_471#15) -> (vector<16xf32>, vector<16xf32>, vector<16xf32>, vector<16xf32>, vector<16xf32>, vector<16xf32>, vector<16xf32>, vector<16xf32>, vector<16xf32>, vector<16xf32>, vector<16xf32>, vector<16xf32>, vector<16xf32>, vector<16xf32>, vector<16xf32>, vector<16xf32>)  : i32 {
          %get3A_579 = arith.index_cast %rem3A_161 : i32 to index
          %get3A_580 = arith.index_cast %while3A_562 : i32 to index
          %get3A_581 = arith.constant 0 : index
          %get3A_582 = tpu.vector_load %arg6[%get3A_579, %get3A_580, %get3A_581] {strides = array<i32>} : memref<2x48x256xf32, #tpu.memory_space<vmem>>, vector<1x1x16xf32>,
          %get3A_583 = vector.shape_cast %get3A_582 : vector<1x1x16xf32> to vector<16xf32>
          %add3A_584 = arith.addf %while3A_563, %get3A_583 : vector<16xf32>
          %get3A_585 = arith.index_cast %rem3A_161 : i32 to index
          %get3A_586 = arith.index_cast %while3A_562 : i32 to index
          %get3A_587 = arith.constant 16 : index
          %get3A_588 = tpu.vector_load %arg6[%get3A_585, %get3A_586, %get3A_587] {strides = array<i32>} : memref<2x48x256xf32, #tpu.memory_space<vmem>>, vector<1x1x16xf32>,
          %get3A_589 = vector.shape_cast %get3A_588 : vector<1x1x16xf32> to vector<16xf32>
          %add3A_590 = arith.addf %while3A_564, %get3A_589 : vector<16xf32>
          %get3A_591 = arith.index_cast %rem3A_161 : i32 to index
          %get3A_592 = arith.index_cast %while3A_562 : i32 to index
          %get3A_593 = arith.constant 32 : index
          %get3A_594 = tpu.vector_load %arg6[%get3A_591, %get3A_592, %get3A_593] {strides = array<i32>} : memref<2x48x256xf32, #tpu.memory_space<vmem>>, vector<1x1x16xf32>,
          %get3A_595 = vector.shape_cast %get3A_594 : vector<1x1x16xf32> to vector<16xf32>
          %add3A_596 = arith.addf %while3A_565, %get3A_595 : vector<16xf32>
          %get3A_597 = arith.index_cast %rem3A_161 : i32 to index
          %get3A_598 = arith.index_cast %while3A_562 : i32 to index
          %get3A_599 = arith.constant 48 : index
          %get3A_600 = tpu.vector_load %arg6[%get3A_597, %get3A_598, %get3A_599] {strides = array<i32>} : memref<2x48x256xf32, #tpu.memory_space<vmem>>, vector<1x1x16xf32>,
          %get3A_601 = vector.shape_cast %get3A_600 : vector<1x1x16xf32> to vector<16xf32>
          %add3A_602 = arith.addf %while3A_566, %get3A_601 : vector<16xf32>
          %get3A_603 = arith.index_cast %rem3A_161 : i32 to index
          %get3A_604 = arith.index_cast %while3A_562 : i32 to index
          %get3A_605 = arith.constant 64 : index
          %get3A_606 = tpu.vector_load %arg6[%get3A_603, %get3A_604, %get3A_605] {strides = array<i32>} : memref<2x48x256xf32, #tpu.memory_space<vmem>>, vector<1x1x16xf32>,
          %get3A_607 = vector.shape_cast %get3A_606 : vector<1x1x16xf32> to vector<16xf32>
          %add3A_608 = arith.addf %while3A_567, %get3A_607 : vector<16xf32>
          %get3A_609 = arith.index_cast %rem3A_161 : i32 to index
          %get3A_610 = arith.index_cast %while3A_562 : i32 to index
          %get3A_611 = arith.constant 80 : index
          %get3A_612 = tpu.vector_load %arg6[%get3A_609, %get3A_610, %get3A_611] {strides = array<i32>} : memref<2x48x256xf32, #tpu.memory_space<vmem>>, vector<1x1x16xf32>,
          %get3A_613 = vector.shape_cast %get3A_612 : vector<1x1x16xf32> to vector<16xf32>
          %add3A_614 = arith.addf %while3A_568, %get3A_613 : vector<16xf32>
          %get3A_615 = arith.index_cast %rem3A_161 : i32 to index
          %get3A_616 = arith.index_cast %while3A_562 : i32 to index
          %get3A_617 = arith.constant 96 : index
          %get3A_618 = tpu.vector_load %arg6[%get3A_615, %get3A_616, %get3A_617] {strides = array<i32>} : memref<2x48x256xf32, #tpu.memory_space<vmem>>, vector<1x1x16xf32>,
          %get3A_619 = vector.shape_cast %get3A_618 : vector<1x1x16xf32> to vector<16xf32>
          %add3A_620 = arith.addf %while3A_569, %get3A_619 : vector<16xf32>
          %get3A_621 = arith.index_cast %rem3A_161 : i32 to index
          %get3A_622 = arith.index_cast %while3A_562 : i32 to index
          %get3A_623 = arith.constant 112 : index
          %get3A_624 = tpu.vector_load %arg6[%get3A_621, %get3A_622, %get3A_623] {strides = array<i32>} : memref<2x48x256xf32, #tpu.memory_space<vmem>>, vector<1x1x16xf32>,
          %get3A_625 = vector.shape_cast %get3A_624 : vector<1x1x16xf32> to vector<16xf32>
          %add3A_626 = arith.addf %while3A_570, %get3A_625 : vector<16xf32>
          %get3A_627 = arith.index_cast %rem3A_161 : i32 to index
          %get3A_628 = arith.index_cast %while3A_562 : i32 to index
          %get3A_629 = arith.constant 128 : index
          %get3A_630 = tpu.vector_load %arg6[%get3A_627, %get3A_628, %get3A_629] {strides = array<i32>} : memref<2x48x256xf32, #tpu.memory_space<vmem>>, vector<1x1x16xf32>,
          %get3A_631 = vector.shape_cast %get3A_630 : vector<1x1x16xf32> to vector<16xf32>
          %add3A_632 = arith.addf %while3A_571, %get3A_631 : vector<16xf32>
          %get3A_633 = arith.index_cast %rem3A_161 : i32 to index
          %get3A_634 = arith.index_cast %while3A_562 : i32 to index
          %get3A_635 = arith.constant 144 : index
          %get3A_636 = tpu.vector_load %arg6[%get3A_633, %get3A_634, %get3A_635] {strides = array<i32>} : memref<2x48x256xf32, #tpu.memory_space<vmem>>, vector<1x1x16xf32>,
          %get3A_637 = vector.shape_cast %get3A_636 : vector<1x1x16xf32> to vector<16xf32>
          %add3A_638 = arith.addf %while3A_572, %get3A_637 : vector<16xf32>
          %get3A_639 = arith.index_cast %rem3A_161 : i32 to index
          %get3A_640 = arith.index_cast %while3A_562 : i32 to index
          %get3A_641 = arith.constant 160 : index
          %get3A_642 = tpu.vector_load %arg6[%get3A_639, %get3A_640, %get3A_641] {strides = array<i32>} : memref<2x48x256xf32, #tpu.memory_space<vmem>>, vector<1x1x16xf32>,
          %get3A_643 = vector.shape_cast %get3A_642 : vector<1x1x16xf32> to vector<16xf32>
          %add3A_644 = arith.addf %while3A_573, %get3A_643 : vector<16xf32>
          %get3A_645 = arith.index_cast %rem3A_161 : i32 to index
          %get3A_646 = arith.index_cast %while3A_562 : i32 to index
          %get3A_647 = arith.constant 176 : index
          %get3A_648 = tpu.vector_load %arg6[%get3A_645, %get3A_646, %get3A_647] {strides = array<i32>} : memref<2x48x256xf32, #tpu.memory_space<vmem>>, vector<1x1x16xf32>,
          %get3A_649 = vector.shape_cast %get3A_648 : vector<1x1x16xf32> to vector<16xf32>
          %add3A_650 = arith.addf %while3A_574, %get3A_649 : vector<16xf32>
          %get3A_651 = arith.index_cast %rem3A_161 : i32 to index
          %get3A_652 = arith.index_cast %while3A_562 : i32 to index
          %get3A_653 = arith.constant 192 : index
          %get3A_654 = tpu.vector_load %arg6[%get3A_651, %get3A_652, %get3A_653] {strides = array<i32>} : memref<2x48x256xf32, #tpu.memory_space<vmem>>, vector<1x1x16xf32>,
          %get3A_655 = vector.shape_cast %get3A_654 : vector<1x1x16xf32> to vector<16xf32>
          %add3A_656 = arith.addf %while3A_575, %get3A_655 : vector<16xf32>
          %get3A_657 = arith.index_cast %rem3A_161 : i32 to index
          %get3A_658 = arith.index_cast %while3A_562 : i32 to index
          %get3A_659 = arith.constant 208 : index
          %get3A_660 = tpu.vector_load %arg6[%get3A_657, %get3A_658, %get3A_659] {strides = array<i32>} : memref<2x48x256xf32, #tpu.memory_space<vmem>>, vector<1x1x16xf32>,
          %get3A_661 = vector.shape_cast %get3A_660 : vector<1x1x16xf32> to vector<16xf32>
          %add3A_662 = arith.addf %while3A_576, %get3A_661 : vector<16xf32>
          %get3A_663 = arith.index_cast %rem3A_161 : i32 to index
          %get3A_664 = arith.index_cast %while3A_562 : i32 to index
          %get3A_665 = arith.constant 224 : index
          %get3A_666 = tpu.vector_load %arg6[%get3A_663, %get3A_664, %get3A_665] {strides = array<i32>} : memref<2x48x256xf32, #tpu.memory_space<vmem>>, vector<1x1x16xf32>,
          %get3A_667 = vector.shape_cast %get3A_666 : vector<1x1x16xf32> to vector<16xf32>
          %add3A_668 = arith.addf %while3A_577, %get3A_667 : vector<16xf32>
          %get3A_669 = arith.index_cast %rem3A_161 : i32 to index
          %get3A_670 = arith.index_cast %while3A_562 : i32 to index
          %get3A_671 = arith.constant 240 : index
          %get3A_672 = tpu.vector_load %arg6[%get3A_669, %get3A_670, %get3A_671] {strides = array<i32>} : memref<2x48x256xf32, #tpu.memory_space<vmem>>, vector<1x1x16xf32>,
          %get3A_673 = vector.shape_cast %get3A_672 : vector<1x1x16xf32> to vector<16xf32>
          %add3A_674 = arith.addf %while3A_578, %get3A_673 : vector<16xf32>
          scf.yield %add3A_584, %add3A_590, %add3A_596, %add3A_602, %add3A_608, %add3A_614, %add3A_620, %add3A_626, %add3A_632, %add3A_638, %add3A_644, %add3A_650, %add3A_656, %add3A_662, %add3A_668, %add3A_674 : vector<16xf32>, vector<16xf32>, vector<16xf32>, vector<16xf32>, vector<16xf32>, vector<16xf32>, vector<16xf32>, vector<16xf32>, vector<16xf32>, vector<16xf32>, vector<16xf32>, vector<16xf32>, vector<16xf32>, vector<16xf32>, vector<16xf32>, vector<16xf32>
        }
        %swap3A_474 = arith.index_cast %while3A_204 : i32 to index
        %swap3A_475 = arith.constant 0 : index
        %swap3A_476 = tpu.vector_load %arg7[%swap3A_474, %swap3A_475] {strides = array<i32>} : memref<256x256xf32, #tpu.memory_space<vmem>>, vector<1x16xf32>,
        %swap3A_477 = vector.shape_cast %swap3A_476 : vector<1x16xf32> to vector<16xf32>
        %swap3A_478 = vector.shape_cast %while3A_473#0 : vector<16xf32> to vector<1x16xf32>
        tpu.vector_store %arg7[%swap3A_474, %swap3A_475], %swap3A_478 {add = true, strides = array<i32>} : memref<256x256xf32, #tpu.memory_space<vmem>>, vector<1x16xf32>,
        %swap3A_479 = arith.index_cast %while3A_204 : i32 to index
        %swap3A_480 = arith.constant 16 : index
        %swap3A_481 = tpu.vector_load %arg7[%swap3A_479, %swap3A_480] {strides = array<i32>} : memref<256x256xf32, #tpu.memory_space<vmem>>, vector<1x16xf32>,
        %swap3A_482 = vector.shape_cast %swap3A_481 : vector<1x16xf32> to vector<16xf32>
        %swap3A_483 = vector.shape_cast %while3A_473#1 : vector<16xf32> to vector<1x16xf32>
        tpu.vector_store %arg7[%swap3A_479, %swap3A_480], %swap3A_483 {add = true, strides = array<i32>} : memref<256x256xf32, #tpu.memory_space<vmem>>, vector<1x16xf32>,
        %swap3A_484 = arith.index_cast %while3A_204 : i32 to index
        %swap3A_485 = arith.constant 32 : index
        %swap3A_486 = tpu.vector_load %arg7[%swap3A_484, %swap3A_485] {strides = array<i32>} : memref<256x256xf32, #tpu.memory_space<vmem>>, vector<1x16xf32>,
        %swap3A_487 = vector.shape_cast %swap3A_486 : vector<1x16xf32> to vector<16xf32>
        %swap3A_488 = vector.shape_cast %while3A_473#2 : vector<16xf32> to vector<1x16xf32>
        tpu.vector_store %arg7[%swap3A_484, %swap3A_485], %swap3A_488 {add = true, strides = array<i32>} : memref<256x256xf32, #tpu.memory_space<vmem>>, vector<1x16xf32>,
        %swap3A_489 = arith.index_cast %while3A_204 : i32 to index
        %swap3A_490 = arith.constant 48 : index
        %swap3A_491 = tpu.vector_load %arg7[%swap3A_489, %swap3A_490] {strides = array<i32>} : memref<256x256xf32, #tpu.memory_space<vmem>>, vector<1x16xf32>,
        %swap3A_492 = vector.shape_cast %swap3A_491 : vector<1x16xf32> to vector<16xf32>
        %swap3A_493 = vector.shape_cast %while3A_473#3 : vector<16xf32> to vector<1x16xf32>
        tpu.vector_store %arg7[%swap3A_489, %swap3A_490], %swap3A_493 {add = true, strides = array<i32>} : memref<256x256xf32, #tpu.memory_space<vmem>>, vector<1x16xf32>,
        %swap3A_494 = arith.index_cast %while3A_204 : i32 to index
        %swap3A_495 = arith.constant 64 : index
        %swap3A_496 = tpu.vector_load %arg7[%swap3A_494, %swap3A_495] {strides = array<i32>} : memref<256x256xf32, #tpu.memory_space<vmem>>, vector<1x16xf32>,
        %swap3A_497 = vector.shape_cast %swap3A_496 : vector<1x16xf32> to vector<16xf32>
        %swap3A_498 = vector.shape_cast %while3A_473#4 : vector<16xf32> to vector<1x16xf32>
        tpu.vector_store %arg7[%swap3A_494, %swap3A_495], %swap3A_498 {add = true, strides = array<i32>} : memref<256x256xf32, #tpu.memory_space<vmem>>, vector<1x16xf32>,
        %swap3A_499 = arith.index_cast %while3A_204 : i32 to index
        %swap3A_500 = arith.constant 80 : index
        %swap3A_501 = tpu.vector_load %arg7[%swap3A_499, %swap3A_500] {strides = array<i32>} : memref<256x256xf32, #tpu.memory_space<vmem>>, vector<1x16xf32>,
        %swap3A_502 = vector.shape_cast %swap3A_501 : vector<1x16xf32> to vector<16xf32>
        %swap3A_503 = vector.shape_cast %while3A_473#5 : vector<16xf32> to vector<1x16xf32>
        tpu.vector_store %arg7[%swap3A_499, %swap3A_500], %swap3A_503 {add = true, strides = array<i32>} : memref<256x256xf32, #tpu.memory_space<vmem>>, vector<1x16xf32>,
        %swap3A_504 = arith.index_cast %while3A_204 : i32 to index
        %swap3A_505 = arith.constant 96 : index
        %swap3A_506 = tpu.vector_load %arg7[%swap3A_504, %swap3A_505] {strides = array<i32>} : memref<256x256xf32, #tpu.memory_space<vmem>>, vector<1x16xf32>,
        %swap3A_507 = vector.shape_cast %swap3A_506 : vector<1x16xf32> to vector<16xf32>
        %swap3A_508 = vector.shape_cast %while3A_473#6 : vector<16xf32> to vector<1x16xf32>
        tpu.vector_store %arg7[%swap3A_504, %swap3A_505], %swap3A_508 {add = true, strides = array<i32>} : memref<256x256xf32, #tpu.memory_space<vmem>>, vector<1x16xf32>,
        %swap3A_509 = arith.index_cast %while3A_204 : i32 to index
        %swap3A_510 = arith.constant 112 : index
        %swap3A_511 = tpu.vector_load %arg7[%swap3A_509, %swap3A_510] {strides = array<i32>} : memref<256x256xf32, #tpu.memory_space<vmem>>, vector<1x16xf32>,
        %swap3A_512 = vector.shape_cast %swap3A_511 : vector<1x16xf32> to vector<16xf32>
        %swap3A_513 = vector.shape_cast %while3A_473#7 : vector<16xf32> to vector<1x16xf32>
        tpu.vector_store %arg7[%swap3A_509, %swap3A_510], %swap3A_513 {add = true, strides = array<i32>} : memref<256x256xf32, #tpu.memory_space<vmem>>, vector<1x16xf32>,
        %swap3A_514 = arith.index_cast %while3A_204 : i32 to index
        %swap3A_515 = arith.constant 128 : index
        %swap3A_516 = tpu.vector_load %arg7[%swap3A_514, %swap3A_515] {strides = array<i32>} : memref<256x256xf32, #tpu.memory_space<vmem>>, vector<1x16xf32>,
        %swap3A_517 = vector.shape_cast %swap3A_516 : vector<1x16xf32> to vector<16xf32>
        %swap3A_518 = vector.shape_cast %while3A_473#8 : vector<16xf32> to vector<1x16xf32>
        tpu.vector_store %arg7[%swap3A_514, %swap3A_515], %swap3A_518 {add = true, strides = array<i32>} : memref<256x256xf32, #tpu.memory_space<vmem>>, vector<1x16xf32>,
        %swap3A_519 = arith.index_cast %while3A_204 : i32 to index
        %swap3A_520 = arith.constant 144 : index
        %swap3A_521 = tpu.vector_load %arg7[%swap3A_519, %swap3A_520] {strides = array<i32>} : memref<256x256xf32, #tpu.memory_space<vmem>>, vector<1x16xf32>,
        %swap3A_522 = vector.shape_cast %swap3A_521 : vector<1x16xf32> to vector<16xf32>
        %swap3A_523 = vector.shape_cast %while3A_473#9 : vector<16xf32> to vector<1x16xf32>
        tpu.vector_store %arg7[%swap3A_519, %swap3A_520], %swap3A_523 {add = true, strides = array<i32>} : memref<256x256xf32, #tpu.memory_space<vmem>>, vector<1x16xf32>,
        %swap3A_524 = arith.index_cast %while3A_204 : i32 to index
        %swap3A_525 = arith.constant 160 : index
        %swap3A_526 = tpu.vector_load %arg7[%swap3A_524, %swap3A_525] {strides = array<i32>} : memref<256x256xf32, #tpu.memory_space<vmem>>, vector<1x16xf32>,
        %swap3A_527 = vector.shape_cast %swap3A_526 : vector<1x16xf32> to vector<16xf32>
        %swap3A_528 = vector.shape_cast %while3A_473#10 : vector<16xf32> to vector<1x16xf32>
        tpu.vector_store %arg7[%swap3A_524, %swap3A_525], %swap3A_528 {add = true, strides = array<i32>} : memref<256x256xf32, #tpu.memory_space<vmem>>, vector<1x16xf32>,
        %swap3A_529 = arith.index_cast %while3A_204 : i32 to index
        %swap3A_530 = arith.constant 176 : index
        %swap3A_531 = tpu.vector_load %arg7[%swap3A_529, %swap3A_530] {strides = array<i32>} : memref<256x256xf32, #tpu.memory_space<vmem>>, vector<1x16xf32>,
        %swap3A_532 = vector.shape_cast %swap3A_531 : vector<1x16xf32> to vector<16xf32>
        %swap3A_533 = vector.shape_cast %while3A_473#11 : vector<16xf32> to vector<1x16xf32>
        tpu.vector_store %arg7[%swap3A_529, %swap3A_530], %swap3A_533 {add = true, strides = array<i32>} : memref<256x256xf32, #tpu.memory_space<vmem>>, vector<1x16xf32>,
        %swap3A_534 = arith.index_cast %while3A_204 : i32 to index
        %swap3A_535 = arith.constant 192 : index
        %swap3A_536 = tpu.vector_load %arg7[%swap3A_534, %swap3A_535] {strides = array<i32>} : memref<256x256xf32, #tpu.memory_space<vmem>>, vector<1x16xf32>,
        %swap3A_537 = vector.shape_cast %swap3A_536 : vector<1x16xf32> to vector<16xf32>
        %swap3A_538 = vector.shape_cast %while3A_473#12 : vector<16xf32> to vector<1x16xf32>
        tpu.vector_store %arg7[%swap3A_534, %swap3A_535], %swap3A_538 {add = true, strides = array<i32>} : memref<256x256xf32, #tpu.memory_space<vmem>>, vector<1x16xf32>,
        %swap3A_539 = arith.index_cast %while3A_204 : i32 to index
        %swap3A_540 = arith.constant 208 : index
        %swap3A_541 = tpu.vector_load %arg7[%swap3A_539, %swap3A_540] {strides = array<i32>} : memref<256x256xf32, #tpu.memory_space<vmem>>, vector<1x16xf32>,
        %swap3A_542 = vector.shape_cast %swap3A_541 : vector<1x16xf32> to vector<16xf32>
        %swap3A_543 = vector.shape_cast %while3A_473#13 : vector<16xf32> to vector<1x16xf32>
        tpu.vector_store %arg7[%swap3A_539, %swap3A_540], %swap3A_543 {add = true, strides = array<i32>} : memref<256x256xf32, #tpu.memory_space<vmem>>, vector<1x16xf32>,
        %swap3A_544 = arith.index_cast %while3A_204 : i32 to index
        %swap3A_545 = arith.constant 224 : index
        %swap3A_546 = tpu.vector_load %arg7[%swap3A_544, %swap3A_545] {strides = array<i32>} : memref<256x256xf32, #tpu.memory_space<vmem>>, vector<1x16xf32>,
        %swap3A_547 = vector.shape_cast %swap3A_546 : vector<1x16xf32> to vector<16xf32>
        %swap3A_548 = vector.shape_cast %while3A_473#14 : vector<16xf32> to vector<1x16xf32>
        tpu.vector_store %arg7[%swap3A_544, %swap3A_545], %swap3A_548 {add = true, strides = array<i32>} : memref<256x256xf32, #tpu.memory_space<vmem>>, vector<1x16xf32>,
        %swap3A_549 = arith.index_cast %while3A_204 : i32 to index
        %swap3A_550 = arith.constant 240 : index
        %swap3A_551 = tpu.vector_load %arg7[%swap3A_549, %swap3A_550] {strides = array<i32>} : memref<256x256xf32, #tpu.memory_space<vmem>>, vector<1x16xf32>,
        %swap3A_552 = vector.shape_cast %swap3A_551 : vector<1x16xf32> to vector<16xf32>
        %swap3A_553 = vector.shape_cast %while3A_473#15 : vector<16xf32> to vector<1x16xf32>
        tpu.vector_store %arg7[%swap3A_549, %swap3A_550], %swap3A_553 {add = true, strides = array<i32>} : memref<256x256xf32, #tpu.memory_space<vmem>>, vector<1x16xf32>,
        %sub3A_554 = arith.subi %select_n3A_457, %while3A_205 : i32
        %convert_element_type3A_555 = arith.sitofp %sub3A_554 : i32 to f32
        %broadcast_in_dim3A_556 = vector.broadcast %convert_element_type3A_555 : f32 to vector<16xf32>
        %swap3A_557 = arith.index_cast %while3A_204 : i32 to index
        %swap3A_558 = arith.constant 0 : index
        %swap3A_559 = tpu.vector_load %arg8[%swap3A_557, %swap3A_558] {strides = array<i32>} : memref<256x16xf32, #tpu.memory_space<vmem>>, vector<1x16xf32>,
        %swap3A_560 = vector.shape_cast %swap3A_559 : vector<1x16xf32> to vector<16xf32>
        %swap3A_561 = vector.shape_cast %broadcast_in_dim3A_556 : vector<16xf32> to vector<1x16xf32>
        tpu.vector_store %arg8[%swap3A_557, %swap3A_558], %swap3A_561 {add = true, strides = array<i32>} : memref<256x16xf32, #tpu.memory_space<vmem>>, vector<1x16xf32>,
        scf.yield %select_n3A_457 : i32
      }
      %while3A_202 = arith.constant 1 : i32
      %while3A_203 = scf.for %while3A_204 = %while3A_199 to %while3A_195 step %while3A_202 iter_args(%while3A_205 = %while3A_201) -> (i32)  : i32 {
        %add3A_206 = arith.addi %while3A_205, %min3A_170 : i32
        %jit3A_207 = arith.constant 2 : i32
        %div3A_208 = arith.divsi %add3A_206, %jit3A_207 : i32
        %sign3A_209 = arith.constant 0 : i32
        %sign3A_210 = arith.cmpi sgt, %add3A_206, %sign3A_209 : i32
        %sign3A_211 = arith.extui %sign3A_210 : i1 to i32
        %sign3A_212 = arith.constant 0 : i32
        %sign3A_213 = arith.cmpi slt, %add3A_206, %sign3A_212 : i32
        %sign3A_214 = arith.extui %sign3A_213 : i1 to i32
        %sign3A_215 = arith.subi %sign3A_211, %sign3A_214 : i32
        %sign3A_216 = arith.constant 0 : i32
        %sign3A_217 = arith.cmpi sgt, %jit3A_207, %sign3A_216 : i32
        %sign3A_218 = arith.extui %sign3A_217 : i1 to i32
        %sign3A_219 = arith.constant 0 : i32
        %sign3A_220 = arith.cmpi slt, %jit3A_207, %sign3A_219 : i32
        %sign3A_221 = arith.extui %sign3A_220 : i1 to i32
        %sign3A_222 = arith.subi %sign3A_218, %sign3A_221 : i32
        %ne3A_223 = arith.cmpi ne, %sign3A_215, %sign3A_222 : i32
        %rem3A_224 = arith.remsi %add3A_206, %jit3A_207 : i32
        %ne3A_225 = arith.constant 0 : i32
        %ne3A_226 = arith.cmpi ne, %rem3A_224, %ne3A_225 : i32
        %and3A_227 = arith.andi %ne3A_223, %ne3A_226 : i1
        %sub3A_228 = arith.constant 1 : i32
        %sub3A_229 = arith.subi %div3A_208, %sub3A_228 : i32
        %select_n3A_230 = arith.select %and3A_227, %sub3A_229, %div3A_208 : i32
        %min3A_231 = arith.constant 4095 : i32
        %min3A_232 = arith.minsi %select_n3A_230, %min3A_231 : i32
        %get3A_233 = arith.index_cast %min3A_232 : i32 to index
        %get3A_234 = tpu.vector_load %arg5[%get3A_233] {strides = array<i32>} : memref<4112xi32, #tpu.memory_space<vmem>>, vector<16xi32>,
        %get3A_235 = vector.shape_cast %get3A_234 : vector<16xi32> to vector<16xi32>
        %slice3A_236 = vector.extract_strided_slice %get3A_235 {offsets = [0], sizes = [1], strides = [1]} : vector<16xi32> to vector<1xi32>
        %squeeze3A_237 = vector.extract %slice3A_236[0] : i32 from vector<1xi32>
        %lt3A_238 = arith.cmpi slt, %while3A_205, %min3A_170 : i32
        %add3A_239 = arith.addi %while3A_204, %mul3A_32 : i32
        %le3A = arith.cmpi sle, %squeeze3A_237, %add3A_239 : i32
        %and3A_240 = arith.andi %lt3A_238, %le3A : i1
        %add3A_241 = arith.constant 1 : i32
        %add3A_242 = arith.addi %select_n3A_230, %add3A_241 : i32
        %select_n3A_243 = arith.select %and3A_240, %add3A_242, %while3A_205 : i32
        %not3A = arith.constant true
        %not3A_244 = arith.xori %le3A, %not3A : i1
        %and3A_245 = arith.andi %lt3A_238, %not3A_244 : i1
        %select_n3A_246 = arith.select %and3A_245, %select_n3A_230, %min3A_170 : i32
        %add3A_247 = arith.addi %select_n3A_243, %select_n3A_246 : i32
        %jit3A_248 = arith.constant 2 : i32
        %div3A_249 = arith.divsi %add3A_247, %jit3A_248 : i32
        %sign3A_250 = arith.constant 0 : i32
        %sign3A_251 = arith.cmpi sgt, %add3A_247, %sign3A_250 : i32
        %sign3A_252 = arith.extui %sign3A_251 : i1 to i32
        %sign3A_253 = arith.constant 0 : i32
        %sign3A_254 = arith.cmpi slt, %add3A_247, %sign3A_253 : i32
        %sign3A_255 = arith.extui %sign3A_254 : i1 to i32
        %sign3A_256 = arith.subi %sign3A_252, %sign3A_255 : i32
        %sign3A_257 = arith.constant 0 : i32
        %sign3A_258 = arith.cmpi sgt, %jit3A_248, %sign3A_257 : i32
        %sign3A_259 = arith.extui %sign3A_258 : i1 to i32
        %sign3A_260 = arith.constant 0 : i32
        %sign3A_261 = arith.cmpi slt, %jit3A_248, %sign3A_260 : i32
        %sign3A_262 = arith.extui %sign3A_261 : i1 to i32
        %sign3A_263 = arith.subi %sign3A_259, %sign3A_262 : i32
        %ne3A_264 = arith.cmpi ne, %sign3A_256, %sign3A_263 : i32
        %rem3A_265 = arith.remsi %add3A_247, %jit3A_248 : i32
        %ne3A_266 = arith.constant 0 : i32
        %ne3A_267 = arith.cmpi ne, %rem3A_265, %ne3A_266 : i32
        %and3A_268 = arith.andi %ne3A_264, %ne3A_267 : i1
        %sub3A_269 = arith.constant 1 : i32
        %sub3A_270 = arith.subi %div3A_249, %sub3A_269 : i32
        %select_n3A_271 = arith.select %and3A_268, %sub3A_270, %div3A_249 : i32
        %min3A_272 = arith.constant 4095 : i32
        %min3A_273 = arith.minsi %select_n3A_271, %min3A_272 : i32
        %get3A_274 = arith.index_cast %min3A_273 : i32 to index
        %get3A_275 = tpu.vector_load %arg5[%get3A_274] {strides = array<i32>} : memref<4112xi32, #tpu.memory_space<vmem>>, vector<16xi32>,
        %get3A_276 = vector.shape_cast %get3A_275 : vector<16xi32> to vector<16xi32>
        %slice3A_277 = vector.extract_strided_slice %get3A_276 {offsets = [0], sizes = [1], strides = [1]} : vector<16xi32> to vector<1xi32>
        %squeeze3A_278 = vector.extract %slice3A_277[0] : i32 from vector<1xi32>
        %lt3A_279 = arith.cmpi slt, %select_n3A_243, %select_n3A_246 : i32
        %add3A_280 = arith.addi %while3A_204, %mul3A_32 : i32
        %le3A_281 = arith.cmpi sle, %squeeze3A_278, %add3A_280 : i32
        %and3A_282 = arith.andi %lt3A_279, %le3A_281 : i1
        %add3A_283 = arith.constant 1 : i32
        %add3A_284 = arith.addi %select_n3A_271, %add3A_283 : i32
        %select_n3A_285 = arith.select %and3A_282, %add3A_284, %select_n3A_243 : i32
        %not3A_286 = arith.constant true
        %not3A_287 = arith.xori %le3A_281, %not3A_286 : i1
        %and3A_288 = arith.andi %lt3A_279, %not3A_287 : i1
        %select_n3A_289 = arith.select %and3A_288, %select_n3A_271, %select_n3A_246 : i32
        %add3A_290 = arith.addi %select_n3A_285, %select_n3A_289 : i32
        %jit3A_291 = arith.constant 2 : i32
        %div3A_292 = arith.divsi %add3A_290, %jit3A_291 : i32
        %sign3A_293 = arith.constant 0 : i32
        %sign3A_294 = arith.cmpi sgt, %add3A_290, %sign3A_293 : i32
        %sign3A_295 = arith.extui %sign3A_294 : i1 to i32
        %sign3A_296 = arith.constant 0 : i32
        %sign3A_297 = arith.cmpi slt, %add3A_290, %sign3A_296 : i32
        %sign3A_298 = arith.extui %sign3A_297 : i1 to i32
        %sign3A_299 = arith.subi %sign3A_295, %sign3A_298 : i32
        %sign3A_300 = arith.constant 0 : i32
        %sign3A_301 = arith.cmpi sgt, %jit3A_291, %sign3A_300 : i32
        %sign3A_302 = arith.extui %sign3A_301 : i1 to i32
        %sign3A_303 = arith.constant 0 : i32
        %sign3A_304 = arith.cmpi slt, %jit3A_291, %sign3A_303 : i32
        %sign3A_305 = arith.extui %sign3A_304 : i1 to i32
        %sign3A_306 = arith.subi %sign3A_302, %sign3A_305 : i32
        %ne3A_307 = arith.cmpi ne, %sign3A_299, %sign3A_306 : i32
        %rem3A_308 = arith.remsi %add3A_290, %jit3A_291 : i32
        %ne3A_309 = arith.constant 0 : i32
        %ne3A_310 = arith.cmpi ne, %rem3A_308, %ne3A_309 : i32
        %and3A_311 = arith.andi %ne3A_307, %ne3A_310 : i1
        %sub3A_312 = arith.constant 1 : i32
        %sub3A_313 = arith.subi %div3A_292, %sub3A_312 : i32
        %select_n3A_314 = arith.select %and3A_311, %sub3A_313, %div3A_292 : i32
        %min3A_315 = arith.constant 4095 : i32
        %min3A_316 = arith.minsi %select_n3A_314, %min3A_315 : i32
        %get3A_317 = arith.index_cast %min3A_316 : i32 to index
        %get3A_318 = tpu.vector_load %arg5[%get3A_317] {strides = array<i32>} : memref<4112xi32, #tpu.memory_space<vmem>>, vector<16xi32>,
        %get3A_319 = vector.shape_cast %get3A_318 : vector<16xi32> to vector<16xi32>
        %slice3A_320 = vector.extract_strided_slice %get3A_319 {offsets = [0], sizes = [1], strides = [1]} : vector<16xi32> to vector<1xi32>
        %squeeze3A_321 = vector.extract %slice3A_320[0] : i32 from vector<1xi32>
        %lt3A_322 = arith.cmpi slt, %select_n3A_285, %select_n3A_289 : i32
        %add3A_323 = arith.addi %while3A_204, %mul3A_32 : i32
        %le3A_324 = arith.cmpi sle, %squeeze3A_321, %add3A_323 : i32
        %and3A_325 = arith.andi %lt3A_322, %le3A_324 : i1
        %add3A_326 = arith.constant 1 : i32
        %add3A_327 = arith.addi %select_n3A_314, %add3A_326 : i32
        %select_n3A_328 = arith.select %and3A_325, %add3A_327, %select_n3A_285 : i32
        %not3A_329 = arith.constant true
        %not3A_330 = arith.xori %le3A_324, %not3A_329 : i1
        %and3A_331 = arith.andi %lt3A_322, %not3A_330 : i1
        %select_n3A_332 = arith.select %and3A_331, %select_n3A_314, %select_n3A_289 : i32
        %add3A_333 = arith.addi %select_n3A_328, %select_n3A_332 : i32
        %jit3A_334 = arith.constant 2 : i32
        %div3A_335 = arith.divsi %add3A_333, %jit3A_334 : i32
        %sign3A_336 = arith.constant 0 : i32
        %sign3A_337 = arith.cmpi sgt, %add3A_333, %sign3A_336 : i32
        %sign3A_338 = arith.extui %sign3A_337 : i1 to i32
        %sign3A_339 = arith.constant 0 : i32
        %sign3A_340 = arith.cmpi slt, %add3A_333, %sign3A_339 : i32
        %sign3A_341 = arith.extui %sign3A_340 : i1 to i32
        %sign3A_342 = arith.subi %sign3A_338, %sign3A_341 : i32
        %sign3A_343 = arith.constant 0 : i32
        %sign3A_344 = arith.cmpi sgt, %jit3A_334, %sign3A_343 : i32
        %sign3A_345 = arith.extui %sign3A_344 : i1 to i32
        %sign3A_346 = arith.constant 0 : i32
        %sign3A_347 = arith.cmpi slt, %jit3A_334, %sign3A_346 : i32
        %sign3A_348 = arith.extui %sign3A_347 : i1 to i32
        %sign3A_349 = arith.subi %sign3A_345, %sign3A_348 : i32
        %ne3A_350 = arith.cmpi ne, %sign3A_342, %sign3A_349 : i32
        %rem3A_351 = arith.remsi %add3A_333, %jit3A_334 : i32
        %ne3A_352 = arith.constant 0 : i32
        %ne3A_353 = arith.cmpi ne, %rem3A_351, %ne3A_352 : i32
        %and3A_354 = arith.andi %ne3A_350, %ne3A_353 : i1
        %sub3A_355 = arith.constant 1 : i32
        %sub3A_356 = arith.subi %div3A_335, %sub3A_355 : i32
        %select_n3A_357 = arith.select %and3A_354, %sub3A_356, %div3A_335 : i32
        %min3A_358 = arith.constant 4095 : i32
        %min3A_359 = arith.minsi %select_n3A_357, %min3A_358 : i32
        %get3A_360 = arith.index_cast %min3A_359 : i32 to index
        %get3A_361 = tpu.vector_load %arg5[%get3A_360] {strides = array<i32>} : memref<4112xi32, #tpu.memory_space<vmem>>, vector<16xi32>,
        %get3A_362 = vector.shape_cast %get3A_361 : vector<16xi32> to vector<16xi32>
        %slice3A_363 = vector.extract_strided_slice %get3A_362 {offsets = [0], sizes = [1], strides = [1]} : vector<16xi32> to vector<1xi32>
        %squeeze3A_364 = vector.extract %slice3A_363[0] : i32 from vector<1xi32>
        %lt3A_365 = arith.cmpi slt, %select_n3A_328, %select_n3A_332 : i32
        %add3A_366 = arith.addi %while3A_204, %mul3A_32 : i32
        %le3A_367 = arith.cmpi sle, %squeeze3A_364, %add3A_366 : i32
        %and3A_368 = arith.andi %lt3A_365, %le3A_367 : i1
        %add3A_369 = arith.constant 1 : i32
        %add3A_370 = arith.addi %select_n3A_357, %add3A_369 : i32
        %select_n3A_371 = arith.select %and3A_368, %add3A_370, %select_n3A_328 : i32
        %not3A_372 = arith.constant true
        %not3A_373 = arith.xori %le3A_367, %not3A_372 : i1
        %and3A_374 = arith.andi %lt3A_365, %not3A_373 : i1
        %select_n3A_375 = arith.select %and3A_374, %select_n3A_357, %select_n3A_332 : i32
        %add3A_376 = arith.addi %select_n3A_371, %select_n3A_375 : i32
        %jit3A_377 = arith.constant 2 : i32
        %div3A_378 = arith.divsi %add3A_376, %jit3A_377 : i32
        %sign3A_379 = arith.constant 0 : i32
        %sign3A_380 = arith.cmpi sgt, %add3A_376, %sign3A_379 : i32
        %sign3A_381 = arith.extui %sign3A_380 : i1 to i32
        %sign3A_382 = arith.constant 0 : i32
        %sign3A_383 = arith.cmpi slt, %add3A_376, %sign3A_382 : i32
        %sign3A_384 = arith.extui %sign3A_383 : i1 to i32
        %sign3A_385 = arith.subi %sign3A_381, %sign3A_384 : i32
        %sign3A_386 = arith.constant 0 : i32
        %sign3A_387 = arith.cmpi sgt, %jit3A_377, %sign3A_386 : i32
        %sign3A_388 = arith.extui %sign3A_387 : i1 to i32
        %sign3A_389 = arith.constant 0 : i32
        %sign3A_390 = arith.cmpi slt, %jit3A_377, %sign3A_389 : i32
        %sign3A_391 = arith.extui %sign3A_390 : i1 to i32
        %sign3A_392 = arith.subi %sign3A_388, %sign3A_391 : i32
        %ne3A_393 = arith.cmpi ne, %sign3A_385, %sign3A_392 : i32
        %rem3A_394 = arith.remsi %add3A_376, %jit3A_377 : i32
        %ne3A_395 = arith.constant 0 : i32
        %ne3A_396 = arith.cmpi ne, %rem3A_394, %ne3A_395 : i32
        %and3A_397 = arith.andi %ne3A_393, %ne3A_396 : i1
        %sub3A_398 = arith.constant 1 : i32
        %sub3A_399 = arith.subi %div3A_378, %sub3A_398 : i32
        %select_n3A_400 = arith.select %and3A_397, %sub3A_399, %div3A_378 : i32
        %min3A_401 = arith.constant 4095 : i32
        %min3A_402 = arith.minsi %select_n3A_400, %min3A_401 : i32
        %get3A_403 = arith.index_cast %min3A_402 : i32 to index
        %get3A_404 = tpu.vector_load %arg5[%get3A_403] {strides = array<i32>} : memref<4112xi32, #tpu.memory_space<vmem>>, vector<16xi32>,
        %get3A_405 = vector.shape_cast %get3A_404 : vector<16xi32> to vector<16xi32>
        %slice3A_406 = vector.extract_strided_slice %get3A_405 {offsets = [0], sizes = [1], strides = [1]} : vector<16xi32> to vector<1xi32>
        %squeeze3A_407 = vector.extract %slice3A_406[0] : i32 from vector<1xi32>
        %lt3A_408 = arith.cmpi slt, %select_n3A_371, %select_n3A_375 : i32
        %add3A_409 = arith.addi %while3A_204, %mul3A_32 : i32
        %le3A_410 = arith.cmpi sle, %squeeze3A_407, %add3A_409 : i32
        %and3A_411 = arith.andi %lt3A_408, %le3A_410 : i1
        %add3A_412 = arith.constant 1 : i32
        %add3A_413 = arith.addi %select_n3A_400, %add3A_412 : i32
        %select_n3A_414 = arith.select %and3A_411, %add3A_413, %select_n3A_371 : i32
        %not3A_415 = arith.constant true
        %not3A_416 = arith.xori %le3A_410, %not3A_415 : i1
        %and3A_417 = arith.andi %lt3A_408, %not3A_416 : i1
        %select_n3A_418 = arith.select %and3A_417, %select_n3A_400, %select_n3A_375 : i32
        %add3A_419 = arith.addi %select_n3A_414, %select_n3A_418 : i32
        %jit3A_420 = arith.constant 2 : i32
        %div3A_421 = arith.divsi %add3A_419, %jit3A_420 : i32
        %sign3A_422 = arith.constant 0 : i32
        %sign3A_423 = arith.cmpi sgt, %add3A_419, %sign3A_422 : i32
        %sign3A_424 = arith.extui %sign3A_423 : i1 to i32
        %sign3A_425 = arith.constant 0 : i32
        %sign3A_426 = arith.cmpi slt, %add3A_419, %sign3A_425 : i32
        %sign3A_427 = arith.extui %sign3A_426 : i1 to i32
        %sign3A_428 = arith.subi %sign3A_424, %sign3A_427 : i32
        %sign3A_429 = arith.constant 0 : i32
        %sign3A_430 = arith.cmpi sgt, %jit3A_420, %sign3A_429 : i32
        %sign3A_431 = arith.extui %sign3A_430 : i1 to i32
        %sign3A_432 = arith.constant 0 : i32
        %sign3A_433 = arith.cmpi slt, %jit3A_420, %sign3A_432 : i32
        %sign3A_434 = arith.extui %sign3A_433 : i1 to i32
        %sign3A_435 = arith.subi %sign3A_431, %sign3A_434 : i32
        %ne3A_436 = arith.cmpi ne, %sign3A_428, %sign3A_435 : i32
        %rem3A_437 = arith.remsi %add3A_419, %jit3A_420 : i32
        %ne3A_438 = arith.constant 0 : i32
        %ne3A_439 = arith.cmpi ne, %rem3A_437, %ne3A_438 : i32
        %and3A_440 = arith.andi %ne3A_436, %ne3A_439 : i1
        %sub3A_441 = arith.constant 1 : i32
        %sub3A_442 = arith.subi %div3A_421, %sub3A_441 : i32
        %select_n3A_443 = arith.select %and3A_440, %sub3A_442, %div3A_421 : i32
        %min3A_444 = arith.constant 4095 : i32
        %min3A_445 = arith.minsi %select_n3A_443, %min3A_444 : i32
        %get3A_446 = arith.index_cast %min3A_445 : i32 to index
        %get3A_447 = tpu.vector_load %arg5[%get3A_446] {strides = array<i32>} : memref<4112xi32, #tpu.memory_space<vmem>>, vector<16xi32>,
        %get3A_448 = vector.shape_cast %get3A_447 : vector<16xi32> to vector<16xi32>
        %slice3A_449 = vector.extract_strided_slice %get3A_448 {offsets = [0], sizes = [1], strides = [1]} : vector<16xi32> to vector<1xi32>
        %squeeze3A_450 = vector.extract %slice3A_449[0] : i32 from vector<1xi32>
        %lt3A_451 = arith.cmpi slt, %select_n3A_414, %select_n3A_418 : i32
        %add3A_452 = arith.addi %while3A_204, %mul3A_32 : i32
        %le3A_453 = arith.cmpi sle, %squeeze3A_450, %add3A_452 : i32
        %and3A_454 = arith.andi %lt3A_451, %le3A_453 : i1
        %add3A_455 = arith.constant 1 : i32
        %add3A_456 = arith.addi %select_n3A_443, %add3A_455 : i32
        %select_n3A_457 = arith.select %and3A_454, %add3A_456, %select_n3A_414 : i32
        %not3A_458 = arith.constant true
        %not3A_459 = arith.xori %le3A_453, %not3A_458 : i1
        %and3A_460 = arith.andi %lt3A_451, %not3A_459 : i1
        %select_n3A_461 = arith.select %and3A_460, %select_n3A_443, %select_n3A_418 : i32
        %sub3A_462 = arith.subi %while3A_205, %multiple_of3A : i32
        %sub3A_463 = arith.subi %select_n3A_457, %multiple_of3A : i32
        %while3A_464 = arith.subi %sub3A_463, %sub3A_462 : i32
        %while3A_465 = arith.addi %sub3A_462, %while3A_464 : i32
        %while3A_466 = arith.constant 1 : i32
        %while3A_467 = arith.divsi %while3A_464, %while3A_466 : i32
        %while3A_468 = arith.muli %while3A_467, %while3A_466 : i32
        %while3A_469 = arith.addi %sub3A_462, %while3A_468 : i32
        %while3A_470 = arith.constant 1 : i32
        %while3A_471:16 = scf.for %while3A_562 = %sub3A_462 to %while3A_469 step %while3A_470 iter_args(%while3A_563 = %broadcast_in_dim3A_33, %while3A_564 = %broadcast_in_dim3A_33, %while3A_565 = %broadcast_in_dim3A_33, %while3A_566 = %broadcast_in_dim3A_33, %while3A_567 = %broadcast_in_dim3A_33, %while3A_568 = %broadcast_in_dim3A_33, %while3A_569 = %broadcast_in_dim3A_33, %while3A_570 = %broadcast_in_dim3A_33, %while3A_571 = %broadcast_in_dim3A_33, %while3A_572 = %broadcast_in_dim3A_33, %while3A_573 = %broadcast_in_dim3A_33, %while3A_574 = %broadcast_in_dim3A_33, %while3A_575 = %broadcast_in_dim3A_33, %while3A_576 = %broadcast_in_dim3A_33, %while3A_577 = %broadcast_in_dim3A_33, %while3A_578 = %broadcast_in_dim3A_33) -> (vector<16xf32>, vector<16xf32>, vector<16xf32>, vector<16xf32>, vector<16xf32>, vector<16xf32>, vector<16xf32>, vector<16xf32>, vector<16xf32>, vector<16xf32>, vector<16xf32>, vector<16xf32>, vector<16xf32>, vector<16xf32>, vector<16xf32>, vector<16xf32>)  : i32 {
          %get3A_579 = arith.index_cast %rem3A_161 : i32 to index
          %get3A_580 = arith.index_cast %while3A_562 : i32 to index
          %get3A_581 = arith.constant 0 : index
          %get3A_582 = tpu.vector_load %arg6[%get3A_579, %get3A_580, %get3A_581] {strides = array<i32>} : memref<2x48x256xf32, #tpu.memory_space<vmem>>, vector<1x1x16xf32>,
          %get3A_583 = vector.shape_cast %get3A_582 : vector<1x1x16xf32> to vector<16xf32>
          %add3A_584 = arith.addf %while3A_563, %get3A_583 : vector<16xf32>
          %get3A_585 = arith.index_cast %rem3A_161 : i32 to index
          %get3A_586 = arith.index_cast %while3A_562 : i32 to index
          %get3A_587 = arith.constant 16 : index
          %get3A_588 = tpu.vector_load %arg6[%get3A_585, %get3A_586, %get3A_587] {strides = array<i32>} : memref<2x48x256xf32, #tpu.memory_space<vmem>>, vector<1x1x16xf32>,
          %get3A_589 = vector.shape_cast %get3A_588 : vector<1x1x16xf32> to vector<16xf32>
          %add3A_590 = arith.addf %while3A_564, %get3A_589 : vector<16xf32>
          %get3A_591 = arith.index_cast %rem3A_161 : i32 to index
          %get3A_592 = arith.index_cast %while3A_562 : i32 to index
          %get3A_593 = arith.constant 32 : index
          %get3A_594 = tpu.vector_load %arg6[%get3A_591, %get3A_592, %get3A_593] {strides = array<i32>} : memref<2x48x256xf32, #tpu.memory_space<vmem>>, vector<1x1x16xf32>,
          %get3A_595 = vector.shape_cast %get3A_594 : vector<1x1x16xf32> to vector<16xf32>
          %add3A_596 = arith.addf %while3A_565, %get3A_595 : vector<16xf32>
          %get3A_597 = arith.index_cast %rem3A_161 : i32 to index
          %get3A_598 = arith.index_cast %while3A_562 : i32 to index
          %get3A_599 = arith.constant 48 : index
          %get3A_600 = tpu.vector_load %arg6[%get3A_597, %get3A_598, %get3A_599] {strides = array<i32>} : memref<2x48x256xf32, #tpu.memory_space<vmem>>, vector<1x1x16xf32>,
          %get3A_601 = vector.shape_cast %get3A_600 : vector<1x1x16xf32> to vector<16xf32>
          %add3A_602 = arith.addf %while3A_566, %get3A_601 : vector<16xf32>
          %get3A_603 = arith.index_cast %rem3A_161 : i32 to index
          %get3A_604 = arith.index_cast %while3A_562 : i32 to index
          %get3A_605 = arith.constant 64 : index
          %get3A_606 = tpu.vector_load %arg6[%get3A_603, %get3A_604, %get3A_605] {strides = array<i32>} : memref<2x48x256xf32, #tpu.memory_space<vmem>>, vector<1x1x16xf32>,
          %get3A_607 = vector.shape_cast %get3A_606 : vector<1x1x16xf32> to vector<16xf32>
          %add3A_608 = arith.addf %while3A_567, %get3A_607 : vector<16xf32>
          %get3A_609 = arith.index_cast %rem3A_161 : i32 to index
          %get3A_610 = arith.index_cast %while3A_562 : i32 to index
          %get3A_611 = arith.constant 80 : index
          %get3A_612 = tpu.vector_load %arg6[%get3A_609, %get3A_610, %get3A_611] {strides = array<i32>} : memref<2x48x256xf32, #tpu.memory_space<vmem>>, vector<1x1x16xf32>,
          %get3A_613 = vector.shape_cast %get3A_612 : vector<1x1x16xf32> to vector<16xf32>
          %add3A_614 = arith.addf %while3A_568, %get3A_613 : vector<16xf32>
          %get3A_615 = arith.index_cast %rem3A_161 : i32 to index
          %get3A_616 = arith.index_cast %while3A_562 : i32 to index
          %get3A_617 = arith.constant 96 : index
          %get3A_618 = tpu.vector_load %arg6[%get3A_615, %get3A_616, %get3A_617] {strides = array<i32>} : memref<2x48x256xf32, #tpu.memory_space<vmem>>, vector<1x1x16xf32>,
          %get3A_619 = vector.shape_cast %get3A_618 : vector<1x1x16xf32> to vector<16xf32>
          %add3A_620 = arith.addf %while3A_569, %get3A_619 : vector<16xf32>
          %get3A_621 = arith.index_cast %rem3A_161 : i32 to index
          %get3A_622 = arith.index_cast %while3A_562 : i32 to index
          %get3A_623 = arith.constant 112 : index
          %get3A_624 = tpu.vector_load %arg6[%get3A_621, %get3A_622, %get3A_623] {strides = array<i32>} : memref<2x48x256xf32, #tpu.memory_space<vmem>>, vector<1x1x16xf32>,
          %get3A_625 = vector.shape_cast %get3A_624 : vector<1x1x16xf32> to vector<16xf32>
          %add3A_626 = arith.addf %while3A_570, %get3A_625 : vector<16xf32>
          %get3A_627 = arith.index_cast %rem3A_161 : i32 to index
          %get3A_628 = arith.index_cast %while3A_562 : i32 to index
          %get3A_629 = arith.constant 128 : index
          %get3A_630 = tpu.vector_load %arg6[%get3A_627, %get3A_628, %get3A_629] {strides = array<i32>} : memref<2x48x256xf32, #tpu.memory_space<vmem>>, vector<1x1x16xf32>,
          %get3A_631 = vector.shape_cast %get3A_630 : vector<1x1x16xf32> to vector<16xf32>
          %add3A_632 = arith.addf %while3A_571, %get3A_631 : vector<16xf32>
          %get3A_633 = arith.index_cast %rem3A_161 : i32 to index
          %get3A_634 = arith.index_cast %while3A_562 : i32 to index
          %get3A_635 = arith.constant 144 : index
          %get3A_636 = tpu.vector_load %arg6[%get3A_633, %get3A_634, %get3A_635] {strides = array<i32>} : memref<2x48x256xf32, #tpu.memory_space<vmem>>, vector<1x1x16xf32>,
          %get3A_637 = vector.shape_cast %get3A_636 : vector<1x1x16xf32> to vector<16xf32>
          %add3A_638 = arith.addf %while3A_572, %get3A_637 : vector<16xf32>
          %get3A_639 = arith.index_cast %rem3A_161 : i32 to index
          %get3A_640 = arith.index_cast %while3A_562 : i32 to index
          %get3A_641 = arith.constant 160 : index
          %get3A_642 = tpu.vector_load %arg6[%get3A_639, %get3A_640, %get3A_641] {strides = array<i32>} : memref<2x48x256xf32, #tpu.memory_space<vmem>>, vector<1x1x16xf32>,
          %get3A_643 = vector.shape_cast %get3A_642 : vector<1x1x16xf32> to vector<16xf32>
          %add3A_644 = arith.addf %while3A_573, %get3A_643 : vector<16xf32>
          %get3A_645 = arith.index_cast %rem3A_161 : i32 to index
          %get3A_646 = arith.index_cast %while3A_562 : i32 to index
          %get3A_647 = arith.constant 176 : index
          %get3A_648 = tpu.vector_load %arg6[%get3A_645, %get3A_646, %get3A_647] {strides = array<i32>} : memref<2x48x256xf32, #tpu.memory_space<vmem>>, vector<1x1x16xf32>,
          %get3A_649 = vector.shape_cast %get3A_648 : vector<1x1x16xf32> to vector<16xf32>
          %add3A_650 = arith.addf %while3A_574, %get3A_649 : vector<16xf32>
          %get3A_651 = arith.index_cast %rem3A_161 : i32 to index
          %get3A_652 = arith.index_cast %while3A_562 : i32 to index
          %get3A_653 = arith.constant 192 : index
          %get3A_654 = tpu.vector_load %arg6[%get3A_651, %get3A_652, %get3A_653] {strides = array<i32>} : memref<2x48x256xf32, #tpu.memory_space<vmem>>, vector<1x1x16xf32>,
          %get3A_655 = vector.shape_cast %get3A_654 : vector<1x1x16xf32> to vector<16xf32>
          %add3A_656 = arith.addf %while3A_575, %get3A_655 : vector<16xf32>
          %get3A_657 = arith.index_cast %rem3A_161 : i32 to index
          %get3A_658 = arith.index_cast %while3A_562 : i32 to index
          %get3A_659 = arith.constant 208 : index
          %get3A_660 = tpu.vector_load %arg6[%get3A_657, %get3A_658, %get3A_659] {strides = array<i32>} : memref<2x48x256xf32, #tpu.memory_space<vmem>>, vector<1x1x16xf32>,
          %get3A_661 = vector.shape_cast %get3A_660 : vector<1x1x16xf32> to vector<16xf32>
          %add3A_662 = arith.addf %while3A_576, %get3A_661 : vector<16xf32>
          %get3A_663 = arith.index_cast %rem3A_161 : i32 to index
          %get3A_664 = arith.index_cast %while3A_562 : i32 to index
          %get3A_665 = arith.constant 224 : index
          %get3A_666 = tpu.vector_load %arg6[%get3A_663, %get3A_664, %get3A_665] {strides = array<i32>} : memref<2x48x256xf32, #tpu.memory_space<vmem>>, vector<1x1x16xf32>,
          %get3A_667 = vector.shape_cast %get3A_666 : vector<1x1x16xf32> to vector<16xf32>
          %add3A_668 = arith.addf %while3A_577, %get3A_667 : vector<16xf32>
          %get3A_669 = arith.index_cast %rem3A_161 : i32 to index
          %get3A_670 = arith.index_cast %while3A_562 : i32 to index
          %get3A_671 = arith.constant 240 : index
          %get3A_672 = tpu.vector_load %arg6[%get3A_669, %get3A_670, %get3A_671] {strides = array<i32>} : memref<2x48x256xf32, #tpu.memory_space<vmem>>, vector<1x1x16xf32>,
          %get3A_673 = vector.shape_cast %get3A_672 : vector<1x1x16xf32> to vector<16xf32>
          %add3A_674 = arith.addf %while3A_578, %get3A_673 : vector<16xf32>
          scf.yield %add3A_584, %add3A_590, %add3A_596, %add3A_602, %add3A_608, %add3A_614, %add3A_620, %add3A_626, %add3A_632, %add3A_638, %add3A_644, %add3A_650, %add3A_656, %add3A_662, %add3A_668, %add3A_674 : vector<16xf32>, vector<16xf32>, vector<16xf32>, vector<16xf32>, vector<16xf32>, vector<16xf32>, vector<16xf32>, vector<16xf32>, vector<16xf32>, vector<16xf32>, vector<16xf32>, vector<16xf32>, vector<16xf32>, vector<16xf32>, vector<16xf32>, vector<16xf32>
        }
        %while3A_472 = arith.constant 1 : i32
        %while3A_473:16 = scf.for %while3A_562 = %while3A_469 to %while3A_465 step %while3A_472 iter_args(%while3A_563 = %while3A_471#0, %while3A_564 = %while3A_471#1, %while3A_565 = %while3A_471#2, %while3A_566 = %while3A_471#3, %while3A_567 = %while3A_471#4, %while3A_568 = %while3A_471#5, %while3A_569 = %while3A_471#6, %while3A_570 = %while3A_471#7, %while3A_571 = %while3A_471#8, %while3A_572 = %while3A_471#9, %while3A_573 = %while3A_471#10, %while3A_574 = %while3A_471#11, %while3A_575 = %while3A_471#12, %while3A_576 = %while3A_471#13, %while3A_577 = %while3A_471#14, %while3A_578 = %while3A_471#15) -> (vector<16xf32>, vector<16xf32>, vector<16xf32>, vector<16xf32>, vector<16xf32>, vector<16xf32>, vector<16xf32>, vector<16xf32>, vector<16xf32>, vector<16xf32>, vector<16xf32>, vector<16xf32>, vector<16xf32>, vector<16xf32>, vector<16xf32>, vector<16xf32>)  : i32 {
          %get3A_579 = arith.index_cast %rem3A_161 : i32 to index
          %get3A_580 = arith.index_cast %while3A_562 : i32 to index
          %get3A_581 = arith.constant 0 : index
          %get3A_582 = tpu.vector_load %arg6[%get3A_579, %get3A_580, %get3A_581] {strides = array<i32>} : memref<2x48x256xf32, #tpu.memory_space<vmem>>, vector<1x1x16xf32>,
          %get3A_583 = vector.shape_cast %get3A_582 : vector<1x1x16xf32> to vector<16xf32>
          %add3A_584 = arith.addf %while3A_563, %get3A_583 : vector<16xf32>
          %get3A_585 = arith.index_cast %rem3A_161 : i32 to index
          %get3A_586 = arith.index_cast %while3A_562 : i32 to index
          %get3A_587 = arith.constant 16 : index
          %get3A_588 = tpu.vector_load %arg6[%get3A_585, %get3A_586, %get3A_587] {strides = array<i32>} : memref<2x48x256xf32, #tpu.memory_space<vmem>>, vector<1x1x16xf32>,
          %get3A_589 = vector.shape_cast %get3A_588 : vector<1x1x16xf32> to vector<16xf32>
          %add3A_590 = arith.addf %while3A_564, %get3A_589 : vector<16xf32>
          %get3A_591 = arith.index_cast %rem3A_161 : i32 to index
          %get3A_592 = arith.index_cast %while3A_562 : i32 to index
          %get3A_593 = arith.constant 32 : index
          %get3A_594 = tpu.vector_load %arg6[%get3A_591, %get3A_592, %get3A_593] {strides = array<i32>} : memref<2x48x256xf32, #tpu.memory_space<vmem>>, vector<1x1x16xf32>,
          %get3A_595 = vector.shape_cast %get3A_594 : vector<1x1x16xf32> to vector<16xf32>
          %add3A_596 = arith.addf %while3A_565, %get3A_595 : vector<16xf32>
          %get3A_597 = arith.index_cast %rem3A_161 : i32 to index
          %get3A_598 = arith.index_cast %while3A_562 : i32 to index
          %get3A_599 = arith.constant 48 : index
          %get3A_600 = tpu.vector_load %arg6[%get3A_597, %get3A_598, %get3A_599] {strides = array<i32>} : memref<2x48x256xf32, #tpu.memory_space<vmem>>, vector<1x1x16xf32>,
          %get3A_601 = vector.shape_cast %get3A_600 : vector<1x1x16xf32> to vector<16xf32>
          %add3A_602 = arith.addf %while3A_566, %get3A_601 : vector<16xf32>
          %get3A_603 = arith.index_cast %rem3A_161 : i32 to index
          %get3A_604 = arith.index_cast %while3A_562 : i32 to index
          %get3A_605 = arith.constant 64 : index
          %get3A_606 = tpu.vector_load %arg6[%get3A_603, %get3A_604, %get3A_605] {strides = array<i32>} : memref<2x48x256xf32, #tpu.memory_space<vmem>>, vector<1x1x16xf32>,
          %get3A_607 = vector.shape_cast %get3A_606 : vector<1x1x16xf32> to vector<16xf32>
          %add3A_608 = arith.addf %while3A_567, %get3A_607 : vector<16xf32>
          %get3A_609 = arith.index_cast %rem3A_161 : i32 to index
          %get3A_610 = arith.index_cast %while3A_562 : i32 to index
          %get3A_611 = arith.constant 80 : index
          %get3A_612 = tpu.vector_load %arg6[%get3A_609, %get3A_610, %get3A_611] {strides = array<i32>} : memref<2x48x256xf32, #tpu.memory_space<vmem>>, vector<1x1x16xf32>,
          %get3A_613 = vector.shape_cast %get3A_612 : vector<1x1x16xf32> to vector<16xf32>
          %add3A_614 = arith.addf %while3A_568, %get3A_613 : vector<16xf32>
          %get3A_615 = arith.index_cast %rem3A_161 : i32 to index
          %get3A_616 = arith.index_cast %while3A_562 : i32 to index
          %get3A_617 = arith.constant 96 : index
          %get3A_618 = tpu.vector_load %arg6[%get3A_615, %get3A_616, %get3A_617] {strides = array<i32>} : memref<2x48x256xf32, #tpu.memory_space<vmem>>, vector<1x1x16xf32>,
          %get3A_619 = vector.shape_cast %get3A_618 : vector<1x1x16xf32> to vector<16xf32>
          %add3A_620 = arith.addf %while3A_569, %get3A_619 : vector<16xf32>
          %get3A_621 = arith.index_cast %rem3A_161 : i32 to index
          %get3A_622 = arith.index_cast %while3A_562 : i32 to index
          %get3A_623 = arith.constant 112 : index
          %get3A_624 = tpu.vector_load %arg6[%get3A_621, %get3A_622, %get3A_623] {strides = array<i32>} : memref<2x48x256xf32, #tpu.memory_space<vmem>>, vector<1x1x16xf32>,
          %get3A_625 = vector.shape_cast %get3A_624 : vector<1x1x16xf32> to vector<16xf32>
          %add3A_626 = arith.addf %while3A_570, %get3A_625 : vector<16xf32>
          %get3A_627 = arith.index_cast %rem3A_161 : i32 to index
          %get3A_628 = arith.index_cast %while3A_562 : i32 to index
          %get3A_629 = arith.constant 128 : index
          %get3A_630 = tpu.vector_load %arg6[%get3A_627, %get3A_628, %get3A_629] {strides = array<i32>} : memref<2x48x256xf32, #tpu.memory_space<vmem>>, vector<1x1x16xf32>,
          %get3A_631 = vector.shape_cast %get3A_630 : vector<1x1x16xf32> to vector<16xf32>
          %add3A_632 = arith.addf %while3A_571, %get3A_631 : vector<16xf32>
          %get3A_633 = arith.index_cast %rem3A_161 : i32 to index
          %get3A_634 = arith.index_cast %while3A_562 : i32 to index
          %get3A_635 = arith.constant 144 : index
          %get3A_636 = tpu.vector_load %arg6[%get3A_633, %get3A_634, %get3A_635] {strides = array<i32>} : memref<2x48x256xf32, #tpu.memory_space<vmem>>, vector<1x1x16xf32>,
          %get3A_637 = vector.shape_cast %get3A_636 : vector<1x1x16xf32> to vector<16xf32>
          %add3A_638 = arith.addf %while3A_572, %get3A_637 : vector<16xf32>
          %get3A_639 = arith.index_cast %rem3A_161 : i32 to index
          %get3A_640 = arith.index_cast %while3A_562 : i32 to index
          %get3A_641 = arith.constant 160 : index
          %get3A_642 = tpu.vector_load %arg6[%get3A_639, %get3A_640, %get3A_641] {strides = array<i32>} : memref<2x48x256xf32, #tpu.memory_space<vmem>>, vector<1x1x16xf32>,
          %get3A_643 = vector.shape_cast %get3A_642 : vector<1x1x16xf32> to vector<16xf32>
          %add3A_644 = arith.addf %while3A_573, %get3A_643 : vector<16xf32>
          %get3A_645 = arith.index_cast %rem3A_161 : i32 to index
          %get3A_646 = arith.index_cast %while3A_562 : i32 to index
          %get3A_647 = arith.constant 176 : index
          %get3A_648 = tpu.vector_load %arg6[%get3A_645, %get3A_646, %get3A_647] {strides = array<i32>} : memref<2x48x256xf32, #tpu.memory_space<vmem>>, vector<1x1x16xf32>,
          %get3A_649 = vector.shape_cast %get3A_648 : vector<1x1x16xf32> to vector<16xf32>
          %add3A_650 = arith.addf %while3A_574, %get3A_649 : vector<16xf32>
          %get3A_651 = arith.index_cast %rem3A_161 : i32 to index
          %get3A_652 = arith.index_cast %while3A_562 : i32 to index
          %get3A_653 = arith.constant 192 : index
          %get3A_654 = tpu.vector_load %arg6[%get3A_651, %get3A_652, %get3A_653] {strides = array<i32>} : memref<2x48x256xf32, #tpu.memory_space<vmem>>, vector<1x1x16xf32>,
          %get3A_655 = vector.shape_cast %get3A_654 : vector<1x1x16xf32> to vector<16xf32>
          %add3A_656 = arith.addf %while3A_575, %get3A_655 : vector<16xf32>
          %get3A_657 = arith.index_cast %rem3A_161 : i32 to index
          %get3A_658 = arith.index_cast %while3A_562 : i32 to index
          %get3A_659 = arith.constant 208 : index
          %get3A_660 = tpu.vector_load %arg6[%get3A_657, %get3A_658, %get3A_659] {strides = array<i32>} : memref<2x48x256xf32, #tpu.memory_space<vmem>>, vector<1x1x16xf32>,
          %get3A_661 = vector.shape_cast %get3A_660 : vector<1x1x16xf32> to vector<16xf32>
          %add3A_662 = arith.addf %while3A_576, %get3A_661 : vector<16xf32>
          %get3A_663 = arith.index_cast %rem3A_161 : i32 to index
          %get3A_664 = arith.index_cast %while3A_562 : i32 to index
          %get3A_665 = arith.constant 224 : index
          %get3A_666 = tpu.vector_load %arg6[%get3A_663, %get3A_664, %get3A_665] {strides = array<i32>} : memref<2x48x256xf32, #tpu.memory_space<vmem>>, vector<1x1x16xf32>,
          %get3A_667 = vector.shape_cast %get3A_666 : vector<1x1x16xf32> to vector<16xf32>
          %add3A_668 = arith.addf %while3A_577, %get3A_667 : vector<16xf32>
          %get3A_669 = arith.index_cast %rem3A_161 : i32 to index
          %get3A_670 = arith.index_cast %while3A_562 : i32 to index
          %get3A_671 = arith.constant 240 : index
          %get3A_672 = tpu.vector_load %arg6[%get3A_669, %get3A_670, %get3A_671] {strides = array<i32>} : memref<2x48x256xf32, #tpu.memory_space<vmem>>, vector<1x1x16xf32>,
          %get3A_673 = vector.shape_cast %get3A_672 : vector<1x1x16xf32> to vector<16xf32>
          %add3A_674 = arith.addf %while3A_578, %get3A_673 : vector<16xf32>
          scf.yield %add3A_584, %add3A_590, %add3A_596, %add3A_602, %add3A_608, %add3A_614, %add3A_620, %add3A_626, %add3A_632, %add3A_638, %add3A_644, %add3A_650, %add3A_656, %add3A_662, %add3A_668, %add3A_674 : vector<16xf32>, vector<16xf32>, vector<16xf32>, vector<16xf32>, vector<16xf32>, vector<16xf32>, vector<16xf32>, vector<16xf32>, vector<16xf32>, vector<16xf32>, vector<16xf32>, vector<16xf32>, vector<16xf32>, vector<16xf32>, vector<16xf32>, vector<16xf32>
        }
        %swap3A_474 = arith.index_cast %while3A_204 : i32 to index
        %swap3A_475 = arith.constant 0 : index
        %swap3A_476 = tpu.vector_load %arg7[%swap3A_474, %swap3A_475] {strides = array<i32>} : memref<256x256xf32, #tpu.memory_space<vmem>>, vector<1x16xf32>,
        %swap3A_477 = vector.shape_cast %swap3A_476 : vector<1x16xf32> to vector<16xf32>
        %swap3A_478 = vector.shape_cast %while3A_473#0 : vector<16xf32> to vector<1x16xf32>
        tpu.vector_store %arg7[%swap3A_474, %swap3A_475], %swap3A_478 {add = true, strides = array<i32>} : memref<256x256xf32, #tpu.memory_space<vmem>>, vector<1x16xf32>,
        %swap3A_479 = arith.index_cast %while3A_204 : i32 to index
        %swap3A_480 = arith.constant 16 : index
        %swap3A_481 = tpu.vector_load %arg7[%swap3A_479, %swap3A_480] {strides = array<i32>} : memref<256x256xf32, #tpu.memory_space<vmem>>, vector<1x16xf32>,
        %swap3A_482 = vector.shape_cast %swap3A_481 : vector<1x16xf32> to vector<16xf32>
        %swap3A_483 = vector.shape_cast %while3A_473#1 : vector<16xf32> to vector<1x16xf32>
        tpu.vector_store %arg7[%swap3A_479, %swap3A_480], %swap3A_483 {add = true, strides = array<i32>} : memref<256x256xf32, #tpu.memory_space<vmem>>, vector<1x16xf32>,
        %swap3A_484 = arith.index_cast %while3A_204 : i32 to index
        %swap3A_485 = arith.constant 32 : index
        %swap3A_486 = tpu.vector_load %arg7[%swap3A_484, %swap3A_485] {strides = array<i32>} : memref<256x256xf32, #tpu.memory_space<vmem>>, vector<1x16xf32>,
        %swap3A_487 = vector.shape_cast %swap3A_486 : vector<1x16xf32> to vector<16xf32>
        %swap3A_488 = vector.shape_cast %while3A_473#2 : vector<16xf32> to vector<1x16xf32>
        tpu.vector_store %arg7[%swap3A_484, %swap3A_485], %swap3A_488 {add = true, strides = array<i32>} : memref<256x256xf32, #tpu.memory_space<vmem>>, vector<1x16xf32>,
        %swap3A_489 = arith.index_cast %while3A_204 : i32 to index
        %swap3A_490 = arith.constant 48 : index
        %swap3A_491 = tpu.vector_load %arg7[%swap3A_489, %swap3A_490] {strides = array<i32>} : memref<256x256xf32, #tpu.memory_space<vmem>>, vector<1x16xf32>,
        %swap3A_492 = vector.shape_cast %swap3A_491 : vector<1x16xf32> to vector<16xf32>
        %swap3A_493 = vector.shape_cast %while3A_473#3 : vector<16xf32> to vector<1x16xf32>
        tpu.vector_store %arg7[%swap3A_489, %swap3A_490], %swap3A_493 {add = true, strides = array<i32>} : memref<256x256xf32, #tpu.memory_space<vmem>>, vector<1x16xf32>,
        %swap3A_494 = arith.index_cast %while3A_204 : i32 to index
        %swap3A_495 = arith.constant 64 : index
        %swap3A_496 = tpu.vector_load %arg7[%swap3A_494, %swap3A_495] {strides = array<i32>} : memref<256x256xf32, #tpu.memory_space<vmem>>, vector<1x16xf32>,
        %swap3A_497 = vector.shape_cast %swap3A_496 : vector<1x16xf32> to vector<16xf32>
        %swap3A_498 = vector.shape_cast %while3A_473#4 : vector<16xf32> to vector<1x16xf32>
        tpu.vector_store %arg7[%swap3A_494, %swap3A_495], %swap3A_498 {add = true, strides = array<i32>} : memref<256x256xf32, #tpu.memory_space<vmem>>, vector<1x16xf32>,
        %swap3A_499 = arith.index_cast %while3A_204 : i32 to index
        %swap3A_500 = arith.constant 80 : index
        %swap3A_501 = tpu.vector_load %arg7[%swap3A_499, %swap3A_500] {strides = array<i32>} : memref<256x256xf32, #tpu.memory_space<vmem>>, vector<1x16xf32>,
        %swap3A_502 = vector.shape_cast %swap3A_501 : vector<1x16xf32> to vector<16xf32>
        %swap3A_503 = vector.shape_cast %while3A_473#5 : vector<16xf32> to vector<1x16xf32>
        tpu.vector_store %arg7[%swap3A_499, %swap3A_500], %swap3A_503 {add = true, strides = array<i32>} : memref<256x256xf32, #tpu.memory_space<vmem>>, vector<1x16xf32>,
        %swap3A_504 = arith.index_cast %while3A_204 : i32 to index
        %swap3A_505 = arith.constant 96 : index
        %swap3A_506 = tpu.vector_load %arg7[%swap3A_504, %swap3A_505] {strides = array<i32>} : memref<256x256xf32, #tpu.memory_space<vmem>>, vector<1x16xf32>,
        %swap3A_507 = vector.shape_cast %swap3A_506 : vector<1x16xf32> to vector<16xf32>
        %swap3A_508 = vector.shape_cast %while3A_473#6 : vector<16xf32> to vector<1x16xf32>
        tpu.vector_store %arg7[%swap3A_504, %swap3A_505], %swap3A_508 {add = true, strides = array<i32>} : memref<256x256xf32, #tpu.memory_space<vmem>>, vector<1x16xf32>,
        %swap3A_509 = arith.index_cast %while3A_204 : i32 to index
        %swap3A_510 = arith.constant 112 : index
        %swap3A_511 = tpu.vector_load %arg7[%swap3A_509, %swap3A_510] {strides = array<i32>} : memref<256x256xf32, #tpu.memory_space<vmem>>, vector<1x16xf32>,
        %swap3A_512 = vector.shape_cast %swap3A_511 : vector<1x16xf32> to vector<16xf32>
        %swap3A_513 = vector.shape_cast %while3A_473#7 : vector<16xf32> to vector<1x16xf32>
        tpu.vector_store %arg7[%swap3A_509, %swap3A_510], %swap3A_513 {add = true, strides = array<i32>} : memref<256x256xf32, #tpu.memory_space<vmem>>, vector<1x16xf32>,
        %swap3A_514 = arith.index_cast %while3A_204 : i32 to index
        %swap3A_515 = arith.constant 128 : index
        %swap3A_516 = tpu.vector_load %arg7[%swap3A_514, %swap3A_515] {strides = array<i32>} : memref<256x256xf32, #tpu.memory_space<vmem>>, vector<1x16xf32>,
        %swap3A_517 = vector.shape_cast %swap3A_516 : vector<1x16xf32> to vector<16xf32>
        %swap3A_518 = vector.shape_cast %while3A_473#8 : vector<16xf32> to vector<1x16xf32>
        tpu.vector_store %arg7[%swap3A_514, %swap3A_515], %swap3A_518 {add = true, strides = array<i32>} : memref<256x256xf32, #tpu.memory_space<vmem>>, vector<1x16xf32>,
        %swap3A_519 = arith.index_cast %while3A_204 : i32 to index
        %swap3A_520 = arith.constant 144 : index
        %swap3A_521 = tpu.vector_load %arg7[%swap3A_519, %swap3A_520] {strides = array<i32>} : memref<256x256xf32, #tpu.memory_space<vmem>>, vector<1x16xf32>,
        %swap3A_522 = vector.shape_cast %swap3A_521 : vector<1x16xf32> to vector<16xf32>
        %swap3A_523 = vector.shape_cast %while3A_473#9 : vector<16xf32> to vector<1x16xf32>
        tpu.vector_store %arg7[%swap3A_519, %swap3A_520], %swap3A_523 {add = true, strides = array<i32>} : memref<256x256xf32, #tpu.memory_space<vmem>>, vector<1x16xf32>,
        %swap3A_524 = arith.index_cast %while3A_204 : i32 to index
        %swap3A_525 = arith.constant 160 : index
        %swap3A_526 = tpu.vector_load %arg7[%swap3A_524, %swap3A_525] {strides = array<i32>} : memref<256x256xf32, #tpu.memory_space<vmem>>, vector<1x16xf32>,
        %swap3A_527 = vector.shape_cast %swap3A_526 : vector<1x16xf32> to vector<16xf32>
        %swap3A_528 = vector.shape_cast %while3A_473#10 : vector<16xf32> to vector<1x16xf32>
        tpu.vector_store %arg7[%swap3A_524, %swap3A_525], %swap3A_528 {add = true, strides = array<i32>} : memref<256x256xf32, #tpu.memory_space<vmem>>, vector<1x16xf32>,
        %swap3A_529 = arith.index_cast %while3A_204 : i32 to index
        %swap3A_530 = arith.constant 176 : index
        %swap3A_531 = tpu.vector_load %arg7[%swap3A_529, %swap3A_530] {strides = array<i32>} : memref<256x256xf32, #tpu.memory_space<vmem>>, vector<1x16xf32>,
        %swap3A_532 = vector.shape_cast %swap3A_531 : vector<1x16xf32> to vector<16xf32>
        %swap3A_533 = vector.shape_cast %while3A_473#11 : vector<16xf32> to vector<1x16xf32>
        tpu.vector_store %arg7[%swap3A_529, %swap3A_530], %swap3A_533 {add = true, strides = array<i32>} : memref<256x256xf32, #tpu.memory_space<vmem>>, vector<1x16xf32>,
        %swap3A_534 = arith.index_cast %while3A_204 : i32 to index
        %swap3A_535 = arith.constant 192 : index
        %swap3A_536 = tpu.vector_load %arg7[%swap3A_534, %swap3A_535] {strides = array<i32>} : memref<256x256xf32, #tpu.memory_space<vmem>>, vector<1x16xf32>,
        %swap3A_537 = vector.shape_cast %swap3A_536 : vector<1x16xf32> to vector<16xf32>
        %swap3A_538 = vector.shape_cast %while3A_473#12 : vector<16xf32> to vector<1x16xf32>
        tpu.vector_store %arg7[%swap3A_534, %swap3A_535], %swap3A_538 {add = true, strides = array<i32>} : memref<256x256xf32, #tpu.memory_space<vmem>>, vector<1x16xf32>,
        %swap3A_539 = arith.index_cast %while3A_204 : i32 to index
        %swap3A_540 = arith.constant 208 : index
        %swap3A_541 = tpu.vector_load %arg7[%swap3A_539, %swap3A_540] {strides = array<i32>} : memref<256x256xf32, #tpu.memory_space<vmem>>, vector<1x16xf32>,
        %swap3A_542 = vector.shape_cast %swap3A_541 : vector<1x16xf32> to vector<16xf32>
        %swap3A_543 = vector.shape_cast %while3A_473#13 : vector<16xf32> to vector<1x16xf32>
        tpu.vector_store %arg7[%swap3A_539, %swap3A_540], %swap3A_543 {add = true, strides = array<i32>} : memref<256x256xf32, #tpu.memory_space<vmem>>, vector<1x16xf32>,
        %swap3A_544 = arith.index_cast %while3A_204 : i32 to index
        %swap3A_545 = arith.constant 224 : index
        %swap3A_546 = tpu.vector_load %arg7[%swap3A_544, %swap3A_545] {strides = array<i32>} : memref<256x256xf32, #tpu.memory_space<vmem>>, vector<1x16xf32>,
        %swap3A_547 = vector.shape_cast %swap3A_546 : vector<1x16xf32> to vector<16xf32>
        %swap3A_548 = vector.shape_cast %while3A_473#14 : vector<16xf32> to vector<1x16xf32>
        tpu.vector_store %arg7[%swap3A_544, %swap3A_545], %swap3A_548 {add = true, strides = array<i32>} : memref<256x256xf32, #tpu.memory_space<vmem>>, vector<1x16xf32>,
        %swap3A_549 = arith.index_cast %while3A_204 : i32 to index
        %swap3A_550 = arith.constant 240 : index
        %swap3A_551 = tpu.vector_load %arg7[%swap3A_549, %swap3A_550] {strides = array<i32>} : memref<256x256xf32, #tpu.memory_space<vmem>>, vector<1x16xf32>,
        %swap3A_552 = vector.shape_cast %swap3A_551 : vector<1x16xf32> to vector<16xf32>
        %swap3A_553 = vector.shape_cast %while3A_473#15 : vector<16xf32> to vector<1x16xf32>
        tpu.vector_store %arg7[%swap3A_549, %swap3A_550], %swap3A_553 {add = true, strides = array<i32>} : memref<256x256xf32, #tpu.memory_space<vmem>>, vector<1x16xf32>,
        %sub3A_554 = arith.subi %select_n3A_457, %while3A_205 : i32
        %convert_element_type3A_555 = arith.sitofp %sub3A_554 : i32 to f32
        %broadcast_in_dim3A_556 = vector.broadcast %convert_element_type3A_555 : f32 to vector<16xf32>
        %swap3A_557 = arith.index_cast %while3A_204 : i32 to index
        %swap3A_558 = arith.constant 0 : index
        %swap3A_559 = tpu.vector_load %arg8[%swap3A_557, %swap3A_558] {strides = array<i32>} : memref<256x16xf32, #tpu.memory_space<vmem>>, vector<1x16xf32>,
        %swap3A_560 = vector.shape_cast %swap3A_559 : vector<1x16xf32> to vector<16xf32>
        %swap3A_561 = vector.shape_cast %broadcast_in_dim3A_556 : vector<16xf32> to vector<1x16xf32>
        tpu.vector_store %arg8[%swap3A_557, %swap3A_558], %swap3A_561 {add = true, strides = array<i32>} : memref<256x16xf32, #tpu.memory_space<vmem>>, vector<1x16xf32>,
        scf.yield %select_n3A_457 : i32
      }
    }
    %while3A_145 = arith.constant 1 : i32
    scf.for %while3A_155 = %while3A_143 to %while3A_139 step %while3A_145  : i32 {
      %mul3A_156 = arith.constant 48 : i32
      %mul3A_157 = arith.muli %while3A_155, %mul3A_156 : i32
      %add3A_158 = arith.addi %mul3A_105, %mul3A_157 : i32
      %min3A = arith.constant 4048 : i32
      %min3A_159 = arith.minsi %add3A_158, %min3A : i32
      %multiple_of3A = tpu.assume_multiple %min3A_159, 8 : i32
      %rem3A_160 = arith.constant 2 : i32
      %rem3A_161 = arith.remsi %while3A_155, %rem3A_160 : i32
      %mul3A_162 = arith.constant 48 : i32
      %mul3A_163 = arith.muli %while3A_155, %mul3A_162 : i32
      %add3A_164 = arith.addi %mul3A_105, %mul3A_163 : i32
      %max3A = arith.maxsi %scan3A_68#0, %add3A_164 : i32
      %mul3A_165 = arith.constant 48 : i32
      %mul3A_166 = arith.muli %while3A_155, %mul3A_165 : i32
      %add3A_167 = arith.addi %mul3A_105, %mul3A_166 : i32
      %add3A_168 = arith.constant 48 : i32
      %add3A_169 = arith.addi %add3A_167, %add3A_168 : i32
      %min3A_170 = arith.minsi %scan3A_78#0, %add3A_169 : i32
      %eq3A_171 = arith.constant 0 : i32
      %eq3A_172 = arith.cmpi eq, %rem3A_161, %eq3A_171 : i32
      %convert_element_type3A_173 = arith.extui %eq3A_172 : i1 to i32
      %cond3A_174 = arith.constant 0 : i32
      %cond3A_175 = arith.cmpi ne, %convert_element_type3A_173, %cond3A_174 : i32
      scf.if %cond3A_175 {
        %dma_wait3A_204 = arith.constant 0 : i32
        %dma_wait3A_205 = arith.constant 0 : i32
        %dma_wait3A_206 = arith.constant 0 : i32
        %dma_wait3A_207 = tpu.memref_slice %arg6[%dma_wait3A_204, %dma_wait3A_205, %dma_wait3A_206] : memref<2x48x256xf32, #tpu.memory_space<vmem>> -> memref<1x48x256xf32, #tpu.memory_space<vmem>>
        %dma_wait3A_208 = tpu.memref_squeeze %dma_wait3A_207 : memref<1x48x256xf32, #tpu.memory_space<vmem>> -> memref<48x256xf32, #tpu.memory_space<vmem>>
        %dma_wait3A_209 = arith.constant 0 : i32
        %dma_wait3A_210 = tpu.memref_slice %arg2[%select_n3A, %multiple_of3A, %dma_wait3A_209] : memref<16x4096x256xf32, #tpu.memory_space<hbm>> -> memref<1x48x256xf32, #tpu.memory_space<hbm>>
        %dma_wait3A_211 = tpu.memref_squeeze %dma_wait3A_210 : memref<1x48x256xf32, #tpu.memory_space<hbm>> -> memref<48x256xf32, #tpu.memory_space<hbm>>
        %dma_wait3A_212 = arith.constant 0 : i32
        %dma_wait3A_213 = arith.constant 0 : i32
        %dma_wait3A_214 = tpu.memref_slice %arg6[%dma_wait3A_204, %dma_wait3A_212, %dma_wait3A_213] : memref<2x48x256xf32, #tpu.memory_space<vmem>> -> memref<1x48x256xf32, #tpu.memory_space<vmem>>
        %dma_wait3A_215 = tpu.memref_squeeze %dma_wait3A_214 : memref<1x48x256xf32, #tpu.memory_space<vmem>> -> memref<48x256xf32, #tpu.memory_space<vmem>>
        %dma_wait3A_216 = arith.constant 0 : i32
        %dma_wait3A_217 = tpu.memref_slice %arg2[%select_n3A, %multiple_of3A, %dma_wait3A_216] : memref<16x4096x256xf32, #tpu.memory_space<hbm>> -> memref<1x48x256xf32, #tpu.memory_space<hbm>>
        %dma_wait3A_218 = tpu.memref_squeeze %dma_wait3A_217 : memref<1x48x256xf32, #tpu.memory_space<hbm>> -> memref<48x256xf32, #tpu.memory_space<hbm>>
        tpu.wait_dma2 semaphore(%arg9 : memref<!tpu.dma_semaphore, #tpu.memory_space<semaphore_mem>>) src(%dma_wait3A_218 : memref<48x256xf32, #tpu.memory_space<hbm>>) dst(%dma_wait3A_215 : memref<48x256xf32, #tpu.memory_space<vmem>>)
        %add3A_219 = arith.constant 1 : i32
        %add3A_220 = arith.addi %while3A_155, %add3A_219 : i32
        %lt3A_221 = arith.cmpi slt, %add3A_220, %select_n3A_134 : i32
        %convert_element_type3A_222 = arith.extui %lt3A_221 : i1 to i32
        %cond3A_223 = arith.constant 0 : i32
        %cond3A_224 = arith.cmpi ne, %convert_element_type3A_222, %cond3A_223 : i32
        scf.if %cond3A_224 {
          %add3A_225 = arith.constant 1 : i32
          %add3A_226 = arith.addi %while3A_155, %add3A_225 : i32
          %mul3A_227 = arith.constant 48 : i32
          %mul3A_228 = arith.muli %add3A_226, %mul3A_227 : i32
          %add3A_229 = arith.addi %mul3A_105, %mul3A_228 : i32
          %min3A_230 = arith.constant 4048 : i32
          %min3A_231 = arith.minsi %add3A_229, %min3A_230 : i32
          %multiple_of3A_232 = tpu.assume_multiple %min3A_231, 8 : i32
          %dma_start3A_233 = arith.constant 1 : i32
          %dma_start3A_234 = arith.constant 0 : i32
          %dma_start3A_235 = arith.constant 0 : i32
          %dma_start3A_236 = tpu.memref_slice %arg6[%dma_start3A_233, %dma_start3A_234, %dma_start3A_235] : memref<2x48x256xf32, #tpu.memory_space<vmem>> -> memref<1x48x256xf32, #tpu.memory_space<vmem>>
          %dma_start3A_237 = tpu.memref_squeeze %dma_start3A_236 : memref<1x48x256xf32, #tpu.memory_space<vmem>> -> memref<48x256xf32, #tpu.memory_space<vmem>>
          %dma_start3A_238 = arith.constant 0 : i32
          %dma_start3A_239 = tpu.memref_slice %arg2[%select_n3A, %multiple_of3A_232, %dma_start3A_238] : memref<16x4096x256xf32, #tpu.memory_space<hbm>> -> memref<1x48x256xf32, #tpu.memory_space<hbm>>
          %dma_start3A_240 = tpu.memref_squeeze %dma_start3A_239 : memref<1x48x256xf32, #tpu.memory_space<hbm>> -> memref<48x256xf32, #tpu.memory_space<hbm>>
          %dma_start3A_241 = arith.constant 0 : i32
          %dma_start3A_242 = arith.constant 0 : i32
          %dma_start3A_243 = tpu.memref_slice %arg6[%dma_start3A_233, %dma_start3A_241, %dma_start3A_242] : memref<2x48x256xf32, #tpu.memory_space<vmem>> -> memref<1x48x256xf32, #tpu.memory_space<vmem>>
          %dma_start3A_244 = tpu.memref_squeeze %dma_start3A_243 : memref<1x48x256xf32, #tpu.memory_space<vmem>> -> memref<48x256xf32, #tpu.memory_space<vmem>>
          %dma_start3A_245 = arith.constant 0 : i32
          %dma_start3A_246 = tpu.memref_slice %arg2[%select_n3A, %multiple_of3A_232, %dma_start3A_245] : memref<16x4096x256xf32, #tpu.memory_space<hbm>> -> memref<1x48x256xf32, #tpu.memory_space<hbm>>
          %dma_start3A_247 = tpu.memref_squeeze %dma_start3A_246 : memref<1x48x256xf32, #tpu.memory_space<hbm>> -> memref<48x256xf32, #tpu.memory_space<hbm>>
          tpu.enqueue_dma source(%dma_start3A_247 : memref<48x256xf32, #tpu.memory_space<hbm>>) target(%dma_start3A_244 : memref<48x256xf32, #tpu.memory_space<vmem>>) target_semaphore(%arg10 : memref<!tpu.dma_semaphore, #tpu.memory_space<semaphore_mem>>)
        } else {
        }
      } else {
      }
      %eq3A_176 = arith.constant 1 : i32
      %eq3A_177 = arith.cmpi eq, %rem3A_161, %eq3A_176 : i32
      %convert_element_type3A_178 = arith.extui %eq3A_177 : i1 to i32
      %cond3A_179 = arith.constant 0 : i32
      %cond3A_180 = arith.cmpi ne, %convert_element_type3A_178, %cond3A_179 : i32
      scf.if %cond3A_180 {
        %dma_wait3A_204 = arith.constant 1 : i32
        %dma_wait3A_205 = arith.constant 0 : i32
        %dma_wait3A_206 = arith.constant 0 : i32
        %dma_wait3A_207 = tpu.memref_slice %arg6[%dma_wait3A_204, %dma_wait3A_205, %dma_wait3A_206] : memref<2x48x256xf32, #tpu.memory_space<vmem>> -> memref<1x48x256xf32, #tpu.memory_space<vmem>>
        %dma_wait3A_208 = tpu.memref_squeeze %dma_wait3A_207 : memref<1x48x256xf32, #tpu.memory_space<vmem>> -> memref<48x256xf32, #tpu.memory_space<vmem>>
        %dma_wait3A_209 = arith.constant 0 : i32
        %dma_wait3A_210 = tpu.memref_slice %arg2[%select_n3A, %multiple_of3A, %dma_wait3A_209] : memref<16x4096x256xf32, #tpu.memory_space<hbm>> -> memref<1x48x256xf32, #tpu.memory_space<hbm>>
        %dma_wait3A_211 = tpu.memref_squeeze %dma_wait3A_210 : memref<1x48x256xf32, #tpu.memory_space<hbm>> -> memref<48x256xf32, #tpu.memory_space<hbm>>
        %dma_wait3A_212 = arith.constant 0 : i32
        %dma_wait3A_213 = arith.constant 0 : i32
        %dma_wait3A_214 = tpu.memref_slice %arg6[%dma_wait3A_204, %dma_wait3A_212, %dma_wait3A_213] : memref<2x48x256xf32, #tpu.memory_space<vmem>> -> memref<1x48x256xf32, #tpu.memory_space<vmem>>
        %dma_wait3A_215 = tpu.memref_squeeze %dma_wait3A_214 : memref<1x48x256xf32, #tpu.memory_space<vmem>> -> memref<48x256xf32, #tpu.memory_space<vmem>>
        %dma_wait3A_216 = arith.constant 0 : i32
        %dma_wait3A_217 = tpu.memref_slice %arg2[%select_n3A, %multiple_of3A, %dma_wait3A_216] : memref<16x4096x256xf32, #tpu.memory_space<hbm>> -> memref<1x48x256xf32, #tpu.memory_space<hbm>>
        %dma_wait3A_218 = tpu.memref_squeeze %dma_wait3A_217 : memref<1x48x256xf32, #tpu.memory_space<hbm>> -> memref<48x256xf32, #tpu.memory_space<hbm>>
        tpu.wait_dma2 semaphore(%arg10 : memref<!tpu.dma_semaphore, #tpu.memory_space<semaphore_mem>>) src(%dma_wait3A_218 : memref<48x256xf32, #tpu.memory_space<hbm>>) dst(%dma_wait3A_215 : memref<48x256xf32, #tpu.memory_space<vmem>>)
        %add3A_219 = arith.constant 1 : i32
        %add3A_220 = arith.addi %while3A_155, %add3A_219 : i32
        %lt3A_221 = arith.cmpi slt, %add3A_220, %select_n3A_134 : i32
        %convert_element_type3A_222 = arith.extui %lt3A_221 : i1 to i32
        %cond3A_223 = arith.constant 0 : i32
        %cond3A_224 = arith.cmpi ne, %convert_element_type3A_222, %cond3A_223 : i32
        scf.if %cond3A_224 {
          %add3A_225 = arith.constant 1 : i32
          %add3A_226 = arith.addi %while3A_155, %add3A_225 : i32
          %mul3A_227 = arith.constant 48 : i32
          %mul3A_228 = arith.muli %add3A_226, %mul3A_227 : i32
          %add3A_229 = arith.addi %mul3A_105, %mul3A_228 : i32
          %min3A_230 = arith.constant 4048 : i32
          %min3A_231 = arith.minsi %add3A_229, %min3A_230 : i32
          %multiple_of3A_232 = tpu.assume_multiple %min3A_231, 8 : i32
          %dma_start3A_233 = arith.constant 0 : i32
          %dma_start3A_234 = arith.constant 0 : i32
          %dma_start3A_235 = arith.constant 0 : i32
          %dma_start3A_236 = tpu.memref_slice %arg6[%dma_start3A_233, %dma_start3A_234, %dma_start3A_235] : memref<2x48x256xf32, #tpu.memory_space<vmem>> -> memref<1x48x256xf32, #tpu.memory_space<vmem>>
          %dma_start3A_237 = tpu.memref_squeeze %dma_start3A_236 : memref<1x48x256xf32, #tpu.memory_space<vmem>> -> memref<48x256xf32, #tpu.memory_space<vmem>>
          %dma_start3A_238 = arith.constant 0 : i32
          %dma_start3A_239 = tpu.memref_slice %arg2[%select_n3A, %multiple_of3A_232, %dma_start3A_238] : memref<16x4096x256xf32, #tpu.memory_space<hbm>> -> memref<1x48x256xf32, #tpu.memory_space<hbm>>
          %dma_start3A_240 = tpu.memref_squeeze %dma_start3A_239 : memref<1x48x256xf32, #tpu.memory_space<hbm>> -> memref<48x256xf32, #tpu.memory_space<hbm>>
          %dma_start3A_241 = arith.constant 0 : i32
          %dma_start3A_242 = arith.constant 0 : i32
          %dma_start3A_243 = tpu.memref_slice %arg6[%dma_start3A_233, %dma_start3A_241, %dma_start3A_242] : memref<2x48x256xf32, #tpu.memory_space<vmem>> -> memref<1x48x256xf32, #tpu.memory_space<vmem>>
          %dma_start3A_244 = tpu.memref_squeeze %dma_start3A_243 : memref<1x48x256xf32, #tpu.memory_space<vmem>> -> memref<48x256xf32, #tpu.memory_space<vmem>>
          %dma_start3A_245 = arith.constant 0 : i32
          %dma_start3A_246 = tpu.memref_slice %arg2[%select_n3A, %multiple_of3A_232, %dma_start3A_245] : memref<16x4096x256xf32, #tpu.memory_space<hbm>> -> memref<1x48x256xf32, #tpu.memory_space<hbm>>
          %dma_start3A_247 = tpu.memref_squeeze %dma_start3A_246 : memref<1x48x256xf32, #tpu.memory_space<hbm>> -> memref<48x256xf32, #tpu.memory_space<hbm>>
          tpu.enqueue_dma source(%dma_start3A_247 : memref<48x256xf32, #tpu.memory_space<hbm>>) target(%dma_start3A_244 : memref<48x256xf32, #tpu.memory_space<vmem>>) target_semaphore(%arg9 : memref<!tpu.dma_semaphore, #tpu.memory_space<semaphore_mem>>)
        } else {
        }
      } else {
      }
      %get3A = arith.index_cast %max3A : i32 to index
      %get3A_181 = tpu.vector_load %arg5[%get3A] {strides = array<i32>} : memref<4112xi32, #tpu.memory_space<vmem>>, vector<16xi32>,
      %get3A_182 = vector.shape_cast %get3A_181 : vector<16xi32> to vector<16xi32>
      %slice3A = vector.extract_strided_slice %get3A_182 {offsets = [0], sizes = [1], strides = [1]} : vector<16xi32> to vector<1xi32>
      %squeeze3A = vector.extract %slice3A[0] : i32 from vector<1xi32>
      %sub3A_183 = arith.subi %squeeze3A, %mul3A_32 : i32
      %sub3A_184 = arith.constant 1 : i32
      %sub3A_185 = arith.subi %min3A_170, %sub3A_184 : i32
      %get3A_186 = arith.index_cast %sub3A_185 : i32 to index
      %get3A_187 = tpu.vector_load %arg5[%get3A_186] {strides = array<i32>} : memref<4112xi32, #tpu.memory_space<vmem>>, vector<16xi32>,
      %get3A_188 = vector.shape_cast %get3A_187 : vector<16xi32> to vector<16xi32>
      %slice3A_189 = vector.extract_strided_slice %get3A_188 {offsets = [0], sizes = [1], strides = [1]} : vector<16xi32> to vector<1xi32>
      %squeeze3A_190 = vector.extract %slice3A_189[0] : i32 from vector<1xi32>
      %sub3A_191 = arith.subi %squeeze3A_190, %mul3A_32 : i32
      %add3A_192 = arith.constant 1 : i32
      %add3A_193 = arith.addi %sub3A_191, %add3A_192 : i32
      %while3A_194 = arith.subi %add3A_193, %sub3A_183 : i32
      %while3A_195 = arith.addi %sub3A_183, %while3A_194 : i32
      %while3A_196 = arith.constant 1 : i32
      %while3A_197 = arith.divsi %while3A_194, %while3A_196 : i32
      %while3A_198 = arith.muli %while3A_197, %while3A_196 : i32
      %while3A_199 = arith.addi %sub3A_183, %while3A_198 : i32
      %while3A_200 = arith.constant 1 : i32
      %while3A_201 = scf.for %while3A_204 = %sub3A_183 to %while3A_199 step %while3A_200 iter_args(%while3A_205 = %max3A) -> (i32)  : i32 {
        %add3A_206 = arith.addi %while3A_205, %min3A_170 : i32
        %jit3A_207 = arith.constant 2 : i32
        %div3A_208 = arith.divsi %add3A_206, %jit3A_207 : i32
        %sign3A_209 = arith.constant 0 : i32
        %sign3A_210 = arith.cmpi sgt, %add3A_206, %sign3A_209 : i32
        %sign3A_211 = arith.extui %sign3A_210 : i1 to i32
        %sign3A_212 = arith.constant 0 : i32
        %sign3A_213 = arith.cmpi slt, %add3A_206, %sign3A_212 : i32
        %sign3A_214 = arith.extui %sign3A_213 : i1 to i32
        %sign3A_215 = arith.subi %sign3A_211, %sign3A_214 : i32
        %sign3A_216 = arith.constant 0 : i32
        %sign3A_217 = arith.cmpi sgt, %jit3A_207, %sign3A_216 : i32
        %sign3A_218 = arith.extui %sign3A_217 : i1 to i32
        %sign3A_219 = arith.constant 0 : i32
        %sign3A_220 = arith.cmpi slt, %jit3A_207, %sign3A_219 : i32
        %sign3A_221 = arith.extui %sign3A_220 : i1 to i32
        %sign3A_222 = arith.subi %sign3A_218, %sign3A_221 : i32
        %ne3A_223 = arith.cmpi ne, %sign3A_215, %sign3A_222 : i32
        %rem3A_224 = arith.remsi %add3A_206, %jit3A_207 : i32
        %ne3A_225 = arith.constant 0 : i32
        %ne3A_226 = arith.cmpi ne, %rem3A_224, %ne3A_225 : i32
        %and3A_227 = arith.andi %ne3A_223, %ne3A_226 : i1
        %sub3A_228 = arith.constant 1 : i32
        %sub3A_229 = arith.subi %div3A_208, %sub3A_228 : i32
        %select_n3A_230 = arith.select %and3A_227, %sub3A_229, %div3A_208 : i32
        %min3A_231 = arith.constant 4095 : i32
        %min3A_232 = arith.minsi %select_n3A_230, %min3A_231 : i32
        %get3A_233 = arith.index_cast %min3A_232 : i32 to index
        %get3A_234 = tpu.vector_load %arg5[%get3A_233] {strides = array<i32>} : memref<4112xi32, #tpu.memory_space<vmem>>, vector<16xi32>,
        %get3A_235 = vector.shape_cast %get3A_234 : vector<16xi32> to vector<16xi32>
        %slice3A_236 = vector.extract_strided_slice %get3A_235 {offsets = [0], sizes = [1], strides = [1]} : vector<16xi32> to vector<1xi32>
        %squeeze3A_237 = vector.extract %slice3A_236[0] : i32 from vector<1xi32>
        %lt3A_238 = arith.cmpi slt, %while3A_205, %min3A_170 : i32
        %add3A_239 = arith.addi %while3A_204, %mul3A_32 : i32
        %le3A = arith.cmpi sle, %squeeze3A_237, %add3A_239 : i32
        %and3A_240 = arith.andi %lt3A_238, %le3A : i1
        %add3A_241 = arith.constant 1 : i32
        %add3A_242 = arith.addi %select_n3A_230, %add3A_241 : i32
        %select_n3A_243 = arith.select %and3A_240, %add3A_242, %while3A_205 : i32
        %not3A = arith.constant true
        %not3A_244 = arith.xori %le3A, %not3A : i1
        %and3A_245 = arith.andi %lt3A_238, %not3A_244 : i1
        %select_n3A_246 = arith.select %and3A_245, %select_n3A_230, %min3A_170 : i32
        %add3A_247 = arith.addi %select_n3A_243, %select_n3A_246 : i32
        %jit3A_248 = arith.constant 2 : i32
        %div3A_249 = arith.divsi %add3A_247, %jit3A_248 : i32
        %sign3A_250 = arith.constant 0 : i32
        %sign3A_251 = arith.cmpi sgt, %add3A_247, %sign3A_250 : i32
        %sign3A_252 = arith.extui %sign3A_251 : i1 to i32
        %sign3A_253 = arith.constant 0 : i32
        %sign3A_254 = arith.cmpi slt, %add3A_247, %sign3A_253 : i32
        %sign3A_255 = arith.extui %sign3A_254 : i1 to i32
        %sign3A_256 = arith.subi %sign3A_252, %sign3A_255 : i32
        %sign3A_257 = arith.constant 0 : i32
        %sign3A_258 = arith.cmpi sgt, %jit3A_248, %sign3A_257 : i32
        %sign3A_259 = arith.extui %sign3A_258 : i1 to i32
        %sign3A_260 = arith.constant 0 : i32
        %sign3A_261 = arith.cmpi slt, %jit3A_248, %sign3A_260 : i32
        %sign3A_262 = arith.extui %sign3A_261 : i1 to i32
        %sign3A_263 = arith.subi %sign3A_259, %sign3A_262 : i32
        %ne3A_264 = arith.cmpi ne, %sign3A_256, %sign3A_263 : i32
        %rem3A_265 = arith.remsi %add3A_247, %jit3A_248 : i32
        %ne3A_266 = arith.constant 0 : i32
        %ne3A_267 = arith.cmpi ne, %rem3A_265, %ne3A_266 : i32
        %and3A_268 = arith.andi %ne3A_264, %ne3A_267 : i1
        %sub3A_269 = arith.constant 1 : i32
        %sub3A_270 = arith.subi %div3A_249, %sub3A_269 : i32
        %select_n3A_271 = arith.select %and3A_268, %sub3A_270, %div3A_249 : i32
        %min3A_272 = arith.constant 4095 : i32
        %min3A_273 = arith.minsi %select_n3A_271, %min3A_272 : i32
        %get3A_274 = arith.index_cast %min3A_273 : i32 to index
        %get3A_275 = tpu.vector_load %arg5[%get3A_274] {strides = array<i32>} : memref<4112xi32, #tpu.memory_space<vmem>>, vector<16xi32>,
        %get3A_276 = vector.shape_cast %get3A_275 : vector<16xi32> to vector<16xi32>
        %slice3A_277 = vector.extract_strided_slice %get3A_276 {offsets = [0], sizes = [1], strides = [1]} : vector<16xi32> to vector<1xi32>
        %squeeze3A_278 = vector.extract %slice3A_277[0] : i32 from vector<1xi32>
        %lt3A_279 = arith.cmpi slt, %select_n3A_243, %select_n3A_246 : i32
        %add3A_280 = arith.addi %while3A_204, %mul3A_32 : i32
        %le3A_281 = arith.cmpi sle, %squeeze3A_278, %add3A_280 : i32
        %and3A_282 = arith.andi %lt3A_279, %le3A_281 : i1
        %add3A_283 = arith.constant 1 : i32
        %add3A_284 = arith.addi %select_n3A_271, %add3A_283 : i32
        %select_n3A_285 = arith.select %and3A_282, %add3A_284, %select_n3A_243 : i32
        %not3A_286 = arith.constant true
        %not3A_287 = arith.xori %le3A_281, %not3A_286 : i1
        %and3A_288 = arith.andi %lt3A_279, %not3A_287 : i1
        %select_n3A_289 = arith.select %and3A_288, %select_n3A_271, %select_n3A_246 : i32
        %add3A_290 = arith.addi %select_n3A_285, %select_n3A_289 : i32
        %jit3A_291 = arith.constant 2 : i32
        %div3A_292 = arith.divsi %add3A_290, %jit3A_291 : i32
        %sign3A_293 = arith.constant 0 : i32
        %sign3A_294 = arith.cmpi sgt, %add3A_290, %sign3A_293 : i32
        %sign3A_295 = arith.extui %sign3A_294 : i1 to i32
        %sign3A_296 = arith.constant 0 : i32
        %sign3A_297 = arith.cmpi slt, %add3A_290, %sign3A_296 : i32
        %sign3A_298 = arith.extui %sign3A_297 : i1 to i32
        %sign3A_299 = arith.subi %sign3A_295, %sign3A_298 : i32
        %sign3A_300 = arith.constant 0 : i32
        %sign3A_301 = arith.cmpi sgt, %jit3A_291, %sign3A_300 : i32
        %sign3A_302 = arith.extui %sign3A_301 : i1 to i32
        %sign3A_303 = arith.constant 0 : i32
        %sign3A_304 = arith.cmpi slt, %jit3A_291, %sign3A_303 : i32
        %sign3A_305 = arith.extui %sign3A_304 : i1 to i32
        %sign3A_306 = arith.subi %sign3A_302, %sign3A_305 : i32
        %ne3A_307 = arith.cmpi ne, %sign3A_299, %sign3A_306 : i32
        %rem3A_308 = arith.remsi %add3A_290, %jit3A_291 : i32
        %ne3A_309 = arith.constant 0 : i32
        %ne3A_310 = arith.cmpi ne, %rem3A_308, %ne3A_309 : i32
        %and3A_311 = arith.andi %ne3A_307, %ne3A_310 : i1
        %sub3A_312 = arith.constant 1 : i32
        %sub3A_313 = arith.subi %div3A_292, %sub3A_312 : i32
        %select_n3A_314 = arith.select %and3A_311, %sub3A_313, %div3A_292 : i32
        %min3A_315 = arith.constant 4095 : i32
        %min3A_316 = arith.minsi %select_n3A_314, %min3A_315 : i32
        %get3A_317 = arith.index_cast %min3A_316 : i32 to index
        %get3A_318 = tpu.vector_load %arg5[%get3A_317] {strides = array<i32>} : memref<4112xi32, #tpu.memory_space<vmem>>, vector<16xi32>,
        %get3A_319 = vector.shape_cast %get3A_318 : vector<16xi32> to vector<16xi32>
        %slice3A_320 = vector.extract_strided_slice %get3A_319 {offsets = [0], sizes = [1], strides = [1]} : vector<16xi32> to vector<1xi32>
        %squeeze3A_321 = vector.extract %slice3A_320[0] : i32 from vector<1xi32>
        %lt3A_322 = arith.cmpi slt, %select_n3A_285, %select_n3A_289 : i32
        %add3A_323 = arith.addi %while3A_204, %mul3A_32 : i32
        %le3A_324 = arith.cmpi sle, %squeeze3A_321, %add3A_323 : i32
        %and3A_325 = arith.andi %lt3A_322, %le3A_324 : i1
        %add3A_326 = arith.constant 1 : i32
        %add3A_327 = arith.addi %select_n3A_314, %add3A_326 : i32
        %select_n3A_328 = arith.select %and3A_325, %add3A_327, %select_n3A_285 : i32
        %not3A_329 = arith.constant true
        %not3A_330 = arith.xori %le3A_324, %not3A_329 : i1
        %and3A_331 = arith.andi %lt3A_322, %not3A_330 : i1
        %select_n3A_332 = arith.select %and3A_331, %select_n3A_314, %select_n3A_289 : i32
        %add3A_333 = arith.addi %select_n3A_328, %select_n3A_332 : i32
        %jit3A_334 = arith.constant 2 : i32
        %div3A_335 = arith.divsi %add3A_333, %jit3A_334 : i32
        %sign3A_336 = arith.constant 0 : i32
        %sign3A_337 = arith.cmpi sgt, %add3A_333, %sign3A_336 : i32
        %sign3A_338 = arith.extui %sign3A_337 : i1 to i32
        %sign3A_339 = arith.constant 0 : i32
        %sign3A_340 = arith.cmpi slt, %add3A_333, %sign3A_339 : i32
        %sign3A_341 = arith.extui %sign3A_340 : i1 to i32
        %sign3A_342 = arith.subi %sign3A_338, %sign3A_341 : i32
        %sign3A_343 = arith.constant 0 : i32
        %sign3A_344 = arith.cmpi sgt, %jit3A_334, %sign3A_343 : i32
        %sign3A_345 = arith.extui %sign3A_344 : i1 to i32
        %sign3A_346 = arith.constant 0 : i32
        %sign3A_347 = arith.cmpi slt, %jit3A_334, %sign3A_346 : i32
        %sign3A_348 = arith.extui %sign3A_347 : i1 to i32
        %sign3A_349 = arith.subi %sign3A_345, %sign3A_348 : i32
        %ne3A_350 = arith.cmpi ne, %sign3A_342, %sign3A_349 : i32
        %rem3A_351 = arith.remsi %add3A_333, %jit3A_334 : i32
        %ne3A_352 = arith.constant 0 : i32
        %ne3A_353 = arith.cmpi ne, %rem3A_351, %ne3A_352 : i32
        %and3A_354 = arith.andi %ne3A_350, %ne3A_353 : i1
        %sub3A_355 = arith.constant 1 : i32
        %sub3A_356 = arith.subi %div3A_335, %sub3A_355 : i32
        %select_n3A_357 = arith.select %and3A_354, %sub3A_356, %div3A_335 : i32
        %min3A_358 = arith.constant 4095 : i32
        %min3A_359 = arith.minsi %select_n3A_357, %min3A_358 : i32
        %get3A_360 = arith.index_cast %min3A_359 : i32 to index
        %get3A_361 = tpu.vector_load %arg5[%get3A_360] {strides = array<i32>} : memref<4112xi32, #tpu.memory_space<vmem>>, vector<16xi32>,
        %get3A_362 = vector.shape_cast %get3A_361 : vector<16xi32> to vector<16xi32>
        %slice3A_363 = vector.extract_strided_slice %get3A_362 {offsets = [0], sizes = [1], strides = [1]} : vector<16xi32> to vector<1xi32>
        %squeeze3A_364 = vector.extract %slice3A_363[0] : i32 from vector<1xi32>
        %lt3A_365 = arith.cmpi slt, %select_n3A_328, %select_n3A_332 : i32
        %add3A_366 = arith.addi %while3A_204, %mul3A_32 : i32
        %le3A_367 = arith.cmpi sle, %squeeze3A_364, %add3A_366 : i32
        %and3A_368 = arith.andi %lt3A_365, %le3A_367 : i1
        %add3A_369 = arith.constant 1 : i32
        %add3A_370 = arith.addi %select_n3A_357, %add3A_369 : i32
        %select_n3A_371 = arith.select %and3A_368, %add3A_370, %select_n3A_328 : i32
        %not3A_372 = arith.constant true
        %not3A_373 = arith.xori %le3A_367, %not3A_372 : i1
        %and3A_374 = arith.andi %lt3A_365, %not3A_373 : i1
        %select_n3A_375 = arith.select %and3A_374, %select_n3A_357, %select_n3A_332 : i32
        %add3A_376 = arith.addi %select_n3A_371, %select_n3A_375 : i32
        %jit3A_377 = arith.constant 2 : i32
        %div3A_378 = arith.divsi %add3A_376, %jit3A_377 : i32
        %sign3A_379 = arith.constant 0 : i32
        %sign3A_380 = arith.cmpi sgt, %add3A_376, %sign3A_379 : i32
        %sign3A_381 = arith.extui %sign3A_380 : i1 to i32
        %sign3A_382 = arith.constant 0 : i32
        %sign3A_383 = arith.cmpi slt, %add3A_376, %sign3A_382 : i32
        %sign3A_384 = arith.extui %sign3A_383 : i1 to i32
        %sign3A_385 = arith.subi %sign3A_381, %sign3A_384 : i32
        %sign3A_386 = arith.constant 0 : i32
        %sign3A_387 = arith.cmpi sgt, %jit3A_377, %sign3A_386 : i32
        %sign3A_388 = arith.extui %sign3A_387 : i1 to i32
        %sign3A_389 = arith.constant 0 : i32
        %sign3A_390 = arith.cmpi slt, %jit3A_377, %sign3A_389 : i32
        %sign3A_391 = arith.extui %sign3A_390 : i1 to i32
        %sign3A_392 = arith.subi %sign3A_388, %sign3A_391 : i32
        %ne3A_393 = arith.cmpi ne, %sign3A_385, %sign3A_392 : i32
        %rem3A_394 = arith.remsi %add3A_376, %jit3A_377 : i32
        %ne3A_395 = arith.constant 0 : i32
        %ne3A_396 = arith.cmpi ne, %rem3A_394, %ne3A_395 : i32
        %and3A_397 = arith.andi %ne3A_393, %ne3A_396 : i1
        %sub3A_398 = arith.constant 1 : i32
        %sub3A_399 = arith.subi %div3A_378, %sub3A_398 : i32
        %select_n3A_400 = arith.select %and3A_397, %sub3A_399, %div3A_378 : i32
        %min3A_401 = arith.constant 4095 : i32
        %min3A_402 = arith.minsi %select_n3A_400, %min3A_401 : i32
        %get3A_403 = arith.index_cast %min3A_402 : i32 to index
        %get3A_404 = tpu.vector_load %arg5[%get3A_403] {strides = array<i32>} : memref<4112xi32, #tpu.memory_space<vmem>>, vector<16xi32>,
        %get3A_405 = vector.shape_cast %get3A_404 : vector<16xi32> to vector<16xi32>
        %slice3A_406 = vector.extract_strided_slice %get3A_405 {offsets = [0], sizes = [1], strides = [1]} : vector<16xi32> to vector<1xi32>
        %squeeze3A_407 = vector.extract %slice3A_406[0] : i32 from vector<1xi32>
        %lt3A_408 = arith.cmpi slt, %select_n3A_371, %select_n3A_375 : i32
        %add3A_409 = arith.addi %while3A_204, %mul3A_32 : i32
        %le3A_410 = arith.cmpi sle, %squeeze3A_407, %add3A_409 : i32
        %and3A_411 = arith.andi %lt3A_408, %le3A_410 : i1
        %add3A_412 = arith.constant 1 : i32
        %add3A_413 = arith.addi %select_n3A_400, %add3A_412 : i32
        %select_n3A_414 = arith.select %and3A_411, %add3A_413, %select_n3A_371 : i32
        %not3A_415 = arith.constant true
        %not3A_416 = arith.xori %le3A_410, %not3A_415 : i1
        %and3A_417 = arith.andi %lt3A_408, %not3A_416 : i1
        %select_n3A_418 = arith.select %and3A_417, %select_n3A_400, %select_n3A_375 : i32
        %add3A_419 = arith.addi %select_n3A_414, %select_n3A_418 : i32
        %jit3A_420 = arith.constant 2 : i32
        %div3A_421 = arith.divsi %add3A_419, %jit3A_420 : i32
        %sign3A_422 = arith.constant 0 : i32
        %sign3A_423 = arith.cmpi sgt, %add3A_419, %sign3A_422 : i32
        %sign3A_424 = arith.extui %sign3A_423 : i1 to i32
        %sign3A_425 = arith.constant 0 : i32
        %sign3A_426 = arith.cmpi slt, %add3A_419, %sign3A_425 : i32
        %sign3A_427 = arith.extui %sign3A_426 : i1 to i32
        %sign3A_428 = arith.subi %sign3A_424, %sign3A_427 : i32
        %sign3A_429 = arith.constant 0 : i32
        %sign3A_430 = arith.cmpi sgt, %jit3A_420, %sign3A_429 : i32
        %sign3A_431 = arith.extui %sign3A_430 : i1 to i32
        %sign3A_432 = arith.constant 0 : i32
        %sign3A_433 = arith.cmpi slt, %jit3A_420, %sign3A_432 : i32
        %sign3A_434 = arith.extui %sign3A_433 : i1 to i32
        %sign3A_435 = arith.subi %sign3A_431, %sign3A_434 : i32
        %ne3A_436 = arith.cmpi ne, %sign3A_428, %sign3A_435 : i32
        %rem3A_437 = arith.remsi %add3A_419, %jit3A_420 : i32
        %ne3A_438 = arith.constant 0 : i32
        %ne3A_439 = arith.cmpi ne, %rem3A_437, %ne3A_438 : i32
        %and3A_440 = arith.andi %ne3A_436, %ne3A_439 : i1
        %sub3A_441 = arith.constant 1 : i32
        %sub3A_442 = arith.subi %div3A_421, %sub3A_441 : i32
        %select_n3A_443 = arith.select %and3A_440, %sub3A_442, %div3A_421 : i32
        %min3A_444 = arith.constant 4095 : i32
        %min3A_445 = arith.minsi %select_n3A_443, %min3A_444 : i32
        %get3A_446 = arith.index_cast %min3A_445 : i32 to index
        %get3A_447 = tpu.vector_load %arg5[%get3A_446] {strides = array<i32>} : memref<4112xi32, #tpu.memory_space<vmem>>, vector<16xi32>,
        %get3A_448 = vector.shape_cast %get3A_447 : vector<16xi32> to vector<16xi32>
        %slice3A_449 = vector.extract_strided_slice %get3A_448 {offsets = [0], sizes = [1], strides = [1]} : vector<16xi32> to vector<1xi32>
        %squeeze3A_450 = vector.extract %slice3A_449[0] : i32 from vector<1xi32>
        %lt3A_451 = arith.cmpi slt, %select_n3A_414, %select_n3A_418 : i32
        %add3A_452 = arith.addi %while3A_204, %mul3A_32 : i32
        %le3A_453 = arith.cmpi sle, %squeeze3A_450, %add3A_452 : i32
        %and3A_454 = arith.andi %lt3A_451, %le3A_453 : i1
        %add3A_455 = arith.constant 1 : i32
        %add3A_456 = arith.addi %select_n3A_443, %add3A_455 : i32
        %select_n3A_457 = arith.select %and3A_454, %add3A_456, %select_n3A_414 : i32
        %not3A_458 = arith.constant true
        %not3A_459 = arith.xori %le3A_453, %not3A_458 : i1
        %and3A_460 = arith.andi %lt3A_451, %not3A_459 : i1
        %select_n3A_461 = arith.select %and3A_460, %select_n3A_443, %select_n3A_418 : i32
        %sub3A_462 = arith.subi %while3A_205, %multiple_of3A : i32
        %sub3A_463 = arith.subi %select_n3A_457, %multiple_of3A : i32
        %while3A_464 = arith.subi %sub3A_463, %sub3A_462 : i32
        %while3A_465 = arith.addi %sub3A_462, %while3A_464 : i32
        %while3A_466 = arith.constant 1 : i32
        %while3A_467 = arith.divsi %while3A_464, %while3A_466 : i32
        %while3A_468 = arith.muli %while3A_467, %while3A_466 : i32
        %while3A_469 = arith.addi %sub3A_462, %while3A_468 : i32
        %while3A_470 = arith.constant 1 : i32
        %while3A_471:16 = scf.for %while3A_562 = %sub3A_462 to %while3A_469 step %while3A_470 iter_args(%while3A_563 = %broadcast_in_dim3A_33, %while3A_564 = %broadcast_in_dim3A_33, %while3A_565 = %broadcast_in_dim3A_33, %while3A_566 = %broadcast_in_dim3A_33, %while3A_567 = %broadcast_in_dim3A_33, %while3A_568 = %broadcast_in_dim3A_33, %while3A_569 = %broadcast_in_dim3A_33, %while3A_570 = %broadcast_in_dim3A_33, %while3A_571 = %broadcast_in_dim3A_33, %while3A_572 = %broadcast_in_dim3A_33, %while3A_573 = %broadcast_in_dim3A_33, %while3A_574 = %broadcast_in_dim3A_33, %while3A_575 = %broadcast_in_dim3A_33, %while3A_576 = %broadcast_in_dim3A_33, %while3A_577 = %broadcast_in_dim3A_33, %while3A_578 = %broadcast_in_dim3A_33) -> (vector<16xf32>, vector<16xf32>, vector<16xf32>, vector<16xf32>, vector<16xf32>, vector<16xf32>, vector<16xf32>, vector<16xf32>, vector<16xf32>, vector<16xf32>, vector<16xf32>, vector<16xf32>, vector<16xf32>, vector<16xf32>, vector<16xf32>, vector<16xf32>)  : i32 {
          %get3A_579 = arith.index_cast %rem3A_161 : i32 to index
          %get3A_580 = arith.index_cast %while3A_562 : i32 to index
          %get3A_581 = arith.constant 0 : index
          %get3A_582 = tpu.vector_load %arg6[%get3A_579, %get3A_580, %get3A_581] {strides = array<i32>} : memref<2x48x256xf32, #tpu.memory_space<vmem>>, vector<1x1x16xf32>,
          %get3A_583 = vector.shape_cast %get3A_582 : vector<1x1x16xf32> to vector<16xf32>
          %add3A_584 = arith.addf %while3A_563, %get3A_583 : vector<16xf32>
          %get3A_585 = arith.index_cast %rem3A_161 : i32 to index
          %get3A_586 = arith.index_cast %while3A_562 : i32 to index
          %get3A_587 = arith.constant 16 : index
          %get3A_588 = tpu.vector_load %arg6[%get3A_585, %get3A_586, %get3A_587] {strides = array<i32>} : memref<2x48x256xf32, #tpu.memory_space<vmem>>, vector<1x1x16xf32>,
          %get3A_589 = vector.shape_cast %get3A_588 : vector<1x1x16xf32> to vector<16xf32>
          %add3A_590 = arith.addf %while3A_564, %get3A_589 : vector<16xf32>
          %get3A_591 = arith.index_cast %rem3A_161 : i32 to index
          %get3A_592 = arith.index_cast %while3A_562 : i32 to index
          %get3A_593 = arith.constant 32 : index
          %get3A_594 = tpu.vector_load %arg6[%get3A_591, %get3A_592, %get3A_593] {strides = array<i32>} : memref<2x48x256xf32, #tpu.memory_space<vmem>>, vector<1x1x16xf32>,
          %get3A_595 = vector.shape_cast %get3A_594 : vector<1x1x16xf32> to vector<16xf32>
          %add3A_596 = arith.addf %while3A_565, %get3A_595 : vector<16xf32>
          %get3A_597 = arith.index_cast %rem3A_161 : i32 to index
          %get3A_598 = arith.index_cast %while3A_562 : i32 to index
          %get3A_599 = arith.constant 48 : index
          %get3A_600 = tpu.vector_load %arg6[%get3A_597, %get3A_598, %get3A_599] {strides = array<i32>} : memref<2x48x256xf32, #tpu.memory_space<vmem>>, vector<1x1x16xf32>,
          %get3A_601 = vector.shape_cast %get3A_600 : vector<1x1x16xf32> to vector<16xf32>
          %add3A_602 = arith.addf %while3A_566, %get3A_601 : vector<16xf32>
          %get3A_603 = arith.index_cast %rem3A_161 : i32 to index
          %get3A_604 = arith.index_cast %while3A_562 : i32 to index
          %get3A_605 = arith.constant 64 : index
          %get3A_606 = tpu.vector_load %arg6[%get3A_603, %get3A_604, %get3A_605] {strides = array<i32>} : memref<2x48x256xf32, #tpu.memory_space<vmem>>, vector<1x1x16xf32>,
          %get3A_607 = vector.shape_cast %get3A_606 : vector<1x1x16xf32> to vector<16xf32>
          %add3A_608 = arith.addf %while3A_567, %get3A_607 : vector<16xf32>
          %get3A_609 = arith.index_cast %rem3A_161 : i32 to index
          %get3A_610 = arith.index_cast %while3A_562 : i32 to index
          %get3A_611 = arith.constant 80 : index
          %get3A_612 = tpu.vector_load %arg6[%get3A_609, %get3A_610, %get3A_611] {strides = array<i32>} : memref<2x48x256xf32, #tpu.memory_space<vmem>>, vector<1x1x16xf32>,
          %get3A_613 = vector.shape_cast %get3A_612 : vector<1x1x16xf32> to vector<16xf32>
          %add3A_614 = arith.addf %while3A_568, %get3A_613 : vector<16xf32>
          %get3A_615 = arith.index_cast %rem3A_161 : i32 to index
          %get3A_616 = arith.index_cast %while3A_562 : i32 to index
          %get3A_617 = arith.constant 96 : index
          %get3A_618 = tpu.vector_load %arg6[%get3A_615, %get3A_616, %get3A_617] {strides = array<i32>} : memref<2x48x256xf32, #tpu.memory_space<vmem>>, vector<1x1x16xf32>,
          %get3A_619 = vector.shape_cast %get3A_618 : vector<1x1x16xf32> to vector<16xf32>
          %add3A_620 = arith.addf %while3A_569, %get3A_619 : vector<16xf32>
          %get3A_621 = arith.index_cast %rem3A_161 : i32 to index
          %get3A_622 = arith.index_cast %while3A_562 : i32 to index
          %get3A_623 = arith.constant 112 : index
          %get3A_624 = tpu.vector_load %arg6[%get3A_621, %get3A_622, %get3A_623] {strides = array<i32>} : memref<2x48x256xf32, #tpu.memory_space<vmem>>, vector<1x1x16xf32>,
          %get3A_625 = vector.shape_cast %get3A_624 : vector<1x1x16xf32> to vector<16xf32>
          %add3A_626 = arith.addf %while3A_570, %get3A_625 : vector<16xf32>
          %get3A_627 = arith.index_cast %rem3A_161 : i32 to index
          %get3A_628 = arith.index_cast %while3A_562 : i32 to index
          %get3A_629 = arith.constant 128 : index
          %get3A_630 = tpu.vector_load %arg6[%get3A_627, %get3A_628, %get3A_629] {strides = array<i32>} : memref<2x48x256xf32, #tpu.memory_space<vmem>>, vector<1x1x16xf32>,
          %get3A_631 = vector.shape_cast %get3A_630 : vector<1x1x16xf32> to vector<16xf32>
          %add3A_632 = arith.addf %while3A_571, %get3A_631 : vector<16xf32>
          %get3A_633 = arith.index_cast %rem3A_161 : i32 to index
          %get3A_634 = arith.index_cast %while3A_562 : i32 to index
          %get3A_635 = arith.constant 144 : index
          %get3A_636 = tpu.vector_load %arg6[%get3A_633, %get3A_634, %get3A_635] {strides = array<i32>} : memref<2x48x256xf32, #tpu.memory_space<vmem>>, vector<1x1x16xf32>,
          %get3A_637 = vector.shape_cast %get3A_636 : vector<1x1x16xf32> to vector<16xf32>
          %add3A_638 = arith.addf %while3A_572, %get3A_637 : vector<16xf32>
          %get3A_639 = arith.index_cast %rem3A_161 : i32 to index
          %get3A_640 = arith.index_cast %while3A_562 : i32 to index
          %get3A_641 = arith.constant 160 : index
          %get3A_642 = tpu.vector_load %arg6[%get3A_639, %get3A_640, %get3A_641] {strides = array<i32>} : memref<2x48x256xf32, #tpu.memory_space<vmem>>, vector<1x1x16xf32>,
          %get3A_643 = vector.shape_cast %get3A_642 : vector<1x1x16xf32> to vector<16xf32>
          %add3A_644 = arith.addf %while3A_573, %get3A_643 : vector<16xf32>
          %get3A_645 = arith.index_cast %rem3A_161 : i32 to index
          %get3A_646 = arith.index_cast %while3A_562 : i32 to index
          %get3A_647 = arith.constant 176 : index
          %get3A_648 = tpu.vector_load %arg6[%get3A_645, %get3A_646, %get3A_647] {strides = array<i32>} : memref<2x48x256xf32, #tpu.memory_space<vmem>>, vector<1x1x16xf32>,
          %get3A_649 = vector.shape_cast %get3A_648 : vector<1x1x16xf32> to vector<16xf32>
          %add3A_650 = arith.addf %while3A_574, %get3A_649 : vector<16xf32>
          %get3A_651 = arith.index_cast %rem3A_161 : i32 to index
          %get3A_652 = arith.index_cast %while3A_562 : i32 to index
          %get3A_653 = arith.constant 192 : index
          %get3A_654 = tpu.vector_load %arg6[%get3A_651, %get3A_652, %get3A_653] {strides = array<i32>} : memref<2x48x256xf32, #tpu.memory_space<vmem>>, vector<1x1x16xf32>,
          %get3A_655 = vector.shape_cast %get3A_654 : vector<1x1x16xf32> to vector<16xf32>
          %add3A_656 = arith.addf %while3A_575, %get3A_655 : vector<16xf32>
          %get3A_657 = arith.index_cast %rem3A_161 : i32 to index
          %get3A_658 = arith.index_cast %while3A_562 : i32 to index
          %get3A_659 = arith.constant 208 : index
          %get3A_660 = tpu.vector_load %arg6[%get3A_657, %get3A_658, %get3A_659] {strides = array<i32>} : memref<2x48x256xf32, #tpu.memory_space<vmem>>, vector<1x1x16xf32>,
          %get3A_661 = vector.shape_cast %get3A_660 : vector<1x1x16xf32> to vector<16xf32>
          %add3A_662 = arith.addf %while3A_576, %get3A_661 : vector<16xf32>
          %get3A_663 = arith.index_cast %rem3A_161 : i32 to index
          %get3A_664 = arith.index_cast %while3A_562 : i32 to index
          %get3A_665 = arith.constant 224 : index
          %get3A_666 = tpu.vector_load %arg6[%get3A_663, %get3A_664, %get3A_665] {strides = array<i32>} : memref<2x48x256xf32, #tpu.memory_space<vmem>>, vector<1x1x16xf32>,
          %get3A_667 = vector.shape_cast %get3A_666 : vector<1x1x16xf32> to vector<16xf32>
          %add3A_668 = arith.addf %while3A_577, %get3A_667 : vector<16xf32>
          %get3A_669 = arith.index_cast %rem3A_161 : i32 to index
          %get3A_670 = arith.index_cast %while3A_562 : i32 to index
          %get3A_671 = arith.constant 240 : index
          %get3A_672 = tpu.vector_load %arg6[%get3A_669, %get3A_670, %get3A_671] {strides = array<i32>} : memref<2x48x256xf32, #tpu.memory_space<vmem>>, vector<1x1x16xf32>,
          %get3A_673 = vector.shape_cast %get3A_672 : vector<1x1x16xf32> to vector<16xf32>
          %add3A_674 = arith.addf %while3A_578, %get3A_673 : vector<16xf32>
          scf.yield %add3A_584, %add3A_590, %add3A_596, %add3A_602, %add3A_608, %add3A_614, %add3A_620, %add3A_626, %add3A_632, %add3A_638, %add3A_644, %add3A_650, %add3A_656, %add3A_662, %add3A_668, %add3A_674 : vector<16xf32>, vector<16xf32>, vector<16xf32>, vector<16xf32>, vector<16xf32>, vector<16xf32>, vector<16xf32>, vector<16xf32>, vector<16xf32>, vector<16xf32>, vector<16xf32>, vector<16xf32>, vector<16xf32>, vector<16xf32>, vector<16xf32>, vector<16xf32>
        }
        %while3A_472 = arith.constant 1 : i32
        %while3A_473:16 = scf.for %while3A_562 = %while3A_469 to %while3A_465 step %while3A_472 iter_args(%while3A_563 = %while3A_471#0, %while3A_564 = %while3A_471#1, %while3A_565 = %while3A_471#2, %while3A_566 = %while3A_471#3, %while3A_567 = %while3A_471#4, %while3A_568 = %while3A_471#5, %while3A_569 = %while3A_471#6, %while3A_570 = %while3A_471#7, %while3A_571 = %while3A_471#8, %while3A_572 = %while3A_471#9, %while3A_573 = %while3A_471#10, %while3A_574 = %while3A_471#11, %while3A_575 = %while3A_471#12, %while3A_576 = %while3A_471#13, %while3A_577 = %while3A_471#14, %while3A_578 = %while3A_471#15) -> (vector<16xf32>, vector<16xf32>, vector<16xf32>, vector<16xf32>, vector<16xf32>, vector<16xf32>, vector<16xf32>, vector<16xf32>, vector<16xf32>, vector<16xf32>, vector<16xf32>, vector<16xf32>, vector<16xf32>, vector<16xf32>, vector<16xf32>, vector<16xf32>)  : i32 {
          %get3A_579 = arith.index_cast %rem3A_161 : i32 to index
          %get3A_580 = arith.index_cast %while3A_562 : i32 to index
          %get3A_581 = arith.constant 0 : index
          %get3A_582 = tpu.vector_load %arg6[%get3A_579, %get3A_580, %get3A_581] {strides = array<i32>} : memref<2x48x256xf32, #tpu.memory_space<vmem>>, vector<1x1x16xf32>,
          %get3A_583 = vector.shape_cast %get3A_582 : vector<1x1x16xf32> to vector<16xf32>
          %add3A_584 = arith.addf %while3A_563, %get3A_583 : vector<16xf32>
          %get3A_585 = arith.index_cast %rem3A_161 : i32 to index
          %get3A_586 = arith.index_cast %while3A_562 : i32 to index
          %get3A_587 = arith.constant 16 : index
          %get3A_588 = tpu.vector_load %arg6[%get3A_585, %get3A_586, %get3A_587] {strides = array<i32>} : memref<2x48x256xf32, #tpu.memory_space<vmem>>, vector<1x1x16xf32>,
          %get3A_589 = vector.shape_cast %get3A_588 : vector<1x1x16xf32> to vector<16xf32>
          %add3A_590 = arith.addf %while3A_564, %get3A_589 : vector<16xf32>
          %get3A_591 = arith.index_cast %rem3A_161 : i32 to index
          %get3A_592 = arith.index_cast %while3A_562 : i32 to index
          %get3A_593 = arith.constant 32 : index
          %get3A_594 = tpu.vector_load %arg6[%get3A_591, %get3A_592, %get3A_593] {strides = array<i32>} : memref<2x48x256xf32, #tpu.memory_space<vmem>>, vector<1x1x16xf32>,
          %get3A_595 = vector.shape_cast %get3A_594 : vector<1x1x16xf32> to vector<16xf32>
          %add3A_596 = arith.addf %while3A_565, %get3A_595 : vector<16xf32>
          %get3A_597 = arith.index_cast %rem3A_161 : i32 to index
          %get3A_598 = arith.index_cast %while3A_562 : i32 to index
          %get3A_599 = arith.constant 48 : index
          %get3A_600 = tpu.vector_load %arg6[%get3A_597, %get3A_598, %get3A_599] {strides = array<i32>} : memref<2x48x256xf32, #tpu.memory_space<vmem>>, vector<1x1x16xf32>,
          %get3A_601 = vector.shape_cast %get3A_600 : vector<1x1x16xf32> to vector<16xf32>
          %add3A_602 = arith.addf %while3A_566, %get3A_601 : vector<16xf32>
          %get3A_603 = arith.index_cast %rem3A_161 : i32 to index
          %get3A_604 = arith.index_cast %while3A_562 : i32 to index
          %get3A_605 = arith.constant 64 : index
          %get3A_606 = tpu.vector_load %arg6[%get3A_603, %get3A_604, %get3A_605] {strides = array<i32>} : memref<2x48x256xf32, #tpu.memory_space<vmem>>, vector<1x1x16xf32>,
          %get3A_607 = vector.shape_cast %get3A_606 : vector<1x1x16xf32> to vector<16xf32>
          %add3A_608 = arith.addf %while3A_567, %get3A_607 : vector<16xf32>
          %get3A_609 = arith.index_cast %rem3A_161 : i32 to index
          %get3A_610 = arith.index_cast %while3A_562 : i32 to index
          %get3A_611 = arith.constant 80 : index
          %get3A_612 = tpu.vector_load %arg6[%get3A_609, %get3A_610, %get3A_611] {strides = array<i32>} : memref<2x48x256xf32, #tpu.memory_space<vmem>>, vector<1x1x16xf32>,
          %get3A_613 = vector.shape_cast %get3A_612 : vector<1x1x16xf32> to vector<16xf32>
          %add3A_614 = arith.addf %while3A_568, %get3A_613 : vector<16xf32>
          %get3A_615 = arith.index_cast %rem3A_161 : i32 to index
          %get3A_616 = arith.index_cast %while3A_562 : i32 to index
          %get3A_617 = arith.constant 96 : index
          %get3A_618 = tpu.vector_load %arg6[%get3A_615, %get3A_616, %get3A_617] {strides = array<i32>} : memref<2x48x256xf32, #tpu.memory_space<vmem>>, vector<1x1x16xf32>,
          %get3A_619 = vector.shape_cast %get3A_618 : vector<1x1x16xf32> to vector<16xf32>
          %add3A_620 = arith.addf %while3A_569, %get3A_619 : vector<16xf32>
          %get3A_621 = arith.index_cast %rem3A_161 : i32 to index
          %get3A_622 = arith.index_cast %while3A_562 : i32 to index
          %get3A_623 = arith.constant 112 : index
          %get3A_624 = tpu.vector_load %arg6[%get3A_621, %get3A_622, %get3A_623] {strides = array<i32>} : memref<2x48x256xf32, #tpu.memory_space<vmem>>, vector<1x1x16xf32>,
          %get3A_625 = vector.shape_cast %get3A_624 : vector<1x1x16xf32> to vector<16xf32>
          %add3A_626 = arith.addf %while3A_570, %get3A_625 : vector<16xf32>
          %get3A_627 = arith.index_cast %rem3A_161 : i32 to index
          %get3A_628 = arith.index_cast %while3A_562 : i32 to index
          %get3A_629 = arith.constant 128 : index
          %get3A_630 = tpu.vector_load %arg6[%get3A_627, %get3A_628, %get3A_629] {strides = array<i32>} : memref<2x48x256xf32, #tpu.memory_space<vmem>>, vector<1x1x16xf32>,
          %get3A_631 = vector.shape_cast %get3A_630 : vector<1x1x16xf32> to vector<16xf32>
          %add3A_632 = arith.addf %while3A_571, %get3A_631 : vector<16xf32>
          %get3A_633 = arith.index_cast %rem3A_161 : i32 to index
          %get3A_634 = arith.index_cast %while3A_562 : i32 to index
          %get3A_635 = arith.constant 144 : index
          %get3A_636 = tpu.vector_load %arg6[%get3A_633, %get3A_634, %get3A_635] {strides = array<i32>} : memref<2x48x256xf32, #tpu.memory_space<vmem>>, vector<1x1x16xf32>,
          %get3A_637 = vector.shape_cast %get3A_636 : vector<1x1x16xf32> to vector<16xf32>
          %add3A_638 = arith.addf %while3A_572, %get3A_637 : vector<16xf32>
          %get3A_639 = arith.index_cast %rem3A_161 : i32 to index
          %get3A_640 = arith.index_cast %while3A_562 : i32 to index
          %get3A_641 = arith.constant 160 : index
          %get3A_642 = tpu.vector_load %arg6[%get3A_639, %get3A_640, %get3A_641] {strides = array<i32>} : memref<2x48x256xf32, #tpu.memory_space<vmem>>, vector<1x1x16xf32>,
          %get3A_643 = vector.shape_cast %get3A_642 : vector<1x1x16xf32> to vector<16xf32>
          %add3A_644 = arith.addf %while3A_573, %get3A_643 : vector<16xf32>
          %get3A_645 = arith.index_cast %rem3A_161 : i32 to index
          %get3A_646 = arith.index_cast %while3A_562 : i32 to index
          %get3A_647 = arith.constant 176 : index
          %get3A_648 = tpu.vector_load %arg6[%get3A_645, %get3A_646, %get3A_647] {strides = array<i32>} : memref<2x48x256xf32, #tpu.memory_space<vmem>>, vector<1x1x16xf32>,
          %get3A_649 = vector.shape_cast %get3A_648 : vector<1x1x16xf32> to vector<16xf32>
          %add3A_650 = arith.addf %while3A_574, %get3A_649 : vector<16xf32>
          %get3A_651 = arith.index_cast %rem3A_161 : i32 to index
          %get3A_652 = arith.index_cast %while3A_562 : i32 to index
          %get3A_653 = arith.constant 192 : index
          %get3A_654 = tpu.vector_load %arg6[%get3A_651, %get3A_652, %get3A_653] {strides = array<i32>} : memref<2x48x256xf32, #tpu.memory_space<vmem>>, vector<1x1x16xf32>,
          %get3A_655 = vector.shape_cast %get3A_654 : vector<1x1x16xf32> to vector<16xf32>
          %add3A_656 = arith.addf %while3A_575, %get3A_655 : vector<16xf32>
          %get3A_657 = arith.index_cast %rem3A_161 : i32 to index
          %get3A_658 = arith.index_cast %while3A_562 : i32 to index
          %get3A_659 = arith.constant 208 : index
          %get3A_660 = tpu.vector_load %arg6[%get3A_657, %get3A_658, %get3A_659] {strides = array<i32>} : memref<2x48x256xf32, #tpu.memory_space<vmem>>, vector<1x1x16xf32>,
          %get3A_661 = vector.shape_cast %get3A_660 : vector<1x1x16xf32> to vector<16xf32>
          %add3A_662 = arith.addf %while3A_576, %get3A_661 : vector<16xf32>
          %get3A_663 = arith.index_cast %rem3A_161 : i32 to index
          %get3A_664 = arith.index_cast %while3A_562 : i32 to index
          %get3A_665 = arith.constant 224 : index
          %get3A_666 = tpu.vector_load %arg6[%get3A_663, %get3A_664, %get3A_665] {strides = array<i32>} : memref<2x48x256xf32, #tpu.memory_space<vmem>>, vector<1x1x16xf32>,
          %get3A_667 = vector.shape_cast %get3A_666 : vector<1x1x16xf32> to vector<16xf32>
          %add3A_668 = arith.addf %while3A_577, %get3A_667 : vector<16xf32>
          %get3A_669 = arith.index_cast %rem3A_161 : i32 to index
          %get3A_670 = arith.index_cast %while3A_562 : i32 to index
          %get3A_671 = arith.constant 240 : index
          %get3A_672 = tpu.vector_load %arg6[%get3A_669, %get3A_670, %get3A_671] {strides = array<i32>} : memref<2x48x256xf32, #tpu.memory_space<vmem>>, vector<1x1x16xf32>,
          %get3A_673 = vector.shape_cast %get3A_672 : vector<1x1x16xf32> to vector<16xf32>
          %add3A_674 = arith.addf %while3A_578, %get3A_673 : vector<16xf32>
          scf.yield %add3A_584, %add3A_590, %add3A_596, %add3A_602, %add3A_608, %add3A_614, %add3A_620, %add3A_626, %add3A_632, %add3A_638, %add3A_644, %add3A_650, %add3A_656, %add3A_662, %add3A_668, %add3A_674 : vector<16xf32>, vector<16xf32>, vector<16xf32>, vector<16xf32>, vector<16xf32>, vector<16xf32>, vector<16xf32>, vector<16xf32>, vector<16xf32>, vector<16xf32>, vector<16xf32>, vector<16xf32>, vector<16xf32>, vector<16xf32>, vector<16xf32>, vector<16xf32>
        }
        %swap3A_474 = arith.index_cast %while3A_204 : i32 to index
        %swap3A_475 = arith.constant 0 : index
        %swap3A_476 = tpu.vector_load %arg7[%swap3A_474, %swap3A_475] {strides = array<i32>} : memref<256x256xf32, #tpu.memory_space<vmem>>, vector<1x16xf32>,
        %swap3A_477 = vector.shape_cast %swap3A_476 : vector<1x16xf32> to vector<16xf32>
        %swap3A_478 = vector.shape_cast %while3A_473#0 : vector<16xf32> to vector<1x16xf32>
        tpu.vector_store %arg7[%swap3A_474, %swap3A_475], %swap3A_478 {add = true, strides = array<i32>} : memref<256x256xf32, #tpu.memory_space<vmem>>, vector<1x16xf32>,
        %swap3A_479 = arith.index_cast %while3A_204 : i32 to index
        %swap3A_480 = arith.constant 16 : index
        %swap3A_481 = tpu.vector_load %arg7[%swap3A_479, %swap3A_480] {strides = array<i32>} : memref<256x256xf32, #tpu.memory_space<vmem>>, vector<1x16xf32>,
        %swap3A_482 = vector.shape_cast %swap3A_481 : vector<1x16xf32> to vector<16xf32>
        %swap3A_483 = vector.shape_cast %while3A_473#1 : vector<16xf32> to vector<1x16xf32>
        tpu.vector_store %arg7[%swap3A_479, %swap3A_480], %swap3A_483 {add = true, strides = array<i32>} : memref<256x256xf32, #tpu.memory_space<vmem>>, vector<1x16xf32>,
        %swap3A_484 = arith.index_cast %while3A_204 : i32 to index
        %swap3A_485 = arith.constant 32 : index
        %swap3A_486 = tpu.vector_load %arg7[%swap3A_484, %swap3A_485] {strides = array<i32>} : memref<256x256xf32, #tpu.memory_space<vmem>>, vector<1x16xf32>,
        %swap3A_487 = vector.shape_cast %swap3A_486 : vector<1x16xf32> to vector<16xf32>
        %swap3A_488 = vector.shape_cast %while3A_473#2 : vector<16xf32> to vector<1x16xf32>
        tpu.vector_store %arg7[%swap3A_484, %swap3A_485], %swap3A_488 {add = true, strides = array<i32>} : memref<256x256xf32, #tpu.memory_space<vmem>>, vector<1x16xf32>,
        %swap3A_489 = arith.index_cast %while3A_204 : i32 to index
        %swap3A_490 = arith.constant 48 : index
        %swap3A_491 = tpu.vector_load %arg7[%swap3A_489, %swap3A_490] {strides = array<i32>} : memref<256x256xf32, #tpu.memory_space<vmem>>, vector<1x16xf32>,
        %swap3A_492 = vector.shape_cast %swap3A_491 : vector<1x16xf32> to vector<16xf32>
        %swap3A_493 = vector.shape_cast %while3A_473#3 : vector<16xf32> to vector<1x16xf32>
        tpu.vector_store %arg7[%swap3A_489, %swap3A_490], %swap3A_493 {add = true, strides = array<i32>} : memref<256x256xf32, #tpu.memory_space<vmem>>, vector<1x16xf32>,
        %swap3A_494 = arith.index_cast %while3A_204 : i32 to index
        %swap3A_495 = arith.constant 64 : index
        %swap3A_496 = tpu.vector_load %arg7[%swap3A_494, %swap3A_495] {strides = array<i32>} : memref<256x256xf32, #tpu.memory_space<vmem>>, vector<1x16xf32>,
        %swap3A_497 = vector.shape_cast %swap3A_496 : vector<1x16xf32> to vector<16xf32>
        %swap3A_498 = vector.shape_cast %while3A_473#4 : vector<16xf32> to vector<1x16xf32>
        tpu.vector_store %arg7[%swap3A_494, %swap3A_495], %swap3A_498 {add = true, strides = array<i32>} : memref<256x256xf32, #tpu.memory_space<vmem>>, vector<1x16xf32>,
        %swap3A_499 = arith.index_cast %while3A_204 : i32 to index
        %swap3A_500 = arith.constant 80 : index
        %swap3A_501 = tpu.vector_load %arg7[%swap3A_499, %swap3A_500] {strides = array<i32>} : memref<256x256xf32, #tpu.memory_space<vmem>>, vector<1x16xf32>,
        %swap3A_502 = vector.shape_cast %swap3A_501 : vector<1x16xf32> to vector<16xf32>
        %swap3A_503 = vector.shape_cast %while3A_473#5 : vector<16xf32> to vector<1x16xf32>
        tpu.vector_store %arg7[%swap3A_499, %swap3A_500], %swap3A_503 {add = true, strides = array<i32>} : memref<256x256xf32, #tpu.memory_space<vmem>>, vector<1x16xf32>,
        %swap3A_504 = arith.index_cast %while3A_204 : i32 to index
        %swap3A_505 = arith.constant 96 : index
        %swap3A_506 = tpu.vector_load %arg7[%swap3A_504, %swap3A_505] {strides = array<i32>} : memref<256x256xf32, #tpu.memory_space<vmem>>, vector<1x16xf32>,
        %swap3A_507 = vector.shape_cast %swap3A_506 : vector<1x16xf32> to vector<16xf32>
        %swap3A_508 = vector.shape_cast %while3A_473#6 : vector<16xf32> to vector<1x16xf32>
        tpu.vector_store %arg7[%swap3A_504, %swap3A_505], %swap3A_508 {add = true, strides = array<i32>} : memref<256x256xf32, #tpu.memory_space<vmem>>, vector<1x16xf32>,
        %swap3A_509 = arith.index_cast %while3A_204 : i32 to index
        %swap3A_510 = arith.constant 112 : index
        %swap3A_511 = tpu.vector_load %arg7[%swap3A_509, %swap3A_510] {strides = array<i32>} : memref<256x256xf32, #tpu.memory_space<vmem>>, vector<1x16xf32>,
        %swap3A_512 = vector.shape_cast %swap3A_511 : vector<1x16xf32> to vector<16xf32>
        %swap3A_513 = vector.shape_cast %while3A_473#7 : vector<16xf32> to vector<1x16xf32>
        tpu.vector_store %arg7[%swap3A_509, %swap3A_510], %swap3A_513 {add = true, strides = array<i32>} : memref<256x256xf32, #tpu.memory_space<vmem>>, vector<1x16xf32>,
        %swap3A_514 = arith.index_cast %while3A_204 : i32 to index
        %swap3A_515 = arith.constant 128 : index
        %swap3A_516 = tpu.vector_load %arg7[%swap3A_514, %swap3A_515] {strides = array<i32>} : memref<256x256xf32, #tpu.memory_space<vmem>>, vector<1x16xf32>,
        %swap3A_517 = vector.shape_cast %swap3A_516 : vector<1x16xf32> to vector<16xf32>
        %swap3A_518 = vector.shape_cast %while3A_473#8 : vector<16xf32> to vector<1x16xf32>
        tpu.vector_store %arg7[%swap3A_514, %swap3A_515], %swap3A_518 {add = true, strides = array<i32>} : memref<256x256xf32, #tpu.memory_space<vmem>>, vector<1x16xf32>,
        %swap3A_519 = arith.index_cast %while3A_204 : i32 to index
        %swap3A_520 = arith.constant 144 : index
        %swap3A_521 = tpu.vector_load %arg7[%swap3A_519, %swap3A_520] {strides = array<i32>} : memref<256x256xf32, #tpu.memory_space<vmem>>, vector<1x16xf32>,
        %swap3A_522 = vector.shape_cast %swap3A_521 : vector<1x16xf32> to vector<16xf32>
        %swap3A_523 = vector.shape_cast %while3A_473#9 : vector<16xf32> to vector<1x16xf32>
        tpu.vector_store %arg7[%swap3A_519, %swap3A_520], %swap3A_523 {add = true, strides = array<i32>} : memref<256x256xf32, #tpu.memory_space<vmem>>, vector<1x16xf32>,
        %swap3A_524 = arith.index_cast %while3A_204 : i32 to index
        %swap3A_525 = arith.constant 160 : index
        %swap3A_526 = tpu.vector_load %arg7[%swap3A_524, %swap3A_525] {strides = array<i32>} : memref<256x256xf32, #tpu.memory_space<vmem>>, vector<1x16xf32>,
        %swap3A_527 = vector.shape_cast %swap3A_526 : vector<1x16xf32> to vector<16xf32>
        %swap3A_528 = vector.shape_cast %while3A_473#10 : vector<16xf32> to vector<1x16xf32>
        tpu.vector_store %arg7[%swap3A_524, %swap3A_525], %swap3A_528 {add = true, strides = array<i32>} : memref<256x256xf32, #tpu.memory_space<vmem>>, vector<1x16xf32>,
        %swap3A_529 = arith.index_cast %while3A_204 : i32 to index
        %swap3A_530 = arith.constant 176 : index
        %swap3A_531 = tpu.vector_load %arg7[%swap3A_529, %swap3A_530] {strides = array<i32>} : memref<256x256xf32, #tpu.memory_space<vmem>>, vector<1x16xf32>,
        %swap3A_532 = vector.shape_cast %swap3A_531 : vector<1x16xf32> to vector<16xf32>
        %swap3A_533 = vector.shape_cast %while3A_473#11 : vector<16xf32> to vector<1x16xf32>
        tpu.vector_store %arg7[%swap3A_529, %swap3A_530], %swap3A_533 {add = true, strides = array<i32>} : memref<256x256xf32, #tpu.memory_space<vmem>>, vector<1x16xf32>,
        %swap3A_534 = arith.index_cast %while3A_204 : i32 to index
        %swap3A_535 = arith.constant 192 : index
        %swap3A_536 = tpu.vector_load %arg7[%swap3A_534, %swap3A_535] {strides = array<i32>} : memref<256x256xf32, #tpu.memory_space<vmem>>, vector<1x16xf32>,
        %swap3A_537 = vector.shape_cast %swap3A_536 : vector<1x16xf32> to vector<16xf32>
        %swap3A_538 = vector.shape_cast %while3A_473#12 : vector<16xf32> to vector<1x16xf32>
        tpu.vector_store %arg7[%swap3A_534, %swap3A_535], %swap3A_538 {add = true, strides = array<i32>} : memref<256x256xf32, #tpu.memory_space<vmem>>, vector<1x16xf32>,
        %swap3A_539 = arith.index_cast %while3A_204 : i32 to index
        %swap3A_540 = arith.constant 208 : index
        %swap3A_541 = tpu.vector_load %arg7[%swap3A_539, %swap3A_540] {strides = array<i32>} : memref<256x256xf32, #tpu.memory_space<vmem>>, vector<1x16xf32>,
        %swap3A_542 = vector.shape_cast %swap3A_541 : vector<1x16xf32> to vector<16xf32>
        %swap3A_543 = vector.shape_cast %while3A_473#13 : vector<16xf32> to vector<1x16xf32>
        tpu.vector_store %arg7[%swap3A_539, %swap3A_540], %swap3A_543 {add = true, strides = array<i32>} : memref<256x256xf32, #tpu.memory_space<vmem>>, vector<1x16xf32>,
        %swap3A_544 = arith.index_cast %while3A_204 : i32 to index
        %swap3A_545 = arith.constant 224 : index
        %swap3A_546 = tpu.vector_load %arg7[%swap3A_544, %swap3A_545] {strides = array<i32>} : memref<256x256xf32, #tpu.memory_space<vmem>>, vector<1x16xf32>,
        %swap3A_547 = vector.shape_cast %swap3A_546 : vector<1x16xf32> to vector<16xf32>
        %swap3A_548 = vector.shape_cast %while3A_473#14 : vector<16xf32> to vector<1x16xf32>
        tpu.vector_store %arg7[%swap3A_544, %swap3A_545], %swap3A_548 {add = true, strides = array<i32>} : memref<256x256xf32, #tpu.memory_space<vmem>>, vector<1x16xf32>,
        %swap3A_549 = arith.index_cast %while3A_204 : i32 to index
        %swap3A_550 = arith.constant 240 : index
        %swap3A_551 = tpu.vector_load %arg7[%swap3A_549, %swap3A_550] {strides = array<i32>} : memref<256x256xf32, #tpu.memory_space<vmem>>, vector<1x16xf32>,
        %swap3A_552 = vector.shape_cast %swap3A_551 : vector<1x16xf32> to vector<16xf32>
        %swap3A_553 = vector.shape_cast %while3A_473#15 : vector<16xf32> to vector<1x16xf32>
        tpu.vector_store %arg7[%swap3A_549, %swap3A_550], %swap3A_553 {add = true, strides = array<i32>} : memref<256x256xf32, #tpu.memory_space<vmem>>, vector<1x16xf32>,
        %sub3A_554 = arith.subi %select_n3A_457, %while3A_205 : i32
        %convert_element_type3A_555 = arith.sitofp %sub3A_554 : i32 to f32
        %broadcast_in_dim3A_556 = vector.broadcast %convert_element_type3A_555 : f32 to vector<16xf32>
        %swap3A_557 = arith.index_cast %while3A_204 : i32 to index
        %swap3A_558 = arith.constant 0 : index
        %swap3A_559 = tpu.vector_load %arg8[%swap3A_557, %swap3A_558] {strides = array<i32>} : memref<256x16xf32, #tpu.memory_space<vmem>>, vector<1x16xf32>,
        %swap3A_560 = vector.shape_cast %swap3A_559 : vector<1x16xf32> to vector<16xf32>
        %swap3A_561 = vector.shape_cast %broadcast_in_dim3A_556 : vector<16xf32> to vector<1x16xf32>
        tpu.vector_store %arg8[%swap3A_557, %swap3A_558], %swap3A_561 {add = true, strides = array<i32>} : memref<256x16xf32, #tpu.memory_space<vmem>>, vector<1x16xf32>,
        scf.yield %select_n3A_457 : i32
      }
      %while3A_202 = arith.constant 1 : i32
      %while3A_203 = scf.for %while3A_204 = %while3A_199 to %while3A_195 step %while3A_202 iter_args(%while3A_205 = %while3A_201) -> (i32)  : i32 {
        %add3A_206 = arith.addi %while3A_205, %min3A_170 : i32
        %jit3A_207 = arith.constant 2 : i32
        %div3A_208 = arith.divsi %add3A_206, %jit3A_207 : i32
        %sign3A_209 = arith.constant 0 : i32
        %sign3A_210 = arith.cmpi sgt, %add3A_206, %sign3A_209 : i32
        %sign3A_211 = arith.extui %sign3A_210 : i1 to i32
        %sign3A_212 = arith.constant 0 : i32
        %sign3A_213 = arith.cmpi slt, %add3A_206, %sign3A_212 : i32
        %sign3A_214 = arith.extui %sign3A_213 : i1 to i32
        %sign3A_215 = arith.subi %sign3A_211, %sign3A_214 : i32
        %sign3A_216 = arith.constant 0 : i32
        %sign3A_217 = arith.cmpi sgt, %jit3A_207, %sign3A_216 : i32
        %sign3A_218 = arith.extui %sign3A_217 : i1 to i32
        %sign3A_219 = arith.constant 0 : i32
        %sign3A_220 = arith.cmpi slt, %jit3A_207, %sign3A_219 : i32
        %sign3A_221 = arith.extui %sign3A_220 : i1 to i32
        %sign3A_222 = arith.subi %sign3A_218, %sign3A_221 : i32
        %ne3A_223 = arith.cmpi ne, %sign3A_215, %sign3A_222 : i32
        %rem3A_224 = arith.remsi %add3A_206, %jit3A_207 : i32
        %ne3A_225 = arith.constant 0 : i32
        %ne3A_226 = arith.cmpi ne, %rem3A_224, %ne3A_225 : i32
        %and3A_227 = arith.andi %ne3A_223, %ne3A_226 : i1
        %sub3A_228 = arith.constant 1 : i32
        %sub3A_229 = arith.subi %div3A_208, %sub3A_228 : i32
        %select_n3A_230 = arith.select %and3A_227, %sub3A_229, %div3A_208 : i32
        %min3A_231 = arith.constant 4095 : i32
        %min3A_232 = arith.minsi %select_n3A_230, %min3A_231 : i32
        %get3A_233 = arith.index_cast %min3A_232 : i32 to index
        %get3A_234 = tpu.vector_load %arg5[%get3A_233] {strides = array<i32>} : memref<4112xi32, #tpu.memory_space<vmem>>, vector<16xi32>,
        %get3A_235 = vector.shape_cast %get3A_234 : vector<16xi32> to vector<16xi32>
        %slice3A_236 = vector.extract_strided_slice %get3A_235 {offsets = [0], sizes = [1], strides = [1]} : vector<16xi32> to vector<1xi32>
        %squeeze3A_237 = vector.extract %slice3A_236[0] : i32 from vector<1xi32>
        %lt3A_238 = arith.cmpi slt, %while3A_205, %min3A_170 : i32
        %add3A_239 = arith.addi %while3A_204, %mul3A_32 : i32
        %le3A = arith.cmpi sle, %squeeze3A_237, %add3A_239 : i32
        %and3A_240 = arith.andi %lt3A_238, %le3A : i1
        %add3A_241 = arith.constant 1 : i32
        %add3A_242 = arith.addi %select_n3A_230, %add3A_241 : i32
        %select_n3A_243 = arith.select %and3A_240, %add3A_242, %while3A_205 : i32
        %not3A = arith.constant true
        %not3A_244 = arith.xori %le3A, %not3A : i1
        %and3A_245 = arith.andi %lt3A_238, %not3A_244 : i1
        %select_n3A_246 = arith.select %and3A_245, %select_n3A_230, %min3A_170 : i32
        %add3A_247 = arith.addi %select_n3A_243, %select_n3A_246 : i32
        %jit3A_248 = arith.constant 2 : i32
        %div3A_249 = arith.divsi %add3A_247, %jit3A_248 : i32
        %sign3A_250 = arith.constant 0 : i32
        %sign3A_251 = arith.cmpi sgt, %add3A_247, %sign3A_250 : i32
        %sign3A_252 = arith.extui %sign3A_251 : i1 to i32
        %sign3A_253 = arith.constant 0 : i32
        %sign3A_254 = arith.cmpi slt, %add3A_247, %sign3A_253 : i32
        %sign3A_255 = arith.extui %sign3A_254 : i1 to i32
        %sign3A_256 = arith.subi %sign3A_252, %sign3A_255 : i32
        %sign3A_257 = arith.constant 0 : i32
        %sign3A_258 = arith.cmpi sgt, %jit3A_248, %sign3A_257 : i32
        %sign3A_259 = arith.extui %sign3A_258 : i1 to i32
        %sign3A_260 = arith.constant 0 : i32
        %sign3A_261 = arith.cmpi slt, %jit3A_248, %sign3A_260 : i32
        %sign3A_262 = arith.extui %sign3A_261 : i1 to i32
        %sign3A_263 = arith.subi %sign3A_259, %sign3A_262 : i32
        %ne3A_264 = arith.cmpi ne, %sign3A_256, %sign3A_263 : i32
        %rem3A_265 = arith.remsi %add3A_247, %jit3A_248 : i32
        %ne3A_266 = arith.constant 0 : i32
        %ne3A_267 = arith.cmpi ne, %rem3A_265, %ne3A_266 : i32
        %and3A_268 = arith.andi %ne3A_264, %ne3A_267 : i1
        %sub3A_269 = arith.constant 1 : i32
        %sub3A_270 = arith.subi %div3A_249, %sub3A_269 : i32
        %select_n3A_271 = arith.select %and3A_268, %sub3A_270, %div3A_249 : i32
        %min3A_272 = arith.constant 4095 : i32
        %min3A_273 = arith.minsi %select_n3A_271, %min3A_272 : i32
        %get3A_274 = arith.index_cast %min3A_273 : i32 to index
        %get3A_275 = tpu.vector_load %arg5[%get3A_274] {strides = array<i32>} : memref<4112xi32, #tpu.memory_space<vmem>>, vector<16xi32>,
        %get3A_276 = vector.shape_cast %get3A_275 : vector<16xi32> to vector<16xi32>
        %slice3A_277 = vector.extract_strided_slice %get3A_276 {offsets = [0], sizes = [1], strides = [1]} : vector<16xi32> to vector<1xi32>
        %squeeze3A_278 = vector.extract %slice3A_277[0] : i32 from vector<1xi32>
        %lt3A_279 = arith.cmpi slt, %select_n3A_243, %select_n3A_246 : i32
        %add3A_280 = arith.addi %while3A_204, %mul3A_32 : i32
        %le3A_281 = arith.cmpi sle, %squeeze3A_278, %add3A_280 : i32
        %and3A_282 = arith.andi %lt3A_279, %le3A_281 : i1
        %add3A_283 = arith.constant 1 : i32
        %add3A_284 = arith.addi %select_n3A_271, %add3A_283 : i32
        %select_n3A_285 = arith.select %and3A_282, %add3A_284, %select_n3A_243 : i32
        %not3A_286 = arith.constant true
        %not3A_287 = arith.xori %le3A_281, %not3A_286 : i1
        %and3A_288 = arith.andi %lt3A_279, %not3A_287 : i1
        %select_n3A_289 = arith.select %and3A_288, %select_n3A_271, %select_n3A_246 : i32
        %add3A_290 = arith.addi %select_n3A_285, %select_n3A_289 : i32
        %jit3A_291 = arith.constant 2 : i32
        %div3A_292 = arith.divsi %add3A_290, %jit3A_291 : i32
        %sign3A_293 = arith.constant 0 : i32
        %sign3A_294 = arith.cmpi sgt, %add3A_290, %sign3A_293 : i32
        %sign3A_295 = arith.extui %sign3A_294 : i1 to i32
        %sign3A_296 = arith.constant 0 : i32
        %sign3A_297 = arith.cmpi slt, %add3A_290, %sign3A_296 : i32
        %sign3A_298 = arith.extui %sign3A_297 : i1 to i32
        %sign3A_299 = arith.subi %sign3A_295, %sign3A_298 : i32
        %sign3A_300 = arith.constant 0 : i32
        %sign3A_301 = arith.cmpi sgt, %jit3A_291, %sign3A_300 : i32
        %sign3A_302 = arith.extui %sign3A_301 : i1 to i32
        %sign3A_303 = arith.constant 0 : i32
        %sign3A_304 = arith.cmpi slt, %jit3A_291, %sign3A_303 : i32
        %sign3A_305 = arith.extui %sign3A_304 : i1 to i32
        %sign3A_306 = arith.subi %sign3A_302, %sign3A_305 : i32
        %ne3A_307 = arith.cmpi ne, %sign3A_299, %sign3A_306 : i32
        %rem3A_308 = arith.remsi %add3A_290, %jit3A_291 : i32
        %ne3A_309 = arith.constant 0 : i32
        %ne3A_310 = arith.cmpi ne, %rem3A_308, %ne3A_309 : i32
        %and3A_311 = arith.andi %ne3A_307, %ne3A_310 : i1
        %sub3A_312 = arith.constant 1 : i32
        %sub3A_313 = arith.subi %div3A_292, %sub3A_312 : i32
        %select_n3A_314 = arith.select %and3A_311, %sub3A_313, %div3A_292 : i32
        %min3A_315 = arith.constant 4095 : i32
        %min3A_316 = arith.minsi %select_n3A_314, %min3A_315 : i32
        %get3A_317 = arith.index_cast %min3A_316 : i32 to index
        %get3A_318 = tpu.vector_load %arg5[%get3A_317] {strides = array<i32>} : memref<4112xi32, #tpu.memory_space<vmem>>, vector<16xi32>,
        %get3A_319 = vector.shape_cast %get3A_318 : vector<16xi32> to vector<16xi32>
        %slice3A_320 = vector.extract_strided_slice %get3A_319 {offsets = [0], sizes = [1], strides = [1]} : vector<16xi32> to vector<1xi32>
        %squeeze3A_321 = vector.extract %slice3A_320[0] : i32 from vector<1xi32>
        %lt3A_322 = arith.cmpi slt, %select_n3A_285, %select_n3A_289 : i32
        %add3A_323 = arith.addi %while3A_204, %mul3A_32 : i32
        %le3A_324 = arith.cmpi sle, %squeeze3A_321, %add3A_323 : i32
        %and3A_325 = arith.andi %lt3A_322, %le3A_324 : i1
        %add3A_326 = arith.constant 1 : i32
        %add3A_327 = arith.addi %select_n3A_314, %add3A_326 : i32
        %select_n3A_328 = arith.select %and3A_325, %add3A_327, %select_n3A_285 : i32
        %not3A_329 = arith.constant true
        %not3A_330 = arith.xori %le3A_324, %not3A_329 : i1
        %and3A_331 = arith.andi %lt3A_322, %not3A_330 : i1
        %select_n3A_332 = arith.select %and3A_331, %select_n3A_314, %select_n3A_289 : i32
        %add3A_333 = arith.addi %select_n3A_328, %select_n3A_332 : i32
        %jit3A_334 = arith.constant 2 : i32
        %div3A_335 = arith.divsi %add3A_333, %jit3A_334 : i32
        %sign3A_336 = arith.constant 0 : i32
        %sign3A_337 = arith.cmpi sgt, %add3A_333, %sign3A_336 : i32
        %sign3A_338 = arith.extui %sign3A_337 : i1 to i32
        %sign3A_339 = arith.constant 0 : i32
        %sign3A_340 = arith.cmpi slt, %add3A_333, %sign3A_339 : i32
        %sign3A_341 = arith.extui %sign3A_340 : i1 to i32
        %sign3A_342 = arith.subi %sign3A_338, %sign3A_341 : i32
        %sign3A_343 = arith.constant 0 : i32
        %sign3A_344 = arith.cmpi sgt, %jit3A_334, %sign3A_343 : i32
        %sign3A_345 = arith.extui %sign3A_344 : i1 to i32
        %sign3A_346 = arith.constant 0 : i32
        %sign3A_347 = arith.cmpi slt, %jit3A_334, %sign3A_346 : i32
        %sign3A_348 = arith.extui %sign3A_347 : i1 to i32
        %sign3A_349 = arith.subi %sign3A_345, %sign3A_348 : i32
        %ne3A_350 = arith.cmpi ne, %sign3A_342, %sign3A_349 : i32
        %rem3A_351 = arith.remsi %add3A_333, %jit3A_334 : i32
        %ne3A_352 = arith.constant 0 : i32
        %ne3A_353 = arith.cmpi ne, %rem3A_351, %ne3A_352 : i32
        %and3A_354 = arith.andi %ne3A_350, %ne3A_353 : i1
        %sub3A_355 = arith.constant 1 : i32
        %sub3A_356 = arith.subi %div3A_335, %sub3A_355 : i32
        %select_n3A_357 = arith.select %and3A_354, %sub3A_356, %div3A_335 : i32
        %min3A_358 = arith.constant 4095 : i32
        %min3A_359 = arith.minsi %select_n3A_357, %min3A_358 : i32
        %get3A_360 = arith.index_cast %min3A_359 : i32 to index
        %get3A_361 = tpu.vector_load %arg5[%get3A_360] {strides = array<i32>} : memref<4112xi32, #tpu.memory_space<vmem>>, vector<16xi32>,
        %get3A_362 = vector.shape_cast %get3A_361 : vector<16xi32> to vector<16xi32>
        %slice3A_363 = vector.extract_strided_slice %get3A_362 {offsets = [0], sizes = [1], strides = [1]} : vector<16xi32> to vector<1xi32>
        %squeeze3A_364 = vector.extract %slice3A_363[0] : i32 from vector<1xi32>
        %lt3A_365 = arith.cmpi slt, %select_n3A_328, %select_n3A_332 : i32
        %add3A_366 = arith.addi %while3A_204, %mul3A_32 : i32
        %le3A_367 = arith.cmpi sle, %squeeze3A_364, %add3A_366 : i32
        %and3A_368 = arith.andi %lt3A_365, %le3A_367 : i1
        %add3A_369 = arith.constant 1 : i32
        %add3A_370 = arith.addi %select_n3A_357, %add3A_369 : i32
        %select_n3A_371 = arith.select %and3A_368, %add3A_370, %select_n3A_328 : i32
        %not3A_372 = arith.constant true
        %not3A_373 = arith.xori %le3A_367, %not3A_372 : i1
        %and3A_374 = arith.andi %lt3A_365, %not3A_373 : i1
        %select_n3A_375 = arith.select %and3A_374, %select_n3A_357, %select_n3A_332 : i32
        %add3A_376 = arith.addi %select_n3A_371, %select_n3A_375 : i32
        %jit3A_377 = arith.constant 2 : i32
        %div3A_378 = arith.divsi %add3A_376, %jit3A_377 : i32
        %sign3A_379 = arith.constant 0 : i32
        %sign3A_380 = arith.cmpi sgt, %add3A_376, %sign3A_379 : i32
        %sign3A_381 = arith.extui %sign3A_380 : i1 to i32
        %sign3A_382 = arith.constant 0 : i32
        %sign3A_383 = arith.cmpi slt, %add3A_376, %sign3A_382 : i32
        %sign3A_384 = arith.extui %sign3A_383 : i1 to i32
        %sign3A_385 = arith.subi %sign3A_381, %sign3A_384 : i32
        %sign3A_386 = arith.constant 0 : i32
        %sign3A_387 = arith.cmpi sgt, %jit3A_377, %sign3A_386 : i32
        %sign3A_388 = arith.extui %sign3A_387 : i1 to i32
        %sign3A_389 = arith.constant 0 : i32
        %sign3A_390 = arith.cmpi slt, %jit3A_377, %sign3A_389 : i32
        %sign3A_391 = arith.extui %sign3A_390 : i1 to i32
        %sign3A_392 = arith.subi %sign3A_388, %sign3A_391 : i32
        %ne3A_393 = arith.cmpi ne, %sign3A_385, %sign3A_392 : i32
        %rem3A_394 = arith.remsi %add3A_376, %jit3A_377 : i32
        %ne3A_395 = arith.constant 0 : i32
        %ne3A_396 = arith.cmpi ne, %rem3A_394, %ne3A_395 : i32
        %and3A_397 = arith.andi %ne3A_393, %ne3A_396 : i1
        %sub3A_398 = arith.constant 1 : i32
        %sub3A_399 = arith.subi %div3A_378, %sub3A_398 : i32
        %select_n3A_400 = arith.select %and3A_397, %sub3A_399, %div3A_378 : i32
        %min3A_401 = arith.constant 4095 : i32
        %min3A_402 = arith.minsi %select_n3A_400, %min3A_401 : i32
        %get3A_403 = arith.index_cast %min3A_402 : i32 to index
        %get3A_404 = tpu.vector_load %arg5[%get3A_403] {strides = array<i32>} : memref<4112xi32, #tpu.memory_space<vmem>>, vector<16xi32>,
        %get3A_405 = vector.shape_cast %get3A_404 : vector<16xi32> to vector<16xi32>
        %slice3A_406 = vector.extract_strided_slice %get3A_405 {offsets = [0], sizes = [1], strides = [1]} : vector<16xi32> to vector<1xi32>
        %squeeze3A_407 = vector.extract %slice3A_406[0] : i32 from vector<1xi32>
        %lt3A_408 = arith.cmpi slt, %select_n3A_371, %select_n3A_375 : i32
        %add3A_409 = arith.addi %while3A_204, %mul3A_32 : i32
        %le3A_410 = arith.cmpi sle, %squeeze3A_407, %add3A_409 : i32
        %and3A_411 = arith.andi %lt3A_408, %le3A_410 : i1
        %add3A_412 = arith.constant 1 : i32
        %add3A_413 = arith.addi %select_n3A_400, %add3A_412 : i32
        %select_n3A_414 = arith.select %and3A_411, %add3A_413, %select_n3A_371 : i32
        %not3A_415 = arith.constant true
        %not3A_416 = arith.xori %le3A_410, %not3A_415 : i1
        %and3A_417 = arith.andi %lt3A_408, %not3A_416 : i1
        %select_n3A_418 = arith.select %and3A_417, %select_n3A_400, %select_n3A_375 : i32
        %add3A_419 = arith.addi %select_n3A_414, %select_n3A_418 : i32
        %jit3A_420 = arith.constant 2 : i32
        %div3A_421 = arith.divsi %add3A_419, %jit3A_420 : i32
        %sign3A_422 = arith.constant 0 : i32
        %sign3A_423 = arith.cmpi sgt, %add3A_419, %sign3A_422 : i32
        %sign3A_424 = arith.extui %sign3A_423 : i1 to i32
        %sign3A_425 = arith.constant 0 : i32
        %sign3A_426 = arith.cmpi slt, %add3A_419, %sign3A_425 : i32
        %sign3A_427 = arith.extui %sign3A_426 : i1 to i32
        %sign3A_428 = arith.subi %sign3A_424, %sign3A_427 : i32
        %sign3A_429 = arith.constant 0 : i32
        %sign3A_430 = arith.cmpi sgt, %jit3A_420, %sign3A_429 : i32
        %sign3A_431 = arith.extui %sign3A_430 : i1 to i32
        %sign3A_432 = arith.constant 0 : i32
        %sign3A_433 = arith.cmpi slt, %jit3A_420, %sign3A_432 : i32
        %sign3A_434 = arith.extui %sign3A_433 : i1 to i32
        %sign3A_435 = arith.subi %sign3A_431, %sign3A_434 : i32
        %ne3A_436 = arith.cmpi ne, %sign3A_428, %sign3A_435 : i32
        %rem3A_437 = arith.remsi %add3A_419, %jit3A_420 : i32
        %ne3A_438 = arith.constant 0 : i32
        %ne3A_439 = arith.cmpi ne, %rem3A_437, %ne3A_438 : i32
        %and3A_440 = arith.andi %ne3A_436, %ne3A_439 : i1
        %sub3A_441 = arith.constant 1 : i32
        %sub3A_442 = arith.subi %div3A_421, %sub3A_441 : i32
        %select_n3A_443 = arith.select %and3A_440, %sub3A_442, %div3A_421 : i32
        %min3A_444 = arith.constant 4095 : i32
        %min3A_445 = arith.minsi %select_n3A_443, %min3A_444 : i32
        %get3A_446 = arith.index_cast %min3A_445 : i32 to index
        %get3A_447 = tpu.vector_load %arg5[%get3A_446] {strides = array<i32>} : memref<4112xi32, #tpu.memory_space<vmem>>, vector<16xi32>,
        %get3A_448 = vector.shape_cast %get3A_447 : vector<16xi32> to vector<16xi32>
        %slice3A_449 = vector.extract_strided_slice %get3A_448 {offsets = [0], sizes = [1], strides = [1]} : vector<16xi32> to vector<1xi32>
        %squeeze3A_450 = vector.extract %slice3A_449[0] : i32 from vector<1xi32>
        %lt3A_451 = arith.cmpi slt, %select_n3A_414, %select_n3A_418 : i32
        %add3A_452 = arith.addi %while3A_204, %mul3A_32 : i32
        %le3A_453 = arith.cmpi sle, %squeeze3A_450, %add3A_452 : i32
        %and3A_454 = arith.andi %lt3A_451, %le3A_453 : i1
        %add3A_455 = arith.constant 1 : i32
        %add3A_456 = arith.addi %select_n3A_443, %add3A_455 : i32
        %select_n3A_457 = arith.select %and3A_454, %add3A_456, %select_n3A_414 : i32
        %not3A_458 = arith.constant true
        %not3A_459 = arith.xori %le3A_453, %not3A_458 : i1
        %and3A_460 = arith.andi %lt3A_451, %not3A_459 : i1
        %select_n3A_461 = arith.select %and3A_460, %select_n3A_443, %select_n3A_418 : i32
        %sub3A_462 = arith.subi %while3A_205, %multiple_of3A : i32
        %sub3A_463 = arith.subi %select_n3A_457, %multiple_of3A : i32
        %while3A_464 = arith.subi %sub3A_463, %sub3A_462 : i32
        %while3A_465 = arith.addi %sub3A_462, %while3A_464 : i32
        %while3A_466 = arith.constant 1 : i32
        %while3A_467 = arith.divsi %while3A_464, %while3A_466 : i32
        %while3A_468 = arith.muli %while3A_467, %while3A_466 : i32
        %while3A_469 = arith.addi %sub3A_462, %while3A_468 : i32
        %while3A_470 = arith.constant 1 : i32
        %while3A_471:16 = scf.for %while3A_562 = %sub3A_462 to %while3A_469 step %while3A_470 iter_args(%while3A_563 = %broadcast_in_dim3A_33, %while3A_564 = %broadcast_in_dim3A_33, %while3A_565 = %broadcast_in_dim3A_33, %while3A_566 = %broadcast_in_dim3A_33, %while3A_567 = %broadcast_in_dim3A_33, %while3A_568 = %broadcast_in_dim3A_33, %while3A_569 = %broadcast_in_dim3A_33, %while3A_570 = %broadcast_in_dim3A_33, %while3A_571 = %broadcast_in_dim3A_33, %while3A_572 = %broadcast_in_dim3A_33, %while3A_573 = %broadcast_in_dim3A_33, %while3A_574 = %broadcast_in_dim3A_33, %while3A_575 = %broadcast_in_dim3A_33, %while3A_576 = %broadcast_in_dim3A_33, %while3A_577 = %broadcast_in_dim3A_33, %while3A_578 = %broadcast_in_dim3A_33) -> (vector<16xf32>, vector<16xf32>, vector<16xf32>, vector<16xf32>, vector<16xf32>, vector<16xf32>, vector<16xf32>, vector<16xf32>, vector<16xf32>, vector<16xf32>, vector<16xf32>, vector<16xf32>, vector<16xf32>, vector<16xf32>, vector<16xf32>, vector<16xf32>)  : i32 {
          %get3A_579 = arith.index_cast %rem3A_161 : i32 to index
          %get3A_580 = arith.index_cast %while3A_562 : i32 to index
          %get3A_581 = arith.constant 0 : index
          %get3A_582 = tpu.vector_load %arg6[%get3A_579, %get3A_580, %get3A_581] {strides = array<i32>} : memref<2x48x256xf32, #tpu.memory_space<vmem>>, vector<1x1x16xf32>,
          %get3A_583 = vector.shape_cast %get3A_582 : vector<1x1x16xf32> to vector<16xf32>
          %add3A_584 = arith.addf %while3A_563, %get3A_583 : vector<16xf32>
          %get3A_585 = arith.index_cast %rem3A_161 : i32 to index
          %get3A_586 = arith.index_cast %while3A_562 : i32 to index
          %get3A_587 = arith.constant 16 : index
          %get3A_588 = tpu.vector_load %arg6[%get3A_585, %get3A_586, %get3A_587] {strides = array<i32>} : memref<2x48x256xf32, #tpu.memory_space<vmem>>, vector<1x1x16xf32>,
          %get3A_589 = vector.shape_cast %get3A_588 : vector<1x1x16xf32> to vector<16xf32>
          %add3A_590 = arith.addf %while3A_564, %get3A_589 : vector<16xf32>
          %get3A_591 = arith.index_cast %rem3A_161 : i32 to index
          %get3A_592 = arith.index_cast %while3A_562 : i32 to index
          %get3A_593 = arith.constant 32 : index
          %get3A_594 = tpu.vector_load %arg6[%get3A_591, %get3A_592, %get3A_593] {strides = array<i32>} : memref<2x48x256xf32, #tpu.memory_space<vmem>>, vector<1x1x16xf32>,
          %get3A_595 = vector.shape_cast %get3A_594 : vector<1x1x16xf32> to vector<16xf32>
          %add3A_596 = arith.addf %while3A_565, %get3A_595 : vector<16xf32>
          %get3A_597 = arith.index_cast %rem3A_161 : i32 to index
          %get3A_598 = arith.index_cast %while3A_562 : i32 to index
          %get3A_599 = arith.constant 48 : index
          %get3A_600 = tpu.vector_load %arg6[%get3A_597, %get3A_598, %get3A_599] {strides = array<i32>} : memref<2x48x256xf32, #tpu.memory_space<vmem>>, vector<1x1x16xf32>,
          %get3A_601 = vector.shape_cast %get3A_600 : vector<1x1x16xf32> to vector<16xf32>
          %add3A_602 = arith.addf %while3A_566, %get3A_601 : vector<16xf32>
          %get3A_603 = arith.index_cast %rem3A_161 : i32 to index
          %get3A_604 = arith.index_cast %while3A_562 : i32 to index
          %get3A_605 = arith.constant 64 : index
          %get3A_606 = tpu.vector_load %arg6[%get3A_603, %get3A_604, %get3A_605] {strides = array<i32>} : memref<2x48x256xf32, #tpu.memory_space<vmem>>, vector<1x1x16xf32>,
          %get3A_607 = vector.shape_cast %get3A_606 : vector<1x1x16xf32> to vector<16xf32>
          %add3A_608 = arith.addf %while3A_567, %get3A_607 : vector<16xf32>
          %get3A_609 = arith.index_cast %rem3A_161 : i32 to index
          %get3A_610 = arith.index_cast %while3A_562 : i32 to index
          %get3A_611 = arith.constant 80 : index
          %get3A_612 = tpu.vector_load %arg6[%get3A_609, %get3A_610, %get3A_611] {strides = array<i32>} : memref<2x48x256xf32, #tpu.memory_space<vmem>>, vector<1x1x16xf32>,
          %get3A_613 = vector.shape_cast %get3A_612 : vector<1x1x16xf32> to vector<16xf32>
          %add3A_614 = arith.addf %while3A_568, %get3A_613 : vector<16xf32>
          %get3A_615 = arith.index_cast %rem3A_161 : i32 to index
          %get3A_616 = arith.index_cast %while3A_562 : i32 to index
          %get3A_617 = arith.constant 96 : index
          %get3A_618 = tpu.vector_load %arg6[%get3A_615, %get3A_616, %get3A_617] {strides = array<i32>} : memref<2x48x256xf32, #tpu.memory_space<vmem>>, vector<1x1x16xf32>,
          %get3A_619 = vector.shape_cast %get3A_618 : vector<1x1x16xf32> to vector<16xf32>
          %add3A_620 = arith.addf %while3A_569, %get3A_619 : vector<16xf32>
          %get3A_621 = arith.index_cast %rem3A_161 : i32 to index
          %get3A_622 = arith.index_cast %while3A_562 : i32 to index
          %get3A_623 = arith.constant 112 : index
          %get3A_624 = tpu.vector_load %arg6[%get3A_621, %get3A_622, %get3A_623] {strides = array<i32>} : memref<2x48x256xf32, #tpu.memory_space<vmem>>, vector<1x1x16xf32>,
          %get3A_625 = vector.shape_cast %get3A_624 : vector<1x1x16xf32> to vector<16xf32>
          %add3A_626 = arith.addf %while3A_570, %get3A_625 : vector<16xf32>
          %get3A_627 = arith.index_cast %rem3A_161 : i32 to index
          %get3A_628 = arith.index_cast %while3A_562 : i32 to index
          %get3A_629 = arith.constant 128 : index
          %get3A_630 = tpu.vector_load %arg6[%get3A_627, %get3A_628, %get3A_629] {strides = array<i32>} : memref<2x48x256xf32, #tpu.memory_space<vmem>>, vector<1x1x16xf32>,
          %get3A_631 = vector.shape_cast %get3A_630 : vector<1x1x16xf32> to vector<16xf32>
          %add3A_632 = arith.addf %while3A_571, %get3A_631 : vector<16xf32>
          %get3A_633 = arith.index_cast %rem3A_161 : i32 to index
          %get3A_634 = arith.index_cast %while3A_562 : i32 to index
          %get3A_635 = arith.constant 144 : index
          %get3A_636 = tpu.vector_load %arg6[%get3A_633, %get3A_634, %get3A_635] {strides = array<i32>} : memref<2x48x256xf32, #tpu.memory_space<vmem>>, vector<1x1x16xf32>,
          %get3A_637 = vector.shape_cast %get3A_636 : vector<1x1x16xf32> to vector<16xf32>
          %add3A_638 = arith.addf %while3A_572, %get3A_637 : vector<16xf32>
          %get3A_639 = arith.index_cast %rem3A_161 : i32 to index
          %get3A_640 = arith.index_cast %while3A_562 : i32 to index
          %get3A_641 = arith.constant 160 : index
          %get3A_642 = tpu.vector_load %arg6[%get3A_639, %get3A_640, %get3A_641] {strides = array<i32>} : memref<2x48x256xf32, #tpu.memory_space<vmem>>, vector<1x1x16xf32>,
          %get3A_643 = vector.shape_cast %get3A_642 : vector<1x1x16xf32> to vector<16xf32>
          %add3A_644 = arith.addf %while3A_573, %get3A_643 : vector<16xf32>
          %get3A_645 = arith.index_cast %rem3A_161 : i32 to index
          %get3A_646 = arith.index_cast %while3A_562 : i32 to index
          %get3A_647 = arith.constant 176 : index
          %get3A_648 = tpu.vector_load %arg6[%get3A_645, %get3A_646, %get3A_647] {strides = array<i32>} : memref<2x48x256xf32, #tpu.memory_space<vmem>>, vector<1x1x16xf32>,
          %get3A_649 = vector.shape_cast %get3A_648 : vector<1x1x16xf32> to vector<16xf32>
          %add3A_650 = arith.addf %while3A_574, %get3A_649 : vector<16xf32>
          %get3A_651 = arith.index_cast %rem3A_161 : i32 to index
          %get3A_652 = arith.index_cast %while3A_562 : i32 to index
          %get3A_653 = arith.constant 192 : index
          %get3A_654 = tpu.vector_load %arg6[%get3A_651, %get3A_652, %get3A_653] {strides = array<i32>} : memref<2x48x256xf32, #tpu.memory_space<vmem>>, vector<1x1x16xf32>,
          %get3A_655 = vector.shape_cast %get3A_654 : vector<1x1x16xf32> to vector<16xf32>
          %add3A_656 = arith.addf %while3A_575, %get3A_655 : vector<16xf32>
          %get3A_657 = arith.index_cast %rem3A_161 : i32 to index
          %get3A_658 = arith.index_cast %while3A_562 : i32 to index
          %get3A_659 = arith.constant 208 : index
          %get3A_660 = tpu.vector_load %arg6[%get3A_657, %get3A_658, %get3A_659] {strides = array<i32>} : memref<2x48x256xf32, #tpu.memory_space<vmem>>, vector<1x1x16xf32>,
          %get3A_661 = vector.shape_cast %get3A_660 : vector<1x1x16xf32> to vector<16xf32>
          %add3A_662 = arith.addf %while3A_576, %get3A_661 : vector<16xf32>
          %get3A_663 = arith.index_cast %rem3A_161 : i32 to index
          %get3A_664 = arith.index_cast %while3A_562 : i32 to index
          %get3A_665 = arith.constant 224 : index
          %get3A_666 = tpu.vector_load %arg6[%get3A_663, %get3A_664, %get3A_665] {strides = array<i32>} : memref<2x48x256xf32, #tpu.memory_space<vmem>>, vector<1x1x16xf32>,
          %get3A_667 = vector.shape_cast %get3A_666 : vector<1x1x16xf32> to vector<16xf32>
          %add3A_668 = arith.addf %while3A_577, %get3A_667 : vector<16xf32>
          %get3A_669 = arith.index_cast %rem3A_161 : i32 to index
          %get3A_670 = arith.index_cast %while3A_562 : i32 to index
          %get3A_671 = arith.constant 240 : index
          %get3A_672 = tpu.vector_load %arg6[%get3A_669, %get3A_670, %get3A_671] {strides = array<i32>} : memref<2x48x256xf32, #tpu.memory_space<vmem>>, vector<1x1x16xf32>,
          %get3A_673 = vector.shape_cast %get3A_672 : vector<1x1x16xf32> to vector<16xf32>
          %add3A_674 = arith.addf %while3A_578, %get3A_673 : vector<16xf32>
          scf.yield %add3A_584, %add3A_590, %add3A_596, %add3A_602, %add3A_608, %add3A_614, %add3A_620, %add3A_626, %add3A_632, %add3A_638, %add3A_644, %add3A_650, %add3A_656, %add3A_662, %add3A_668, %add3A_674 : vector<16xf32>, vector<16xf32>, vector<16xf32>, vector<16xf32>, vector<16xf32>, vector<16xf32>, vector<16xf32>, vector<16xf32>, vector<16xf32>, vector<16xf32>, vector<16xf32>, vector<16xf32>, vector<16xf32>, vector<16xf32>, vector<16xf32>, vector<16xf32>
        }
        %while3A_472 = arith.constant 1 : i32
        %while3A_473:16 = scf.for %while3A_562 = %while3A_469 to %while3A_465 step %while3A_472 iter_args(%while3A_563 = %while3A_471#0, %while3A_564 = %while3A_471#1, %while3A_565 = %while3A_471#2, %while3A_566 = %while3A_471#3, %while3A_567 = %while3A_471#4, %while3A_568 = %while3A_471#5, %while3A_569 = %while3A_471#6, %while3A_570 = %while3A_471#7, %while3A_571 = %while3A_471#8, %while3A_572 = %while3A_471#9, %while3A_573 = %while3A_471#10, %while3A_574 = %while3A_471#11, %while3A_575 = %while3A_471#12, %while3A_576 = %while3A_471#13, %while3A_577 = %while3A_471#14, %while3A_578 = %while3A_471#15) -> (vector<16xf32>, vector<16xf32>, vector<16xf32>, vector<16xf32>, vector<16xf32>, vector<16xf32>, vector<16xf32>, vector<16xf32>, vector<16xf32>, vector<16xf32>, vector<16xf32>, vector<16xf32>, vector<16xf32>, vector<16xf32>, vector<16xf32>, vector<16xf32>)  : i32 {
          %get3A_579 = arith.index_cast %rem3A_161 : i32 to index
          %get3A_580 = arith.index_cast %while3A_562 : i32 to index
          %get3A_581 = arith.constant 0 : index
          %get3A_582 = tpu.vector_load %arg6[%get3A_579, %get3A_580, %get3A_581] {strides = array<i32>} : memref<2x48x256xf32, #tpu.memory_space<vmem>>, vector<1x1x16xf32>,
          %get3A_583 = vector.shape_cast %get3A_582 : vector<1x1x16xf32> to vector<16xf32>
          %add3A_584 = arith.addf %while3A_563, %get3A_583 : vector<16xf32>
          %get3A_585 = arith.index_cast %rem3A_161 : i32 to index
          %get3A_586 = arith.index_cast %while3A_562 : i32 to index
          %get3A_587 = arith.constant 16 : index
          %get3A_588 = tpu.vector_load %arg6[%get3A_585, %get3A_586, %get3A_587] {strides = array<i32>} : memref<2x48x256xf32, #tpu.memory_space<vmem>>, vector<1x1x16xf32>,
          %get3A_589 = vector.shape_cast %get3A_588 : vector<1x1x16xf32> to vector<16xf32>
          %add3A_590 = arith.addf %while3A_564, %get3A_589 : vector<16xf32>
          %get3A_591 = arith.index_cast %rem3A_161 : i32 to index
          %get3A_592 = arith.index_cast %while3A_562 : i32 to index
          %get3A_593 = arith.constant 32 : index
          %get3A_594 = tpu.vector_load %arg6[%get3A_591, %get3A_592, %get3A_593] {strides = array<i32>} : memref<2x48x256xf32, #tpu.memory_space<vmem>>, vector<1x1x16xf32>,
          %get3A_595 = vector.shape_cast %get3A_594 : vector<1x1x16xf32> to vector<16xf32>
          %add3A_596 = arith.addf %while3A_565, %get3A_595 : vector<16xf32>
          %get3A_597 = arith.index_cast %rem3A_161 : i32 to index
          %get3A_598 = arith.index_cast %while3A_562 : i32 to index
          %get3A_599 = arith.constant 48 : index
          %get3A_600 = tpu.vector_load %arg6[%get3A_597, %get3A_598, %get3A_599] {strides = array<i32>} : memref<2x48x256xf32, #tpu.memory_space<vmem>>, vector<1x1x16xf32>,
          %get3A_601 = vector.shape_cast %get3A_600 : vector<1x1x16xf32> to vector<16xf32>
          %add3A_602 = arith.addf %while3A_566, %get3A_601 : vector<16xf32>
          %get3A_603 = arith.index_cast %rem3A_161 : i32 to index
          %get3A_604 = arith.index_cast %while3A_562 : i32 to index
          %get3A_605 = arith.constant 64 : index
          %get3A_606 = tpu.vector_load %arg6[%get3A_603, %get3A_604, %get3A_605] {strides = array<i32>} : memref<2x48x256xf32, #tpu.memory_space<vmem>>, vector<1x1x16xf32>,
          %get3A_607 = vector.shape_cast %get3A_606 : vector<1x1x16xf32> to vector<16xf32>
          %add3A_608 = arith.addf %while3A_567, %get3A_607 : vector<16xf32>
          %get3A_609 = arith.index_cast %rem3A_161 : i32 to index
          %get3A_610 = arith.index_cast %while3A_562 : i32 to index
          %get3A_611 = arith.constant 80 : index
          %get3A_612 = tpu.vector_load %arg6[%get3A_609, %get3A_610, %get3A_611] {strides = array<i32>} : memref<2x48x256xf32, #tpu.memory_space<vmem>>, vector<1x1x16xf32>,
          %get3A_613 = vector.shape_cast %get3A_612 : vector<1x1x16xf32> to vector<16xf32>
          %add3A_614 = arith.addf %while3A_568, %get3A_613 : vector<16xf32>
          %get3A_615 = arith.index_cast %rem3A_161 : i32 to index
          %get3A_616 = arith.index_cast %while3A_562 : i32 to index
          %get3A_617 = arith.constant 96 : index
          %get3A_618 = tpu.vector_load %arg6[%get3A_615, %get3A_616, %get3A_617] {strides = array<i32>} : memref<2x48x256xf32, #tpu.memory_space<vmem>>, vector<1x1x16xf32>,
          %get3A_619 = vector.shape_cast %get3A_618 : vector<1x1x16xf32> to vector<16xf32>
          %add3A_620 = arith.addf %while3A_569, %get3A_619 : vector<16xf32>
          %get3A_621 = arith.index_cast %rem3A_161 : i32 to index
          %get3A_622 = arith.index_cast %while3A_562 : i32 to index
          %get3A_623 = arith.constant 112 : index
          %get3A_624 = tpu.vector_load %arg6[%get3A_621, %get3A_622, %get3A_623] {strides = array<i32>} : memref<2x48x256xf32, #tpu.memory_space<vmem>>, vector<1x1x16xf32>,
          %get3A_625 = vector.shape_cast %get3A_624 : vector<1x1x16xf32> to vector<16xf32>
          %add3A_626 = arith.addf %while3A_570, %get3A_625 : vector<16xf32>
          %get3A_627 = arith.index_cast %rem3A_161 : i32 to index
          %get3A_628 = arith.index_cast %while3A_562 : i32 to index
          %get3A_629 = arith.constant 128 : index
          %get3A_630 = tpu.vector_load %arg6[%get3A_627, %get3A_628, %get3A_629] {strides = array<i32>} : memref<2x48x256xf32, #tpu.memory_space<vmem>>, vector<1x1x16xf32>,
          %get3A_631 = vector.shape_cast %get3A_630 : vector<1x1x16xf32> to vector<16xf32>
          %add3A_632 = arith.addf %while3A_571, %get3A_631 : vector<16xf32>
          %get3A_633 = arith.index_cast %rem3A_161 : i32 to index
          %get3A_634 = arith.index_cast %while3A_562 : i32 to index
          %get3A_635 = arith.constant 144 : index
          %get3A_636 = tpu.vector_load %arg6[%get3A_633, %get3A_634, %get3A_635] {strides = array<i32>} : memref<2x48x256xf32, #tpu.memory_space<vmem>>, vector<1x1x16xf32>,
          %get3A_637 = vector.shape_cast %get3A_636 : vector<1x1x16xf32> to vector<16xf32>
          %add3A_638 = arith.addf %while3A_572, %get3A_637 : vector<16xf32>
          %get3A_639 = arith.index_cast %rem3A_161 : i32 to index
          %get3A_640 = arith.index_cast %while3A_562 : i32 to index
          %get3A_641 = arith.constant 160 : index
          %get3A_642 = tpu.vector_load %arg6[%get3A_639, %get3A_640, %get3A_641] {strides = array<i32>} : memref<2x48x256xf32, #tpu.memory_space<vmem>>, vector<1x1x16xf32>,
          %get3A_643 = vector.shape_cast %get3A_642 : vector<1x1x16xf32> to vector<16xf32>
          %add3A_644 = arith.addf %while3A_573, %get3A_643 : vector<16xf32>
          %get3A_645 = arith.index_cast %rem3A_161 : i32 to index
          %get3A_646 = arith.index_cast %while3A_562 : i32 to index
          %get3A_647 = arith.constant 176 : index
          %get3A_648 = tpu.vector_load %arg6[%get3A_645, %get3A_646, %get3A_647] {strides = array<i32>} : memref<2x48x256xf32, #tpu.memory_space<vmem>>, vector<1x1x16xf32>,
          %get3A_649 = vector.shape_cast %get3A_648 : vector<1x1x16xf32> to vector<16xf32>
          %add3A_650 = arith.addf %while3A_574, %get3A_649 : vector<16xf32>
          %get3A_651 = arith.index_cast %rem3A_161 : i32 to index
          %get3A_652 = arith.index_cast %while3A_562 : i32 to index
          %get3A_653 = arith.constant 192 : index
          %get3A_654 = tpu.vector_load %arg6[%get3A_651, %get3A_652, %get3A_653] {strides = array<i32>} : memref<2x48x256xf32, #tpu.memory_space<vmem>>, vector<1x1x16xf32>,
          %get3A_655 = vector.shape_cast %get3A_654 : vector<1x1x16xf32> to vector<16xf32>
          %add3A_656 = arith.addf %while3A_575, %get3A_655 : vector<16xf32>
          %get3A_657 = arith.index_cast %rem3A_161 : i32 to index
          %get3A_658 = arith.index_cast %while3A_562 : i32 to index
          %get3A_659 = arith.constant 208 : index
          %get3A_660 = tpu.vector_load %arg6[%get3A_657, %get3A_658, %get3A_659] {strides = array<i32>} : memref<2x48x256xf32, #tpu.memory_space<vmem>>, vector<1x1x16xf32>,
          %get3A_661 = vector.shape_cast %get3A_660 : vector<1x1x16xf32> to vector<16xf32>
          %add3A_662 = arith.addf %while3A_576, %get3A_661 : vector<16xf32>
          %get3A_663 = arith.index_cast %rem3A_161 : i32 to index
          %get3A_664 = arith.index_cast %while3A_562 : i32 to index
          %get3A_665 = arith.constant 224 : index
          %get3A_666 = tpu.vector_load %arg6[%get3A_663, %get3A_664, %get3A_665] {strides = array<i32>} : memref<2x48x256xf32, #tpu.memory_space<vmem>>, vector<1x1x16xf32>,
          %get3A_667 = vector.shape_cast %get3A_666 : vector<1x1x16xf32> to vector<16xf32>
          %add3A_668 = arith.addf %while3A_577, %get3A_667 : vector<16xf32>
          %get3A_669 = arith.index_cast %rem3A_161 : i32 to index
          %get3A_670 = arith.index_cast %while3A_562 : i32 to index
          %get3A_671 = arith.constant 240 : index
          %get3A_672 = tpu.vector_load %arg6[%get3A_669, %get3A_670, %get3A_671] {strides = array<i32>} : memref<2x48x256xf32, #tpu.memory_space<vmem>>, vector<1x1x16xf32>,
          %get3A_673 = vector.shape_cast %get3A_672 : vector<1x1x16xf32> to vector<16xf32>
          %add3A_674 = arith.addf %while3A_578, %get3A_673 : vector<16xf32>
          scf.yield %add3A_584, %add3A_590, %add3A_596, %add3A_602, %add3A_608, %add3A_614, %add3A_620, %add3A_626, %add3A_632, %add3A_638, %add3A_644, %add3A_650, %add3A_656, %add3A_662, %add3A_668, %add3A_674 : vector<16xf32>, vector<16xf32>, vector<16xf32>, vector<16xf32>, vector<16xf32>, vector<16xf32>, vector<16xf32>, vector<16xf32>, vector<16xf32>, vector<16xf32>, vector<16xf32>, vector<16xf32>, vector<16xf32>, vector<16xf32>, vector<16xf32>, vector<16xf32>
        }
        %swap3A_474 = arith.index_cast %while3A_204 : i32 to index
        %swap3A_475 = arith.constant 0 : index
        %swap3A_476 = tpu.vector_load %arg7[%swap3A_474, %swap3A_475] {strides = array<i32>} : memref<256x256xf32, #tpu.memory_space<vmem>>, vector<1x16xf32>,
        %swap3A_477 = vector.shape_cast %swap3A_476 : vector<1x16xf32> to vector<16xf32>
        %swap3A_478 = vector.shape_cast %while3A_473#0 : vector<16xf32> to vector<1x16xf32>
        tpu.vector_store %arg7[%swap3A_474, %swap3A_475], %swap3A_478 {add = true, strides = array<i32>} : memref<256x256xf32, #tpu.memory_space<vmem>>, vector<1x16xf32>,
        %swap3A_479 = arith.index_cast %while3A_204 : i32 to index
        %swap3A_480 = arith.constant 16 : index
        %swap3A_481 = tpu.vector_load %arg7[%swap3A_479, %swap3A_480] {strides = array<i32>} : memref<256x256xf32, #tpu.memory_space<vmem>>, vector<1x16xf32>,
        %swap3A_482 = vector.shape_cast %swap3A_481 : vector<1x16xf32> to vector<16xf32>
        %swap3A_483 = vector.shape_cast %while3A_473#1 : vector<16xf32> to vector<1x16xf32>
        tpu.vector_store %arg7[%swap3A_479, %swap3A_480], %swap3A_483 {add = true, strides = array<i32>} : memref<256x256xf32, #tpu.memory_space<vmem>>, vector<1x16xf32>,
        %swap3A_484 = arith.index_cast %while3A_204 : i32 to index
        %swap3A_485 = arith.constant 32 : index
        %swap3A_486 = tpu.vector_load %arg7[%swap3A_484, %swap3A_485] {strides = array<i32>} : memref<256x256xf32, #tpu.memory_space<vmem>>, vector<1x16xf32>,
        %swap3A_487 = vector.shape_cast %swap3A_486 : vector<1x16xf32> to vector<16xf32>
        %swap3A_488 = vector.shape_cast %while3A_473#2 : vector<16xf32> to vector<1x16xf32>
        tpu.vector_store %arg7[%swap3A_484, %swap3A_485], %swap3A_488 {add = true, strides = array<i32>} : memref<256x256xf32, #tpu.memory_space<vmem>>, vector<1x16xf32>,
        %swap3A_489 = arith.index_cast %while3A_204 : i32 to index
        %swap3A_490 = arith.constant 48 : index
        %swap3A_491 = tpu.vector_load %arg7[%swap3A_489, %swap3A_490] {strides = array<i32>} : memref<256x256xf32, #tpu.memory_space<vmem>>, vector<1x16xf32>,
        %swap3A_492 = vector.shape_cast %swap3A_491 : vector<1x16xf32> to vector<16xf32>
        %swap3A_493 = vector.shape_cast %while3A_473#3 : vector<16xf32> to vector<1x16xf32>
        tpu.vector_store %arg7[%swap3A_489, %swap3A_490], %swap3A_493 {add = true, strides = array<i32>} : memref<256x256xf32, #tpu.memory_space<vmem>>, vector<1x16xf32>,
        %swap3A_494 = arith.index_cast %while3A_204 : i32 to index
        %swap3A_495 = arith.constant 64 : index
        %swap3A_496 = tpu.vector_load %arg7[%swap3A_494, %swap3A_495] {strides = array<i32>} : memref<256x256xf32, #tpu.memory_space<vmem>>, vector<1x16xf32>,
        %swap3A_497 = vector.shape_cast %swap3A_496 : vector<1x16xf32> to vector<16xf32>
        %swap3A_498 = vector.shape_cast %while3A_473#4 : vector<16xf32> to vector<1x16xf32>
        tpu.vector_store %arg7[%swap3A_494, %swap3A_495], %swap3A_498 {add = true, strides = array<i32>} : memref<256x256xf32, #tpu.memory_space<vmem>>, vector<1x16xf32>,
        %swap3A_499 = arith.index_cast %while3A_204 : i32 to index
        %swap3A_500 = arith.constant 80 : index
        %swap3A_501 = tpu.vector_load %arg7[%swap3A_499, %swap3A_500] {strides = array<i32>} : memref<256x256xf32, #tpu.memory_space<vmem>>, vector<1x16xf32>,
        %swap3A_502 = vector.shape_cast %swap3A_501 : vector<1x16xf32> to vector<16xf32>
        %swap3A_503 = vector.shape_cast %while3A_473#5 : vector<16xf32> to vector<1x16xf32>
        tpu.vector_store %arg7[%swap3A_499, %swap3A_500], %swap3A_503 {add = true, strides = array<i32>} : memref<256x256xf32, #tpu.memory_space<vmem>>, vector<1x16xf32>,
        %swap3A_504 = arith.index_cast %while3A_204 : i32 to index
        %swap3A_505 = arith.constant 96 : index
        %swap3A_506 = tpu.vector_load %arg7[%swap3A_504, %swap3A_505] {strides = array<i32>} : memref<256x256xf32, #tpu.memory_space<vmem>>, vector<1x16xf32>,
        %swap3A_507 = vector.shape_cast %swap3A_506 : vector<1x16xf32> to vector<16xf32>
        %swap3A_508 = vector.shape_cast %while3A_473#6 : vector<16xf32> to vector<1x16xf32>
        tpu.vector_store %arg7[%swap3A_504, %swap3A_505], %swap3A_508 {add = true, strides = array<i32>} : memref<256x256xf32, #tpu.memory_space<vmem>>, vector<1x16xf32>,
        %swap3A_509 = arith.index_cast %while3A_204 : i32 to index
        %swap3A_510 = arith.constant 112 : index
        %swap3A_511 = tpu.vector_load %arg7[%swap3A_509, %swap3A_510] {strides = array<i32>} : memref<256x256xf32, #tpu.memory_space<vmem>>, vector<1x16xf32>,
        %swap3A_512 = vector.shape_cast %swap3A_511 : vector<1x16xf32> to vector<16xf32>
        %swap3A_513 = vector.shape_cast %while3A_473#7 : vector<16xf32> to vector<1x16xf32>
        tpu.vector_store %arg7[%swap3A_509, %swap3A_510], %swap3A_513 {add = true, strides = array<i32>} : memref<256x256xf32, #tpu.memory_space<vmem>>, vector<1x16xf32>,
        %swap3A_514 = arith.index_cast %while3A_204 : i32 to index
        %swap3A_515 = arith.constant 128 : index
        %swap3A_516 = tpu.vector_load %arg7[%swap3A_514, %swap3A_515] {strides = array<i32>} : memref<256x256xf32, #tpu.memory_space<vmem>>, vector<1x16xf32>,
        %swap3A_517 = vector.shape_cast %swap3A_516 : vector<1x16xf32> to vector<16xf32>
        %swap3A_518 = vector.shape_cast %while3A_473#8 : vector<16xf32> to vector<1x16xf32>
        tpu.vector_store %arg7[%swap3A_514, %swap3A_515], %swap3A_518 {add = true, strides = array<i32>} : memref<256x256xf32, #tpu.memory_space<vmem>>, vector<1x16xf32>,
        %swap3A_519 = arith.index_cast %while3A_204 : i32 to index
        %swap3A_520 = arith.constant 144 : index
        %swap3A_521 = tpu.vector_load %arg7[%swap3A_519, %swap3A_520] {strides = array<i32>} : memref<256x256xf32, #tpu.memory_space<vmem>>, vector<1x16xf32>,
        %swap3A_522 = vector.shape_cast %swap3A_521 : vector<1x16xf32> to vector<16xf32>
        %swap3A_523 = vector.shape_cast %while3A_473#9 : vector<16xf32> to vector<1x16xf32>
        tpu.vector_store %arg7[%swap3A_519, %swap3A_520], %swap3A_523 {add = true, strides = array<i32>} : memref<256x256xf32, #tpu.memory_space<vmem>>, vector<1x16xf32>,
        %swap3A_524 = arith.index_cast %while3A_204 : i32 to index
        %swap3A_525 = arith.constant 160 : index
        %swap3A_526 = tpu.vector_load %arg7[%swap3A_524, %swap3A_525] {strides = array<i32>} : memref<256x256xf32, #tpu.memory_space<vmem>>, vector<1x16xf32>,
        %swap3A_527 = vector.shape_cast %swap3A_526 : vector<1x16xf32> to vector<16xf32>
        %swap3A_528 = vector.shape_cast %while3A_473#10 : vector<16xf32> to vector<1x16xf32>
        tpu.vector_store %arg7[%swap3A_524, %swap3A_525], %swap3A_528 {add = true, strides = array<i32>} : memref<256x256xf32, #tpu.memory_space<vmem>>, vector<1x16xf32>,
        %swap3A_529 = arith.index_cast %while3A_204 : i32 to index
        %swap3A_530 = arith.constant 176 : index
        %swap3A_531 = tpu.vector_load %arg7[%swap3A_529, %swap3A_530] {strides = array<i32>} : memref<256x256xf32, #tpu.memory_space<vmem>>, vector<1x16xf32>,
        %swap3A_532 = vector.shape_cast %swap3A_531 : vector<1x16xf32> to vector<16xf32>
        %swap3A_533 = vector.shape_cast %while3A_473#11 : vector<16xf32> to vector<1x16xf32>
        tpu.vector_store %arg7[%swap3A_529, %swap3A_530], %swap3A_533 {add = true, strides = array<i32>} : memref<256x256xf32, #tpu.memory_space<vmem>>, vector<1x16xf32>,
        %swap3A_534 = arith.index_cast %while3A_204 : i32 to index
        %swap3A_535 = arith.constant 192 : index
        %swap3A_536 = tpu.vector_load %arg7[%swap3A_534, %swap3A_535] {strides = array<i32>} : memref<256x256xf32, #tpu.memory_space<vmem>>, vector<1x16xf32>,
        %swap3A_537 = vector.shape_cast %swap3A_536 : vector<1x16xf32> to vector<16xf32>
        %swap3A_538 = vector.shape_cast %while3A_473#12 : vector<16xf32> to vector<1x16xf32>
        tpu.vector_store %arg7[%swap3A_534, %swap3A_535], %swap3A_538 {add = true, strides = array<i32>} : memref<256x256xf32, #tpu.memory_space<vmem>>, vector<1x16xf32>,
        %swap3A_539 = arith.index_cast %while3A_204 : i32 to index
        %swap3A_540 = arith.constant 208 : index
        %swap3A_541 = tpu.vector_load %arg7[%swap3A_539, %swap3A_540] {strides = array<i32>} : memref<256x256xf32, #tpu.memory_space<vmem>>, vector<1x16xf32>,
        %swap3A_542 = vector.shape_cast %swap3A_541 : vector<1x16xf32> to vector<16xf32>
        %swap3A_543 = vector.shape_cast %while3A_473#13 : vector<16xf32> to vector<1x16xf32>
        tpu.vector_store %arg7[%swap3A_539, %swap3A_540], %swap3A_543 {add = true, strides = array<i32>} : memref<256x256xf32, #tpu.memory_space<vmem>>, vector<1x16xf32>,
        %swap3A_544 = arith.index_cast %while3A_204 : i32 to index
        %swap3A_545 = arith.constant 224 : index
        %swap3A_546 = tpu.vector_load %arg7[%swap3A_544, %swap3A_545] {strides = array<i32>} : memref<256x256xf32, #tpu.memory_space<vmem>>, vector<1x16xf32>,
        %swap3A_547 = vector.shape_cast %swap3A_546 : vector<1x16xf32> to vector<16xf32>
        %swap3A_548 = vector.shape_cast %while3A_473#14 : vector<16xf32> to vector<1x16xf32>
        tpu.vector_store %arg7[%swap3A_544, %swap3A_545], %swap3A_548 {add = true, strides = array<i32>} : memref<256x256xf32, #tpu.memory_space<vmem>>, vector<1x16xf32>,
        %swap3A_549 = arith.index_cast %while3A_204 : i32 to index
        %swap3A_550 = arith.constant 240 : index
        %swap3A_551 = tpu.vector_load %arg7[%swap3A_549, %swap3A_550] {strides = array<i32>} : memref<256x256xf32, #tpu.memory_space<vmem>>, vector<1x16xf32>,
        %swap3A_552 = vector.shape_cast %swap3A_551 : vector<1x16xf32> to vector<16xf32>
        %swap3A_553 = vector.shape_cast %while3A_473#15 : vector<16xf32> to vector<1x16xf32>
        tpu.vector_store %arg7[%swap3A_549, %swap3A_550], %swap3A_553 {add = true, strides = array<i32>} : memref<256x256xf32, #tpu.memory_space<vmem>>, vector<1x16xf32>,
        %sub3A_554 = arith.subi %select_n3A_457, %while3A_205 : i32
        %convert_element_type3A_555 = arith.sitofp %sub3A_554 : i32 to f32
        %broadcast_in_dim3A_556 = vector.broadcast %convert_element_type3A_555 : f32 to vector<16xf32>
        %swap3A_557 = arith.index_cast %while3A_204 : i32 to index
        %swap3A_558 = arith.constant 0 : index
        %swap3A_559 = tpu.vector_load %arg8[%swap3A_557, %swap3A_558] {strides = array<i32>} : memref<256x16xf32, #tpu.memory_space<vmem>>, vector<1x16xf32>,
        %swap3A_560 = vector.shape_cast %swap3A_559 : vector<1x16xf32> to vector<16xf32>
        %swap3A_561 = vector.shape_cast %broadcast_in_dim3A_556 : vector<16xf32> to vector<1x16xf32>
        tpu.vector_store %arg8[%swap3A_557, %swap3A_558], %swap3A_561 {add = true, strides = array<i32>} : memref<256x16xf32, #tpu.memory_space<vmem>>, vector<1x16xf32>,
        scf.yield %select_n3A_457 : i32
      }
    }
    %scan3A_146 = arith.constant 0 : i32
    %scan3A_147 = arith.constant 0 : i32
    %scan3A_148 = arith.constant 256 : i32
    %scan3A_149 = arith.addi %scan3A_147, %scan3A_148 : i32
    %scan3A_150 = arith.constant 1 : i32
    scf.for %scan3A_155 = %scan3A_147 to %scan3A_149 step %scan3A_150  : i32 {
      %get3A = arith.index_cast %scan3A_155 : i32 to index
      %get3A_156 = arith.constant 0 : index
      %get3A_157 = tpu.vector_load %arg8[%get3A, %get3A_156] {strides = array<i32>} : memref<256x16xf32, #tpu.memory_space<vmem>>, vector<1x16xf32>,
      %get3A_158 = vector.shape_cast %get3A_157 : vector<1x16xf32> to vector<16xf32>
      %max3A = arith.constant 1.000000e+00 : f32
      %max3A_159 = vector.broadcast %max3A : f32 to vector<16xf32>
      %max3A_160 = arith.maximumf %get3A_158, %max3A_159 : vector<16xf32>
      %div3A_161 = arith.constant 1.000000e+00 : f32
      %div3A_162 = vector.broadcast %div3A_161 : f32 to vector<16xf32>
      %div3A_163 = arith.divf %div3A_162, %max3A_160 : vector<16xf32>
      %get3A_164 = arith.index_cast %scan3A_155 : i32 to index
      %get3A_165 = arith.constant 0 : index
      %get3A_166 = tpu.vector_load %arg7[%get3A_164, %get3A_165] {strides = array<i32>} : memref<256x256xf32, #tpu.memory_space<vmem>>, vector<1x16xf32>,
      %get3A_167 = vector.shape_cast %get3A_166 : vector<1x16xf32> to vector<16xf32>
      %mul3A_168 = arith.mulf %get3A_167, %div3A_163 : vector<16xf32>
      %swap3A_169 = arith.index_cast %scan3A_155 : i32 to index
      %swap3A_170 = arith.constant 0 : index
      %swap3A_171 = tpu.vector_load %arg7[%swap3A_169, %swap3A_170] {strides = array<i32>} : memref<256x256xf32, #tpu.memory_space<vmem>>, vector<1x16xf32>,
      %swap3A_172 = vector.shape_cast %swap3A_171 : vector<1x16xf32> to vector<16xf32>
      %swap3A_173 = vector.shape_cast %mul3A_168 : vector<16xf32> to vector<1x16xf32>
      tpu.vector_store %arg7[%swap3A_169, %swap3A_170], %swap3A_173 {strides = array<i32>} : memref<256x256xf32, #tpu.memory_space<vmem>>, vector<1x16xf32>,
      %get3A_174 = arith.index_cast %scan3A_155 : i32 to index
      %get3A_175 = arith.constant 16 : index
      %get3A_176 = tpu.vector_load %arg7[%get3A_174, %get3A_175] {strides = array<i32>} : memref<256x256xf32, #tpu.memory_space<vmem>>, vector<1x16xf32>,
      %get3A_177 = vector.shape_cast %get3A_176 : vector<1x16xf32> to vector<16xf32>
      %mul3A_178 = arith.mulf %get3A_177, %div3A_163 : vector<16xf32>
      %swap3A_179 = arith.index_cast %scan3A_155 : i32 to index
      %swap3A_180 = arith.constant 16 : index
      %swap3A_181 = tpu.vector_load %arg7[%swap3A_179, %swap3A_180] {strides = array<i32>} : memref<256x256xf32, #tpu.memory_space<vmem>>, vector<1x16xf32>,
      %swap3A_182 = vector.shape_cast %swap3A_181 : vector<1x16xf32> to vector<16xf32>
      %swap3A_183 = vector.shape_cast %mul3A_178 : vector<16xf32> to vector<1x16xf32>
      tpu.vector_store %arg7[%swap3A_179, %swap3A_180], %swap3A_183 {strides = array<i32>} : memref<256x256xf32, #tpu.memory_space<vmem>>, vector<1x16xf32>,
      %get3A_184 = arith.index_cast %scan3A_155 : i32 to index
      %get3A_185 = arith.constant 32 : index
      %get3A_186 = tpu.vector_load %arg7[%get3A_184, %get3A_185] {strides = array<i32>} : memref<256x256xf32, #tpu.memory_space<vmem>>, vector<1x16xf32>,
      %get3A_187 = vector.shape_cast %get3A_186 : vector<1x16xf32> to vector<16xf32>
      %mul3A_188 = arith.mulf %get3A_187, %div3A_163 : vector<16xf32>
      %swap3A_189 = arith.index_cast %scan3A_155 : i32 to index
      %swap3A_190 = arith.constant 32 : index
      %swap3A_191 = tpu.vector_load %arg7[%swap3A_189, %swap3A_190] {strides = array<i32>} : memref<256x256xf32, #tpu.memory_space<vmem>>, vector<1x16xf32>,
      %swap3A_192 = vector.shape_cast %swap3A_191 : vector<1x16xf32> to vector<16xf32>
      %swap3A_193 = vector.shape_cast %mul3A_188 : vector<16xf32> to vector<1x16xf32>
      tpu.vector_store %arg7[%swap3A_189, %swap3A_190], %swap3A_193 {strides = array<i32>} : memref<256x256xf32, #tpu.memory_space<vmem>>, vector<1x16xf32>,
      %get3A_194 = arith.index_cast %scan3A_155 : i32 to index
      %get3A_195 = arith.constant 48 : index
      %get3A_196 = tpu.vector_load %arg7[%get3A_194, %get3A_195] {strides = array<i32>} : memref<256x256xf32, #tpu.memory_space<vmem>>, vector<1x16xf32>,
      %get3A_197 = vector.shape_cast %get3A_196 : vector<1x16xf32> to vector<16xf32>
      %mul3A_198 = arith.mulf %get3A_197, %div3A_163 : vector<16xf32>
      %swap3A_199 = arith.index_cast %scan3A_155 : i32 to index
      %swap3A_200 = arith.constant 48 : index
      %swap3A_201 = tpu.vector_load %arg7[%swap3A_199, %swap3A_200] {strides = array<i32>} : memref<256x256xf32, #tpu.memory_space<vmem>>, vector<1x16xf32>,
      %swap3A_202 = vector.shape_cast %swap3A_201 : vector<1x16xf32> to vector<16xf32>
      %swap3A_203 = vector.shape_cast %mul3A_198 : vector<16xf32> to vector<1x16xf32>
      tpu.vector_store %arg7[%swap3A_199, %swap3A_200], %swap3A_203 {strides = array<i32>} : memref<256x256xf32, #tpu.memory_space<vmem>>, vector<1x16xf32>,
      %get3A_204 = arith.index_cast %scan3A_155 : i32 to index
      %get3A_205 = arith.constant 64 : index
      %get3A_206 = tpu.vector_load %arg7[%get3A_204, %get3A_205] {strides = array<i32>} : memref<256x256xf32, #tpu.memory_space<vmem>>, vector<1x16xf32>,
      %get3A_207 = vector.shape_cast %get3A_206 : vector<1x16xf32> to vector<16xf32>
      %mul3A_208 = arith.mulf %get3A_207, %div3A_163 : vector<16xf32>
      %swap3A_209 = arith.index_cast %scan3A_155 : i32 to index
      %swap3A_210 = arith.constant 64 : index
      %swap3A_211 = tpu.vector_load %arg7[%swap3A_209, %swap3A_210] {strides = array<i32>} : memref<256x256xf32, #tpu.memory_space<vmem>>, vector<1x16xf32>,
      %swap3A_212 = vector.shape_cast %swap3A_211 : vector<1x16xf32> to vector<16xf32>
      %swap3A_213 = vector.shape_cast %mul3A_208 : vector<16xf32> to vector<1x16xf32>
      tpu.vector_store %arg7[%swap3A_209, %swap3A_210], %swap3A_213 {strides = array<i32>} : memref<256x256xf32, #tpu.memory_space<vmem>>, vector<1x16xf32>,
      %get3A_214 = arith.index_cast %scan3A_155 : i32 to index
      %get3A_215 = arith.constant 80 : index
      %get3A_216 = tpu.vector_load %arg7[%get3A_214, %get3A_215] {strides = array<i32>} : memref<256x256xf32, #tpu.memory_space<vmem>>, vector<1x16xf32>,
      %get3A_217 = vector.shape_cast %get3A_216 : vector<1x16xf32> to vector<16xf32>
      %mul3A_218 = arith.mulf %get3A_217, %div3A_163 : vector<16xf32>
      %swap3A_219 = arith.index_cast %scan3A_155 : i32 to index
      %swap3A_220 = arith.constant 80 : index
      %swap3A_221 = tpu.vector_load %arg7[%swap3A_219, %swap3A_220] {strides = array<i32>} : memref<256x256xf32, #tpu.memory_space<vmem>>, vector<1x16xf32>,
      %swap3A_222 = vector.shape_cast %swap3A_221 : vector<1x16xf32> to vector<16xf32>
      %swap3A_223 = vector.shape_cast %mul3A_218 : vector<16xf32> to vector<1x16xf32>
      tpu.vector_store %arg7[%swap3A_219, %swap3A_220], %swap3A_223 {strides = array<i32>} : memref<256x256xf32, #tpu.memory_space<vmem>>, vector<1x16xf32>,
      %get3A_224 = arith.index_cast %scan3A_155 : i32 to index
      %get3A_225 = arith.constant 96 : index
      %get3A_226 = tpu.vector_load %arg7[%get3A_224, %get3A_225] {strides = array<i32>} : memref<256x256xf32, #tpu.memory_space<vmem>>, vector<1x16xf32>,
      %get3A_227 = vector.shape_cast %get3A_226 : vector<1x16xf32> to vector<16xf32>
      %mul3A_228 = arith.mulf %get3A_227, %div3A_163 : vector<16xf32>
      %swap3A_229 = arith.index_cast %scan3A_155 : i32 to index
      %swap3A_230 = arith.constant 96 : index
      %swap3A_231 = tpu.vector_load %arg7[%swap3A_229, %swap3A_230] {strides = array<i32>} : memref<256x256xf32, #tpu.memory_space<vmem>>, vector<1x16xf32>,
      %swap3A_232 = vector.shape_cast %swap3A_231 : vector<1x16xf32> to vector<16xf32>
      %swap3A_233 = vector.shape_cast %mul3A_228 : vector<16xf32> to vector<1x16xf32>
      tpu.vector_store %arg7[%swap3A_229, %swap3A_230], %swap3A_233 {strides = array<i32>} : memref<256x256xf32, #tpu.memory_space<vmem>>, vector<1x16xf32>,
      %get3A_234 = arith.index_cast %scan3A_155 : i32 to index
      %get3A_235 = arith.constant 112 : index
      %get3A_236 = tpu.vector_load %arg7[%get3A_234, %get3A_235] {strides = array<i32>} : memref<256x256xf32, #tpu.memory_space<vmem>>, vector<1x16xf32>,
      %get3A_237 = vector.shape_cast %get3A_236 : vector<1x16xf32> to vector<16xf32>
      %mul3A_238 = arith.mulf %get3A_237, %div3A_163 : vector<16xf32>
      %swap3A_239 = arith.index_cast %scan3A_155 : i32 to index
      %swap3A_240 = arith.constant 112 : index
      %swap3A_241 = tpu.vector_load %arg7[%swap3A_239, %swap3A_240] {strides = array<i32>} : memref<256x256xf32, #tpu.memory_space<vmem>>, vector<1x16xf32>,
      %swap3A_242 = vector.shape_cast %swap3A_241 : vector<1x16xf32> to vector<16xf32>
      %swap3A_243 = vector.shape_cast %mul3A_238 : vector<16xf32> to vector<1x16xf32>
      tpu.vector_store %arg7[%swap3A_239, %swap3A_240], %swap3A_243 {strides = array<i32>} : memref<256x256xf32, #tpu.memory_space<vmem>>, vector<1x16xf32>,
      %get3A_244 = arith.index_cast %scan3A_155 : i32 to index
      %get3A_245 = arith.constant 128 : index
      %get3A_246 = tpu.vector_load %arg7[%get3A_244, %get3A_245] {strides = array<i32>} : memref<256x256xf32, #tpu.memory_space<vmem>>, vector<1x16xf32>,
      %get3A_247 = vector.shape_cast %get3A_246 : vector<1x16xf32> to vector<16xf32>
      %mul3A_248 = arith.mulf %get3A_247, %div3A_163 : vector<16xf32>
      %swap3A_249 = arith.index_cast %scan3A_155 : i32 to index
      %swap3A_250 = arith.constant 128 : index
      %swap3A_251 = tpu.vector_load %arg7[%swap3A_249, %swap3A_250] {strides = array<i32>} : memref<256x256xf32, #tpu.memory_space<vmem>>, vector<1x16xf32>,
      %swap3A_252 = vector.shape_cast %swap3A_251 : vector<1x16xf32> to vector<16xf32>
      %swap3A_253 = vector.shape_cast %mul3A_248 : vector<16xf32> to vector<1x16xf32>
      tpu.vector_store %arg7[%swap3A_249, %swap3A_250], %swap3A_253 {strides = array<i32>} : memref<256x256xf32, #tpu.memory_space<vmem>>, vector<1x16xf32>,
      %get3A_254 = arith.index_cast %scan3A_155 : i32 to index
      %get3A_255 = arith.constant 144 : index
      %get3A_256 = tpu.vector_load %arg7[%get3A_254, %get3A_255] {strides = array<i32>} : memref<256x256xf32, #tpu.memory_space<vmem>>, vector<1x16xf32>,
      %get3A_257 = vector.shape_cast %get3A_256 : vector<1x16xf32> to vector<16xf32>
      %mul3A_258 = arith.mulf %get3A_257, %div3A_163 : vector<16xf32>
      %swap3A_259 = arith.index_cast %scan3A_155 : i32 to index
      %swap3A_260 = arith.constant 144 : index
      %swap3A_261 = tpu.vector_load %arg7[%swap3A_259, %swap3A_260] {strides = array<i32>} : memref<256x256xf32, #tpu.memory_space<vmem>>, vector<1x16xf32>,
      %swap3A_262 = vector.shape_cast %swap3A_261 : vector<1x16xf32> to vector<16xf32>
      %swap3A_263 = vector.shape_cast %mul3A_258 : vector<16xf32> to vector<1x16xf32>
      tpu.vector_store %arg7[%swap3A_259, %swap3A_260], %swap3A_263 {strides = array<i32>} : memref<256x256xf32, #tpu.memory_space<vmem>>, vector<1x16xf32>,
      %get3A_264 = arith.index_cast %scan3A_155 : i32 to index
      %get3A_265 = arith.constant 160 : index
      %get3A_266 = tpu.vector_load %arg7[%get3A_264, %get3A_265] {strides = array<i32>} : memref<256x256xf32, #tpu.memory_space<vmem>>, vector<1x16xf32>,
      %get3A_267 = vector.shape_cast %get3A_266 : vector<1x16xf32> to vector<16xf32>
      %mul3A_268 = arith.mulf %get3A_267, %div3A_163 : vector<16xf32>
      %swap3A_269 = arith.index_cast %scan3A_155 : i32 to index
      %swap3A_270 = arith.constant 160 : index
      %swap3A_271 = tpu.vector_load %arg7[%swap3A_269, %swap3A_270] {strides = array<i32>} : memref<256x256xf32, #tpu.memory_space<vmem>>, vector<1x16xf32>,
      %swap3A_272 = vector.shape_cast %swap3A_271 : vector<1x16xf32> to vector<16xf32>
      %swap3A_273 = vector.shape_cast %mul3A_268 : vector<16xf32> to vector<1x16xf32>
      tpu.vector_store %arg7[%swap3A_269, %swap3A_270], %swap3A_273 {strides = array<i32>} : memref<256x256xf32, #tpu.memory_space<vmem>>, vector<1x16xf32>,
      %get3A_274 = arith.index_cast %scan3A_155 : i32 to index
      %get3A_275 = arith.constant 176 : index
      %get3A_276 = tpu.vector_load %arg7[%get3A_274, %get3A_275] {strides = array<i32>} : memref<256x256xf32, #tpu.memory_space<vmem>>, vector<1x16xf32>,
      %get3A_277 = vector.shape_cast %get3A_276 : vector<1x16xf32> to vector<16xf32>
      %mul3A_278 = arith.mulf %get3A_277, %div3A_163 : vector<16xf32>
      %swap3A_279 = arith.index_cast %scan3A_155 : i32 to index
      %swap3A_280 = arith.constant 176 : index
      %swap3A_281 = tpu.vector_load %arg7[%swap3A_279, %swap3A_280] {strides = array<i32>} : memref<256x256xf32, #tpu.memory_space<vmem>>, vector<1x16xf32>,
      %swap3A_282 = vector.shape_cast %swap3A_281 : vector<1x16xf32> to vector<16xf32>
      %swap3A_283 = vector.shape_cast %mul3A_278 : vector<16xf32> to vector<1x16xf32>
      tpu.vector_store %arg7[%swap3A_279, %swap3A_280], %swap3A_283 {strides = array<i32>} : memref<256x256xf32, #tpu.memory_space<vmem>>, vector<1x16xf32>,
      %get3A_284 = arith.index_cast %scan3A_155 : i32 to index
      %get3A_285 = arith.constant 192 : index
      %get3A_286 = tpu.vector_load %arg7[%get3A_284, %get3A_285] {strides = array<i32>} : memref<256x256xf32, #tpu.memory_space<vmem>>, vector<1x16xf32>,
      %get3A_287 = vector.shape_cast %get3A_286 : vector<1x16xf32> to vector<16xf32>
      %mul3A_288 = arith.mulf %get3A_287, %div3A_163 : vector<16xf32>
      %swap3A_289 = arith.index_cast %scan3A_155 : i32 to index
      %swap3A_290 = arith.constant 192 : index
      %swap3A_291 = tpu.vector_load %arg7[%swap3A_289, %swap3A_290] {strides = array<i32>} : memref<256x256xf32, #tpu.memory_space<vmem>>, vector<1x16xf32>,
      %swap3A_292 = vector.shape_cast %swap3A_291 : vector<1x16xf32> to vector<16xf32>
      %swap3A_293 = vector.shape_cast %mul3A_288 : vector<16xf32> to vector<1x16xf32>
      tpu.vector_store %arg7[%swap3A_289, %swap3A_290], %swap3A_293 {strides = array<i32>} : memref<256x256xf32, #tpu.memory_space<vmem>>, vector<1x16xf32>,
      %get3A_294 = arith.index_cast %scan3A_155 : i32 to index
      %get3A_295 = arith.constant 208 : index
      %get3A_296 = tpu.vector_load %arg7[%get3A_294, %get3A_295] {strides = array<i32>} : memref<256x256xf32, #tpu.memory_space<vmem>>, vector<1x16xf32>,
      %get3A_297 = vector.shape_cast %get3A_296 : vector<1x16xf32> to vector<16xf32>
      %mul3A_298 = arith.mulf %get3A_297, %div3A_163 : vector<16xf32>
      %swap3A_299 = arith.index_cast %scan3A_155 : i32 to index
      %swap3A_300 = arith.constant 208 : index
      %swap3A_301 = tpu.vector_load %arg7[%swap3A_299, %swap3A_300] {strides = array<i32>} : memref<256x256xf32, #tpu.memory_space<vmem>>, vector<1x16xf32>,
      %swap3A_302 = vector.shape_cast %swap3A_301 : vector<1x16xf32> to vector<16xf32>
      %swap3A_303 = vector.shape_cast %mul3A_298 : vector<16xf32> to vector<1x16xf32>
      tpu.vector_store %arg7[%swap3A_299, %swap3A_300], %swap3A_303 {strides = array<i32>} : memref<256x256xf32, #tpu.memory_space<vmem>>, vector<1x16xf32>,
      %get3A_304 = arith.index_cast %scan3A_155 : i32 to index
      %get3A_305 = arith.constant 224 : index
      %get3A_306 = tpu.vector_load %arg7[%get3A_304, %get3A_305] {strides = array<i32>} : memref<256x256xf32, #tpu.memory_space<vmem>>, vector<1x16xf32>,
      %get3A_307 = vector.shape_cast %get3A_306 : vector<1x16xf32> to vector<16xf32>
      %mul3A_308 = arith.mulf %get3A_307, %div3A_163 : vector<16xf32>
      %swap3A_309 = arith.index_cast %scan3A_155 : i32 to index
      %swap3A_310 = arith.constant 224 : index
      %swap3A_311 = tpu.vector_load %arg7[%swap3A_309, %swap3A_310] {strides = array<i32>} : memref<256x256xf32, #tpu.memory_space<vmem>>, vector<1x16xf32>,
      %swap3A_312 = vector.shape_cast %swap3A_311 : vector<1x16xf32> to vector<16xf32>
      %swap3A_313 = vector.shape_cast %mul3A_308 : vector<16xf32> to vector<1x16xf32>
      tpu.vector_store %arg7[%swap3A_309, %swap3A_310], %swap3A_313 {strides = array<i32>} : memref<256x256xf32, #tpu.memory_space<vmem>>, vector<1x16xf32>,
      %get3A_314 = arith.index_cast %scan3A_155 : i32 to index
      %get3A_315 = arith.constant 240 : index
      %get3A_316 = tpu.vector_load %arg7[%get3A_314, %get3A_315] {strides = array<i32>} : memref<256x256xf32, #tpu.memory_space<vmem>>, vector<1x16xf32>,
      %get3A_317 = vector.shape_cast %get3A_316 : vector<1x16xf32> to vector<16xf32>
      %mul3A_318 = arith.mulf %get3A_317, %div3A_163 : vector<16xf32>
      %swap3A_319 = arith.index_cast %scan3A_155 : i32 to index
      %swap3A_320 = arith.constant 240 : index
      %swap3A_321 = tpu.vector_load %arg7[%swap3A_319, %swap3A_320] {strides = array<i32>} : memref<256x256xf32, #tpu.memory_space<vmem>>, vector<1x16xf32>,
      %swap3A_322 = vector.shape_cast %swap3A_321 : vector<1x16xf32> to vector<16xf32>
      %swap3A_323 = vector.shape_cast %mul3A_318 : vector<16xf32> to vector<1x16xf32>
      tpu.vector_store %arg7[%swap3A_319, %swap3A_320], %swap3A_323 {strides = array<i32>} : memref<256x256xf32, #tpu.memory_space<vmem>>, vector<1x16xf32>,
    }
    %scan3A_151 = arith.constant 256 : i32
    %mul3A_152 = arith.constant 512 : i32
    %mul3A_153 = arith.muli %select_n3A, %mul3A_152 : i32
    %add3A_154 = arith.addi %mul3A_153, %mul3A_32 : i32
    "tpu.region"() ({
      %run_scoped3A = tpu.sem_alloc : memref<!tpu.dma_semaphore, #tpu.memory_space<semaphore_mem>>
      %dma_start3A_155 = arith.constant 0 : i32
      %dma_start3A_156 = tpu.memref_slice %arg4[%add3A_154, %dma_start3A_155] : memref<8192x256xf32, #tpu.memory_space<hbm>> -> memref<256x256xf32, #tpu.memory_space<hbm>>
      %dma_start3A_157 = arith.constant 0 : i32
      %dma_start3A_158 = tpu.memref_slice %arg4[%add3A_154, %dma_start3A_157] : memref<8192x256xf32, #tpu.memory_space<hbm>> -> memref<256x256xf32, #tpu.memory_space<hbm>>
      tpu.enqueue_dma source(%arg7 : memref<256x256xf32, #tpu.memory_space<vmem>>) target(%dma_start3A_158 : memref<256x256xf32, #tpu.memory_space<hbm>>) target_semaphore(%run_scoped3A : memref<!tpu.dma_semaphore, #tpu.memory_space<semaphore_mem>>)
      %dma_wait3A_159 = arith.constant 0 : i32
      %dma_wait3A_160 = tpu.memref_slice %arg4[%add3A_154, %dma_wait3A_159] : memref<8192x256xf32, #tpu.memory_space<hbm>> -> memref<256x256xf32, #tpu.memory_space<hbm>>
      %dma_wait3A_161 = arith.constant 0 : i32
      %dma_wait3A_162 = tpu.memref_slice %arg4[%add3A_154, %dma_wait3A_161] : memref<8192x256xf32, #tpu.memory_space<hbm>> -> memref<256x256xf32, #tpu.memory_space<hbm>>
      tpu.wait_dma2 semaphore(%run_scoped3A : memref<!tpu.dma_semaphore, #tpu.memory_space<semaphore_mem>>) src(%arg7 : memref<256x256xf32, #tpu.memory_space<vmem>>) dst(%dma_wait3A_162 : memref<256x256xf32, #tpu.memory_space<hbm>>)
      tpu.yield
    }) : () -> ()
    return
  }
}

</mosaic_0001>

<sc_bundles>
// kernel: kernel.3.cloned.1.call-start
scs
__scs_entry_jumppad:
0x0: {  	(pc) =	sbr.rel $0x88, $3  }
0x1: {  	(tag) =	ssettag $0x0;
	lr =	simm.s32 $0x1  }
0x2: {  	[smem:$0x3F9F] =	sst lr;
	_ =	strace $0xD0000000  }
0x3: {  	_ = 	snop  }
0x4: {  	_ = 	snop  }
0x5: {  	_ = 	snop  }
0x6: {  	_ = 	snop  }
0x7: {  	_ = 	snop  }
__scs_overlays_trampoline_lowered:
0x8: {  	[smem:$0x3FAE] =	sst s0  }
0x9: {  	[smem:$0x3FAF] =	sst s1  }
0xa: {  	[smem:$0x3FB0] =	sst s2  }
0xb: {  	[smem:$0x3FB1] =	sst s3  }
0xc: {  	[smem:$0x3FB2] =	sst s4  }
0xd: {  	[smem:$0x3FB3] =	sst s5  }
0xe: {  	[smem:$0x3FB4] =	sst s6  }
0xf: {  	[smem:$0x3FB5] =	sst s7  }
0x10: {  	[smem:$0x3FB6] =	sst s8  }
0x11: {  	[smem:$0x3FB7] =	sst s9;
	s0 =	simm.s32 @!p0 $0x0  }
0x12: {  	s1 =	sld [smem:$0x3F9D];
	s0 =	simm.s32 @p0 $0x1  }
0x13: {  	[smem:$0x3FB8] =	sst s0;
	s0 =	simm.s32 @!p1 $0x0  }
0x14: {  	s2 =	sld [smem:$0x3F9C];
	s0 =	simm.s32 @p1 $0x1  }
0x15: {  	[smem:$0x3FB9] =	sst s0;
	s0 =	simm.s32 @!p2 $0x0  }
0x16: {  	s3 =	sld [smem:$0x3FDB];
	s0 =	simm.s32 @p2 $0x1  }
0x17: {  	s4 =	simm.s32 $0x1BF5;
	[smem:$0x3FBB] =	sst s0  }
0x18: {  	s0 =	sld [smem:$0x3F9E];
	_ =	swait.ge [sflag:s4], $0x0  }
0x19: {  	s7 =	sld [smem:$0x3F9F]  }
0x1a: {  	s8 =	sadd.s32 $0xFFFFE003, lr  }
0x1b: {  	s9 =	sadd.s32 $0xFFFFFEF7, lr;
	s5 =	simm.s32 $0xFFFFFFFF;
	p2 =	slt.u32 s8, $0xFFFFF086  }
0x1c: {  	p1 =	slt.u32 s9, $0xF7A;
	s5 =	simm.s32 @!p2 $0x0  }
0x1d: {  	s5 =	simm.s32 @p1 $0x1;
	p0 =	seq.s32 s7, s2  }
0x1e: {  	s7 =	smul.u32 @!p0 $0xF7A, s2;
	p2 =	seq.s32 @!p0 s5, $0x0  }
0x1f: {  	s9 =	smul.u32 $0xF7A, s1;
	s8 =	simm.s32 @!p0 $0x1BF5;
	p2 =	por !p2, p0  }
0x20: {  	[sflag:s8] =	ssyncset.s32 @!p0 $0xFFFFF086;
	s6 =	sadd.s32 @!p0 s3, s7;
	s7 =	simm.s32 @!p0 $0x108  }
0x21: {  	s3 =	sadd.s32 s3, s9;
	s6 =	sadd.s32 @!p0 $0x88, s6;
	s7 =	simm.s32 @p2 $0x1082  }
0x22: {  	[simem:s7], [sflag:s8] =	dma.local @!p0 [hbm:s6], $0xF7A  }
0x23: {  	s9 =	sor.u32 $0xD0000000, s2;
	s6 =	simm.s32 $0x108;
	_ =	swait.ge @!p0 [sflag:s8], $0x0  }
0x24: {  	s3 =	sadd.s32 $0x88, s3;
	s6 =	simm.s32 @!p1 $0x1082;
	[sflag:s4] =	ssyncset.s32 $0xFFFFF086  }
0x25: {  	[simem:s6], [sflag:s4] =	dma.local [hbm:s3], $0xF7A  }
0x26: {  	[smem:$0x3F9F] =	sst s1;
	(tag) =	ssettag s2;
	_ =	strace s9  }
0x27: {  	s1 =	sld [smem:$0x3FAF]  }
0x28: {  	s2 =	sld [smem:$0x3FB0]  }
0x29: {  	s4 =	sld [smem:$0x3FB2]  }
0x2a: {  	p0 =	seq.s32 s5, $0x0;
	s5 =	sld [smem:$0x3FB3]  }
0x2b: {  	s6 =	sld [smem:$0x3FB4]  }
0x2c: {  	s7 =	sld [smem:$0x3FB5]  }
0x2d: {  	s3 =	simm.s32 $0x108;
	s8 =	sld [smem:$0x3FB6]  }
0x2e: {  	s3 =	simm.s32 @!p0 $0x1082;
	s9 =	sld [smem:$0x3FB7]  }
0x2f: {  	lr =	sadd.s32 s0, s3;
	s0 =	sld [smem:$0x3FAE]  }
0x30: {  	s3 =	sld [smem:$0x3FB1]  }
0x31: {  	[smem:$0x3FBA] =	sst s10  }
0x32: {  	s10 =	sld [smem:$0x3FB8];
	_ =	sdelay $0x3  }
0x33: {  	p0 =	seq.s32 s10, $0x1;
	s10 =	sld [smem:$0x3FBA];
	_ =	sdelay $0x3  }
0x34: {  	[smem:$0x3FBA] =	sst s10  }
0x35: {  	s10 =	sld [smem:$0x3FB9];
	_ =	sdelay $0x3  }
0x36: {  	p1 =	seq.s32 s10, $0x1;
	s10 =	sld [smem:$0x3FBA];
	_ =	sdelay $0x3  }
0x37: {  	[smem:$0x3FBA] =	sst s10  }
0x38: {  	s10 =	sld [smem:$0x3FBB]  }
0x39: {  	_ = 	snop;
	(pc) =	sbr.ind lr, $3  }
0x3a: {  	_ = 	snop  }
0x3b: {  	_ = 	snop  }
0x3c: {  	p2 =	seq.s32 s10, $0x1;
	s10 =	sld [smem:$0x3FBA]  }
0x3d: {  	_ =	shalt  }
0x3e: {  	_ =	shalt  }
0x3f: {  	_ =	shalt  }
0x40: {  	_ =	shalt  }
0x41: {  	_ =	shalt  }
0x42: {  	_ =	shalt  }
0x43: {  	_ =	shalt  }
0x44: {  	_ =	shalt  }
0x45: {  	_ =	shalt  }
0x46: {  	_ =	shalt  }
0x47: {  	_ =	shalt  }
0x48: {  	_ =	shalt  }
0x49: {  	_ =	shalt  }
0x4a: {  	_ =	shalt  }
0x4b: {  	_ =	shalt  }
0x4c: {  	_ =	shalt  }
0x4d: {  	_ =	shalt  }
0x4e: {  	_ =	shalt  }
0x4f: {  	_ =	shalt  }
0x50: {  	_ =	shalt  }
0x51: {  	_ =	shalt  }
0x52: {  	_ =	shalt  }
0x53: {  	_ =	shalt  }
0x54: {  	_ =	shalt  }
0x55: {  	_ =	shalt  }
0x56: {  	_ =	shalt  }
0x57: {  	_ =	shalt  }
0x58: {  	_ =	shalt  }
0x59: {  	_ =	shalt  }
0x5a: {  	_ =	shalt  }
0x5b: {  	_ =	shalt  }
0x5c: {  	_ =	shalt  }
0x5d: {  	_ =	shalt  }
0x5e: {  	_ =	shalt  }
0x5f: {  	_ =	shalt  }
0x60: {  	_ =	shalt  }
0x61: {  	_ =	shalt  }
0x62: {  	_ =	shalt  }
0x63: {  	_ =	shalt  }
0x64: {  	_ =	shalt  }
0x65: {  	_ =	shalt  }
0x66: {  	_ =	shalt  }
0x67: {  	_ =	shalt  }
0x68: {  	_ =	shalt  }
0x69: {  	_ =	shalt  }
0x6a: {  	_ =	shalt  }
0x6b: {  	_ =	shalt  }
0x6c: {  	_ =	shalt  }
0x6d: {  	_ =	shalt  }
0x6e: {  	_ =	shalt  }
0x6f: {  	_ =	shalt  }
0x70: {  	_ =	shalt  }
0x71: {  	_ =	shalt  }
0x72: {  	_ =	shalt  }
0x73: {  	_ =	shalt  }
0x74: {  	_ =	shalt  }
0x75: {  	_ =	shalt  }
0x76: {  	_ =	shalt  }
0x77: {  	_ =	shalt  }
0x78: {  	_ =	shalt  }
0x79: {  	_ =	shalt  }
0x7a: {  	_ =	shalt  }
0x7b: {  	_ =	shalt  }
0x7c: {  	_ =	shalt  }
0x7d: {  	_ =	shalt  }
0x7e: {  	_ =	shalt  }
0x7f: {  	_ =	shalt  }
0x80: {  	_ =	shalt  }
0x81: {  	_ =	shalt  }
0x82: {  	_ =	shalt  }
0x83: {  	_ =	shalt  }
0x84: {  	_ =	shalt  }
0x85: {  	_ =	shalt  }
0x86: {  	_ =	shalt  }
0x87: {  	_ =	shalt  }
.Lfunc_end0:
.L_simem_size_0:
called_computation_lowered:
.L_overlay_start_0:
0x88: {  	s2 =	sld [smem:$0x3FD9]  }
0x89: {  	s3 =	sld [smem:$0x3FFE];
	_ =	sdelay $0x1  }
0x8a: {  	s1 =	srdreg.scid  }
0x8b: {  	s0 =	sand.u32 $0x1, s1  }
0x8c: {  	s18 =	sshll.u32 s0, $0xA;
	s2 =	sadd.s32 s3, s2  }
0x8d: {  	s2 =	sadd.s32 s2, s18  }
0x8e: {  	[smem:$0x3FC6] =	sst s2  }
0x8f: {  	_ = 	snop  }
0x90: {  	s2 =	sld [smem:$0x3FC9]  }
0x91: {  	s19 =	sld [smem:$0x3FC8]  }
0x92: {  	s4 =	sld [smem:$0x3FD0];
	(tm) =	ssettm $0x1  }
0x93: {  	s5 =	sld [smem:$0x3FFB];
	_ =	sdelay $0x3  }
0x94: {  	_ =	strace s5  }
0x95: {  	s5 =	sld [smem:$0x3FFC];
	_ =	sdelay $0x3  }
0x96: {  	_ =	strace s5  }
0x97: {  	s5 =	sld [smem:$0x3FFD];
	_ =	sdelay $0x3  }
0x98: {  	_ =	strace s5  }
0x99: {  	_ =	strace $0x8FFFFFFF  }
0x9a: {  	s20 =	sld [smem:$0x3FDB];
	_ =	sdelay $0x1  }
0x9b: {  	s6 =	simm.s32 $_scs_section_size  }
0x9c: {  	s7 =	simm.s32 $_size__tile_overlayer_lowered;
	s8 =	simm.s32 $_tile_overlayer_lowered  }
0x9d: {  	s23 =	simm.s32 $0x1BFF;
	s22 =	sshll.u32 s8, $0x1;
	s5 =	sadd.s32 s6, s20  }
0x9e: {  	s9 =	simm.s32 $0x0;
	s21 =	sshll.u32 s7, $0x1;
	s7 =	sadd.s32 s22, s5  }
0x9f: {  	[timem:s9], [sflag:s23] =	dma.local [hbm:s7], s21  }
0xa0: {  	_ =	swait.ge [sflag:s23], s21  }
0xa1: {  	s6 =	ssub.s32 $0x0, s21;
	[sflag:s23] =	ssyncset.done $0x0  }
0xa2: {  	[sflag:s23] =	ssyncadd.s32 s6;
	_ =	sdelay $0x1  }
0xa3: {  	s24 =	simm.s32 $0x1B8B  }
0xa4: {  	_ =	swait.ge [sflag:s24], $0x1  }
0xa5: {  	[sflag:s24] =	ssyncset.done $0x0  }
0xa6: {  	s25 =	simm.s32 $0x1B8E;
	[sflag:s24] =	ssyncadd.s32 $0xFFFFFFFF  }
0xa7: {  	s26 =	simm.s32 $execute0_lowered;
	[smem:$0x3FD2] =	sst s25  }
0xa8: {  	s6 =	sshll.u32 s26, $0x1;
	_ =	strace $0x80000046;
	[dreg:$0x1] =	wrdreg $0xFFFFFFFF  }
0xa9: {  	s28 =	simm.s32 $_size_execute0_lowered;
	s5 =	sadd.s32 s5, s6;
	[dreg:$0x0] =	wrdreg $0x0  }
0xaa: {  	s6 =	sshll.u32 s28, $0x1;
	[dreg:$0x2] =	wrdreg s5  }
0xab: {  	[dreg:$0x3] =	wrdreg s6  }
0xac: {  	[dreg:$0x4] =	wrdreg $0xC0  }
0xad: {  	_ =	task [dreg:s9], $0x5FFFF  }
0xae: {  	[dreg:$0x1] =	wrdreg $0xFFFFFFFF  }
0xaf: {  	[dreg:$0x0] =	wrdreg $0x60  }
0xb0: {  	[dreg:$0x2] =	wrdreg s2  }
0xb1: {  	[dreg:$0x3] =	wrdreg s19  }
0xb2: {  	[dreg:$0x4] =	wrdreg s4  }
0xb3: {  	[dreg:$0x5] =	wrdreg $0x9  }
0xb4: {  	_ =	task.clear_ibuf [dreg:s9], $0x6FFFF;
	_ =	strace $0x90000046  }
0xb5: {  	s29 =	simm.s32 $0x9;
	_ =	strace $0x80000048  }
0xb6: {  	_ =	swait.ge [sflag:s29], $0x1  }
0xb7: {  	[sflag:s29] =	ssyncadd.s32 $0xFFFFFFFF  }
0xb8: {  	_ =	strace $0x90000048  }
0xb9: {  	_ =	sfence  }
0xba: {  	s30 =	sld [smem:$0x0];
	_ =	sdelay $0x2  }
0xbb: {  	s31 =	sshll.u32 s1, $0xD;
	s1 =	sshrl.u32 s1, $0x2  }
0xbc: {  	s3 =	sand.u32 $0x4000, s31;
	s1 =	sadd.s32 s1, s30  }
0xbd: {  	s0 =	sor.u32 s3, s0;
	s1 =	sshll.u32 s1, $0x11  }
0xbe: {  	s0 =	sor.u32 s1, s0  }
0xbf: {  	s0 =	sadd.s32 $0x8F2B, s0  }
0xc0: {  	[sflag:s0] =	ssyncadd.remote.s32 $0x1  }
0xc1: {  	_ =	sfence.sel $0xFFFF  }
0xc2: {  	[dreg:$0x0] =	wrdreg $0xFFFFFFFF;
	(pc) =	sbr.abs _section_cstart, $3  }
0xc3: {  	[dreg:$0x1] =	wrdreg $0xFFFFFFFF  }
0xc4: {  	_ =	task.clear_ibuf [dreg:s9], $0x2FFFF;
	_ =	strace $0x9FFFFFFF  }
0xc5: {  	(tm) =	ssettm $0x7FFFFFFF  }
tec
execute0_lowered:
.L_overlay_start_1:
0x0: {  	(tag) =	ssettag $0x1  }
0x1: {  	s0 =	srdreg.scid;
	s1 =	rddreg [dreg:$0x0]  }
0x2: {  	s7 =	stileid.u32;
	s2 =	rddreg [dreg:$0x1];
	s0 =	sand.u32 $0x1, s0  }
0x3: {  	s9 =	rddreg [dreg:$0x2];
	s3 =	sor.u32 s0, s7  }
0x4: {  	s4 =	simm.s32 $0x1;
	p1 =	seq.s32 s0, $0x1;
	p0 =	seq.s32 s3, $0x0  }
0x5: {  	s15 =	simm.s32 $0x3;
	s16 =	simm.s32 $0x0;
	p0 =	por !p0, !p1  }
0x6: {  	s5 =	ssub.s32 $0x2, s0;
	s11 =	sshll.u32 s0, $0x10;
	p0 =	por !p0, !p0  }
0x7: {  	s3 =	simm.s32 $0x0;
	s6 =	sshrl.u32 s5, $0x1;
	s4 =	simm.s32 @!p0 $0x0  }
0x8: {  	[smem:$0x7FF] =	sst s3;
	s10 =	ssub.s32 s5, s6;
	s8 =	ssub.s32 s7, s4  }
0x9: {  	_ =	strace $0x80000047;
	s28 =	sshll.u32 s8, $0xC;
	s29 =	sshll.u32 s8, $0x7  }
0xa: {  	s10 =	smax.u32 s10, $0x1;
	s5 =	sand.u32 $0xFFFF8000, s28;
	s6 =	sand.u32 $0x380, s29  }
0xb: {  	s4 =	simm.s32 $0x1;
	s7 =	sshll.u32 s8, $0x11;
	s6 =	sor.u32 s6, s5  }
0xc: {  	s8 =	sshll.u32 s8, $0x14;
	s11 =	sor.u32 s11, s7;
	s30 =	sshrl.u32 s6, $0x3  }
0xd: {  	s5 =	sshll.u32 s0, $0x8;
	s31 =	sshrl.u32 s11, $0x3;
	s0 =	sadd.s32 s2, s30  }
0xe: {  	v0 =	vimm.s32 $0x200;
	v1 =	vimm.f32 $0.0e+00;
	s7 =	sadd.s32 $0x100, s5;
	s9 =	sadd.s32 s9, s31;
	[dreg:$0x4] =	wrdreg s0  }
.LBB2_1:
0xf: {  	s0 =	rddreg [dreg:$0x4];
	s2 =	simm.s32 $0x80  }
0x10: {  	[tilespmem:$0x1000] =	vst v0;
	s6 =	simm.s32 $0x400;
	s30 =	sand.u32 $0xF800, s3;
	s31 =	sand.u32 $0x380, s3  }
0x11: {  	[tilespmem:s3], [sflag:$0x1] =	stream.strided.gather [hbm4b:s0+s2], $0x1000, s6, s2, $0x38;
	[tilespmem:$0x1F080] =	vst v63  }
0x12: {  	s0 =	sor.u32 s31, s30  }
0x13: {  	[tilespmem:s0+$0x7090] =	vst v1  }
0x14: {  	[tilespmem:s0+$0x70A0] =	vst v1  }
0x15: {  	[tilespmem:s0+$0x70B0] =	vst v1  }
0x16: {  	[tilespmem:s0+$0x70C0] =	vst v1  }
0x17: {  	[tilespmem:s0+$0x70D0] =	vst v1  }
0x18: {  	[tilespmem:s0+$0x70E0] =	vst v1  }
0x19: {  	[tilespmem:s0+$0x70F0] =	vst v1  }
0x1a: {  	[tilespmem:s0+$0x7480] =	vst v1  }
0x1b: {  	[tilespmem:s0+$0x7490] =	vst v1  }
0x1c: {  	[tilespmem:s0+$0x74A0] =	vst v1  }
0x1d: {  	[tilespmem:s0+$0x74B0] =	vst v1  }
0x1e: {  	[tilespmem:s0+$0x74C0] =	vst v1  }
0x1f: {  	[tilespmem:s0+$0x74D0] =	vst v1  }
0x20: {  	[tilespmem:s0+$0x74E0] =	vst v1  }
0x21: {  	s11 =	simm.s32 $0x80;
	s12 =	simm.s32 $0x100;
	s2 =	simm.s32 $0x17080;
	[tilespmem:s0+$0x74F0] =	vst v1  }
.LBB2_2:
0x22: {  	s13 =	sand.u32 $0xF800, s12;
	s14 =	sand.u32 $0x380, s11;
	p0 =	sne.s32 s12, $0xFF00;
	[tilespmem:s0+$0x7080] =	vst v1  }
0x23: {  	s0 =	sor.u32 s14, s13;
	[tilespmem:s2+$0x0] =	vst v1  }
0x24: {  	[tilespmem:s0+$0x7090] =	vst v1  }
0x25: {  	[tilespmem:s0+$0x70A0] =	vst v1  }
0x26: {  	[tilespmem:s0+$0x70B0] =	vst v1  }
0x27: {  	[tilespmem:s0+$0x70C0] =	vst v1  }
0x28: {  	[tilespmem:s0+$0x70D0] =	vst v1  }
0x29: {  	[tilespmem:s0+$0x70E0] =	vst v1  }
0x2a: {  	[tilespmem:s0+$0x70F0] =	vst v1  }
0x2b: {  	[tilespmem:s0+$0x7480] =	vst v1  }
0x2c: {  	[tilespmem:s0+$0x7490] =	vst v1  }
0x2d: {  	[tilespmem:s0+$0x74A0] =	vst v1  }
.Ltmp0:
0x2e: {  	[tilespmem:s0+$0x74B0] =	vst v1;
	(pc) =	sbr.rel @p0 .LBB2_2-.Ltmp0, $4  }
0x2f: {  	[tilespmem:s0+$0x74C0] =	vst v1  }
0x30: {  	[tilespmem:s0+$0x74D0] =	vst v1  }
0x31: {  	[tilespmem:s0+$0x74E0] =	vst v1  }
0x32: {  	s11 =	sadd.s32 $0x80, s11;
	s12 =	sadd.s32 $0x100, s12;
	s2 =	sadd.s32 $0x80, s2;
	[tilespmem:s0+$0x74F0] =	vst v1  }
0x33: {  	s11 =	simm.s32 $0x1000  }
0x34: {  	s11 =	sand.u32 $0x1, s11  }
0x35: {  	p0 =	por $0x0, $0x0;
	p1 =	seq.s32 s11, $0x1  }
0x36: {  	p0 =	por !p0, !p1  }
0x37: {  	[tilespmem:s0+$0x7080] =	vst v1;
	s0 =	simm.s32 $0x1;
	p0 =	por !p0, !p0  }
0x38: {  	[tilespmem:s2+$0x0] =	vst v1;
	s0 =	simm.s32 @!p0 $0x0  }
0x39: {  	_ =	swait.ge [sflag:s4], $0x1000;
	s2 =	ssub.s32 $0x800, s0  }
0x3a: {  	[sflag:s4] =	ssyncset.done $0x0;
	p0 =	slt.s32 s2, $0xFFF;
	s13 =	smov.u32 s2  }
0x3b: {  	[sflag:s4] =	ssyncadd.s32 $0xFFFFF000;
	s13 =	simm.s32 @!p0 $0xFFF  }
0x3c: {  	v2 =	vld [tilespmem:s13+$0x0];
	_ =	sdelay $0x4  }
0x3d: {  	(v2sf) =	vpush v2, $0x0;
	_ =	sdelay $0xc  }
0x3e: {  	s17 =	simm.s32 $0x0;
	s20 =	simm.s32 $0xC  }
0x3f: {  	s12 =	simm.s32 $0x0;
	s14 =	simm.s32 $0x1000;
	s18 =	simm.s32 $0x0  }
0x40: {  	s11 =	simm.s32 $0x1000;
	p1 =	por $0x1, $0x1;
	s31 =	spop (v2sf)  }
0x41: {  	s19 =	sadd.s32 $0x1, s2;
	p0 =	slt.s32 s31, s5;
	p2 =	sge.s32 s31, s5  }
0x42: {  	s0 =	simm.s32 $0x1000;
	s12 =	smov.u32 @p0 s19;
	s14 =	smov.u32 @p2 s2  }
.LBB2_4:
0x43: {  	p0 =	sne.s32 s20, $0x1;
	s18 =	smov.u32 @p1 s12;
	s11 =	smov.u32 @p1 s14  }
0x44: {  	s20 =	sadd.s32 $0xFFFFFFFF, s20;
	s12 =	sadd.s32 s18, s11  }
0x45: {  	s14 =	sshrl.u32 s12, $0x1F;
	s21 =	sand.u32 $0x1, s12  }
0x46: {  	p1 =	slt.s32 s12, $0x1;
	s14 =	sadd.s32 s14, s12;
	p2 =	seq.s32 s21, $0x1  }
0x47: {  	p1 =	por !p1, !p2  }
0x48: {  	s12 =	sshra.s32 s14, $0x1;
	s14 =	simm.s32 $0x1;
	p1 =	por !p1, !p1  }
0x49: {  	s14 =	simm.s32 @!p1 $0x0  }
0x4a: {  	s21 =	ssub.s32 s12, s14  }
0x4b: {  	p1 =	slt.s32 s21, $0xFFF;
	s12 =	smov.u32 s21  }
0x4c: {  	s12 =	simm.s32 @!p1 $0xFFF  }
0x4d: {  	v2 =	vld [tilespmem:s12+$0x0];
	_ =	sdelay $0x4  }
0x4e: {  	(v2sf) =	vpush v2, $0x0;
	_ =	sdelay $0xd  }
.Ltmp1:
0x4f: {  	(pc) =	sbr.rel @p0 .LBB2_4-.Ltmp1, $4  }
0x50: {  	s14 =	sadd.s32 $0x1, s21;
	s12 =	spop (v2sf)  }
0x51: {  	p2 =	slt.s32 s12, s5;
	p3 =	sge.s32 s12, s5;
	s12 =	smov.u32 s18  }
0x52: {  	s12 =	smov.u32 @p2 s14;
	s14 =	smov.u32 s11  }
0x53: {  	p1 =	slt.s32 s18, s11;
	s14 =	smov.u32 @p3 s21  }
0x54: {  	v2 =	vld [tilespmem:s13+$0x0];
	_ =	sdelay $0x4  }
0x55: {  	(v2sf) =	vpush v2, $0x0;
	_ =	sdelay $0xd  }
0x56: {  	s18 =	smov.u32 @p1 s12  }
0x57: {  	s11 =	simm.s32 $0xC;
	s12 =	simm.s32 $0x0;
	s31 =	spop (v2sf)  }
0x58: {  	s13 =	simm.s32 $0x1000;
	p0 =	slt.s32 s31, s7;
	p2 =	sge.s32 s31, s7  }
0x59: {  	p1 =	por $0x1, $0x1;
	s12 =	smov.u32 @p0 s19;
	s13 =	smov.u32 @p2 s2  }
.LBB2_6:
0x5a: {  	p0 =	sne.s32 s11, $0x1;
	s17 =	smov.u32 @p1 s12;
	s0 =	smov.u32 @p1 s13  }
0x5b: {  	s11 =	sadd.s32 $0xFFFFFFFF, s11;
	s2 =	sadd.s32 s17, s0  }
0x5c: {  	s12 =	sshrl.u32 s2, $0x1F;
	s13 =	sand.u32 $0x1, s2  }
0x5d: {  	p1 =	slt.s32 s2, $0x1;
	s12 =	sadd.s32 s12, s2;
	p2 =	seq.s32 s13, $0x1  }
0x5e: {  	p1 =	por !p1, !p2  }
0x5f: {  	s2 =	sshra.s32 s12, $0x1;
	s12 =	simm.s32 $0x1;
	p1 =	por !p1, !p1  }
0x60: {  	s12 =	simm.s32 @!p1 $0x0  }
0x61: {  	s2 =	ssub.s32 s2, s12  }
0x62: {  	p1 =	slt.s32 s2, $0xFFF;
	s12 =	smov.u32 s2  }
0x63: {  	s12 =	simm.s32 @!p1 $0xFFF  }
0x64: {  	v2 =	vld [tilespmem:s12+$0x0];
	_ =	sdelay $0x4  }
0x65: {  	(v2sf) =	vpush v2, $0x0;
	_ =	sdelay $0xd  }
.Ltmp2:
0x66: {  	(pc) =	sbr.rel @p0 .LBB2_6-.Ltmp2, $4  }
0x67: {  	s13 =	sadd.s32 $0x1, s2;
	s12 =	spop (v2sf)  }
0x68: {  	p2 =	slt.s32 s12, s7;
	p3 =	sge.s32 s12, s7;
	s12 =	smov.u32 s17  }
0x69: {  	s12 =	smov.u32 @p2 s13;
	s13 =	smov.u32 s0  }
0x6a: {  	p1 =	slt.s32 s17, s0;
	s13 =	smov.u32 @p3 s2  }
0x6b: {  	s0 =	sand.u32 $0x7, s18  }
0x6c: {  	s2 =	sshra.s32 s18, $0x1F;
	p0 =	slt.s32 s18, $0x1;
	p2 =	sne.s32 s0, $0x0  }
0x6d: {  	s29 =	sshrl.u32 s2, $0x1D;
	p0 =	por !p0, !p2  }
0x6e: {  	s2 =	simm.s32 $0x1;
	s0 =	sadd.s32 s29, s18;
	p0 =	por !p0, !p0  }
0x6f: {  	s0 =	sshrl.u32 s0, $0x3;
	s2 =	simm.s32 @!p0 $0x0  }
0x70: {  	s0 =	ssub.s32 s0, s2  }
0x71: {  	s17 =	smov.u32 @p1 s12;
	s19 =	sshll.u32 s0, $0x3  }
0x72: {  	s0 =	ssub.s32 s17, s19  }
0x73: {  	s30 =	sadd.s32 $0x2F, s0  }
0x74: {  	s11 =	smulhi.u32 $0x2AAAAAAB, s30;
	s31 =	sshra.s32 s30, $0x1F  }
0x75: {  	s12 =	smul.u32 $0x2AAAAAAB, s31;
	_ =	sdelay $0x1  }
0x76: {  	s11 =	sadd.s32 s12, s11  }
0x77: {  	s12 =	sshrl.u32 s11, $0x1F;
	s11 =	sshra.s32 s11, $0x3  }
0x78: {  	s11 =	sadd.s32 s12, s11  }
0x79: {  	s12 =	smul.u32 $0xFFFFFFD0, s11  }
0x7a: {  	s0 =	ssub.s32 $0xFFFFFFD1, s0  }
0x7b: {  	p5 =	slt.s32 s30, $0x1;
	p6 =	sne.s32 s12, s0  }
0x7c: {  	p0 =	por !p5, !p6  }
0x7d: {  	s0 =	simm.s32 $0x1;
	p0 =	por !p0, !p0  }
0x7e: {  	s0 =	simm.s32 @!p0 $0x0  }
0x7f: {  	s20 =	ssub.s32 s11, s0  }
0x80: {  	p0 =	slt.s32 s20, $0x1  }
.Ltmp3:
0x81: {  	_ = 	snop;
	(pc) =	sbr.rel @p0 .LBB2_20-.Ltmp3, $1  }
0x82: {  	_ =	sdelay $0x3  }
0x83: {  	p0 =	slt.s32 s19, $0xFD0;
	s0 =	smov.u32 s19  }
0x84: {  	s0 =	simm.s32 @!p0 $0xFD0  }
.Ltmp4:
0x85: {  	s0 =	sshll.u32 s0, $0x8;
	(pc) =	sbr.rel .LBB2_9-.Ltmp4, $4  }
0x86: {  	s0 =	sadd.s32 s8, s0  }
0x87: {  	s21 =	simm.s32 $0x0;
	s0 =	sshrl.u32 s0, $0x3  }
0x88: {  	s2 =	simm.s32 $0x1080;
	s22 =	smov.u32 s19;
	s0 =	sadd.s32 s1, s0  }
0x89: {  	[tilespmem:s2], [sflag:$0x1] =	stream.linear.gather [hbm4b:s0+s21], $0x3000, $0x38;
	[tilespmem:$0x1F080] =	vst v63  }
.LBB2_19:
0x8a: {  	s21 =	sadd.s32 $0x1, s21  }
0x8b: {  	p0 =	sne.s32 s21, s20  }
.Ltmp5:
0x8c: {  	_ = 	snop;
	(pc) =	sbr.rel @!p0 .LBB2_20-.Ltmp5, $2  }
0x8d: {  	_ =	sdelay $0x2  }
0x8e: {  	s22 =	sadd.s32 $0x30, s22  }
.LBB2_9:
0x8f: {  	s0 =	sand.u32 $0x1, s21  }
0x90: {  	p0 =	seq.s32 s0, $0x1  }
0x91: {  	s0 =	sadd.s32 @p0 $0x1, s21  }
0x92: {  	p1 =	sge.s32 @p0 s0, s20  }
0x93: {  	p2 =	por p1, !p0  }
0x94: {  	s0 =	smul.u32 @!p2 $0x30, s0;
	_ =	sdelay $0x1  }
0x95: {  	s0 =	sadd.s32 @!p2 s19, s0  }
0x96: {  	p3 =	slt.s32 @!p2 s0, $0xFD0  }
0x97: {  	p1 =	por @p0 !p3, p1  }
0x98: {  	s2 =	simm.s32 @p0 $0x2;
	p1 =	por !p1, !p0  }
0x99: {  	_ =	swait.ge @p0 [sflag:s2], $0x3000;
	s0 =	simm.s32 @!p1 $0xFD0  }
0x9a: {  	s11 =	sor.u32 @!p0 $0x1, s21;
	[sflag:s2] =	ssyncset.done @p0 $0x0;
	s0 =	sshll.u32 @!p2 s0, $0x8  }
0x9b: {  	[sflag:s2] =	ssyncadd.s32 @p0 $0xFFFFD000;
	p3 =	sge.s32 @!p0 s11, s20;
	s0 =	sadd.s32 @!p2 s8, s0  }
0x9c: {  	s2 =	simm.s32 @!p2 $0x0;
	p1 =	por p3, p0;
	s0 =	sshrl.u32 @!p2 s0, $0x3  }
0x9d: {  	s12 =	simm.s32 @!p2 $0x1080;
	s11 =	smul.u32 @!p1 $0x30, s11;
	s0 =	sadd.s32 @!p2 s1, s0  }
0x9e: {  	[tilespmem:s12], [sflag:$0x1] =	stream.linear.gather @!p2 [hbm4b:s0+s2], $0x3000, $0x38;
	[tilespmem:$0x1F080] =	vst v63  }
0x9f: {  	s28 =	smul.u32 $0x30, s21;
	s0 =	sadd.s32 @!p1 s19, s11  }
0xa0: {  	p2 =	slt.s32 @!p1 s0, $0xFD0  }
0xa1: {  	s6 =	sadd.s32 s19, s28;
	p2 =	por @!p0 !p2, p3  }
0xa2: {  	s13 =	sadd.s32 $0x30, s6;
	p2 =	por !p2, p0  }
0xa3: {  	s2 =	smov.u32 s6;
	s11 =	simm.s32 @!p0 $0x1;
	s0 =	simm.s32 @!p2 $0xFD0  }
0xa4: {  	s12 =	simm.s32 @!p1 $0x4080;
	_ =	swait.ge @!p0 [sflag:s11], $0x3000;
	s0 =	sshll.u32 @!p1 s0, $0x8  }
0xa5: {  	p3 =	sgt.s32 s18, s6;
	[sflag:s11] =	ssyncset.done @!p0 $0x0;
	s0 =	sadd.s32 @!p1 s8, s0  }
0xa6: {  	s2 =	smov.u32 @p3 s18;
	[sflag:s11] =	ssyncadd.s32 @!p0 $0xFFFFD000;
	s0 =	sshrl.u32 @!p1 s0, $0x3  }
0xa7: {  	s11 =	simm.s32 @!p1 $0x0;
	p2 =	slt.s32 s17, s13;
	s0 =	sadd.s32 @!p1 s1, s0  }
0xa8: {  	[tilespmem:s12], [sflag:$0x2] =	stream.linear.gather @!p1 [hbm4b:s0+s11], $0x3000, $0x38;
	[tilespmem:$0x1F080] =	vst v63  }
0xa9: {  	s13 =	smov.u32 @p2 s17;
	v2 =	vld [tilespmem:s2+$0x0]  }
0xaa: {  	v3 =	vld [tilespmem:s13+$0xFFFFFFFF];
	_ =	sdelay $0x3  }
0xab: {  	(v2sf) =	vpush v2, $0x0  }
0xac: {  	(v2sf) =	vpush v3, $0x0;
	_ =	sdelay $0xd  }
0xad: {  	s29 =	spop (v2sf)  }
0xae: {  	s30 =	spop (v2sf)  }
0xaf: {  	s25 =	ssub.s32 s30, s5  }
0xb0: {  	s26 =	ssub.s32 s29, s5;
	s31 =	sadd.s32 $0x1, s25  }
0xb1: {  	p1 =	sge.s32 s26, s31  }
.Ltmp6:
0xb2: {  	_ = 	snop;
	(pc) =	sbr.rel @p1 .LBB2_19-.Ltmp6, $1  }
0xb3: {  	_ =	sdelay $0x3  }
.Ltmp7:
0xb4: {  	(pc) =	sbr.rel .LBB2_11-.Ltmp7, $4  }
0xb5: {  	p1 =	slt.s32 s22, $0xFD0;
	s0 =	smov.u32 s22;
	s29 =	simm.s32 $0x4080  }
0xb6: {  	s31 =	smov.u32 s2;
	s0 =	simm.s32 @!p1 $0xFD0;
	p1 =	slt.s32 s6, $0xFD0  }
0xb7: {  	s29 =	simm.s32 @!p0 $0x1080;
	s11 =	sshll.u32 s0, $0x7;
	s0 =	sshll.u32 s0, $0x8  }
0xb8: {  	s6 =	simm.s32 @!p1 $0xFD0;
	s28 =	ssub.s32 $0x0, s11;
	s30 =	ssub.s32 $0x0, s0  }
.LBB2_13:
0xb9: {  	v12 =	vimm.f32 $0.0e+00  }
0xba: {  	v13 =	vimm.f32 $0.0e+00;
	v14 =	vimm.f32 $0.0e+00;
	v15 =	vimm.f32 $0.0e+00  }
0xbb: {  	v16 =	vimm.f32 $0.0e+00;
	v17 =	vimm.f32 $0.0e+00;
	v18 =	vimm.f32 $0.0e+00  }
0xbc: {  	v3 =	vimm.f32 $0.0e+00;
	v4 =	vimm.f32 $0.0e+00;
	v5 =	vimm.f32 $0.0e+00  }
0xbd: {  	v6 =	vimm.f32 $0.0e+00;
	v7 =	vimm.f32 $0.0e+00;
	v8 =	vimm.f32 $0.0e+00  }
0xbe: {  	v9 =	vimm.f32 $0.0e+00;
	v10 =	vimm.f32 $0.0e+00;
	v11 =	vimm.f32 $0.0e+00  }
.LBB2_17:
0xbf: {  	s2 =	sand.u32 $0x380, s23;
	s11 =	sadd.s32 s14, s29;
	v24 =	vld @p0 [tilespmem:s24+$0x450]  }
0xc0: {  	v25 =	vld @p0 [tilespmem:s24+$0x460];
	s2 =	sadd.s32 s2, s11  }
0xc1: {  	v26 =	vld [tilespmem:s2+$0x470]  }
0xc2: {  	v27 =	vld [tilespmem:s2+$0x0]  }
0xc3: {  	v28 =	vld [tilespmem:s2+$0x10]  }
0xc4: {  	v29 =	vld [tilespmem:s2+$0x20]  }
0xc5: {  	v30 =	vld [tilespmem:s2+$0x30]  }
0xc6: {  	v31 =	vld [tilespmem:s2+$0x40]  }
0xc7: {  	v32 =	vld [tilespmem:s2+$0x50]  }
0xc8: {  	v33 =	vld [tilespmem:s2+$0x60]  }
0xc9: {  	v34 =	vld [tilespmem:s2+$0x70]  }
0xca: {  	v19 =	vadd.f32 @p0 v19, v12;
	v57 =	vld [tilespmem:s2+$0x400]  }
0xcb: {  	v13 =	vadd.f32 @p0 v20, v13;
	v14 =	vadd.f32 @p0 v21, v14;
	v58 =	vld [tilespmem:s2+$0x410]  }
0xcc: {  	v15 =	vadd.f32 @p0 v22, v15;
	v16 =	vadd.f32 @p0 v23, v16;
	v59 =	vld [tilespmem:s2+$0x420]  }
0xcd: {  	v60 =	vld [tilespmem:s2+$0x430];
	v17 =	vadd.f32 @p0 v24, v17;
	v18 =	vadd.f32 @p0 v25, v18  }
0xce: {  	v61 =	vld [tilespmem:s2+$0x440];
	v19 =	vpsel p0, v19, v2;
	v12 =	vadd.f32 v26, v3;
	v3 =	vadd.f32 v27, v4  }
0xcf: {  	v62 =	vld [tilespmem:s2+$0x450];
	v13 =	vpsel p0, v13, v2;
	v4 =	vadd.f32 v28, v5;
	v5 =	vadd.f32 v29, v6  }
0xd0: {  	v63 =	vld [tilespmem:s2+$0x460];
	v14 =	vpsel p0, v14, v2;
	v6 =	vadd.f32 v30, v7;
	v7 =	vadd.f32 v31, v8  }
0xd1: {  	v15 =	vpsel p0, v15, v2;
	v8 =	vadd.f32 v32, v9;
	v9 =	vadd.f32 v33, v10  }
0xd2: {  	v16 =	vpsel p0, v16, v2;
	v10 =	vadd.f32 v34, v11;
	v11 =	vadd.f32 v57, v19  }
0xd3: {  	v17 =	vpsel p0, v17, v2;
	v13 =	vadd.f32 v58, v13;
	v14 =	vadd.f32 v59, v14  }
0xd4: {  	v18 =	vpsel p0, v18, v2;
	v2 =	vadd.f32 v60, v15;
	v15 =	vadd.f32 v61, v16  }
0xd5: {  	v16 =	vadd.f32 v62, v17;
	v17 =	vadd.f32 v63, v18  }
.LBB2_18:
0xd6: {  	s2 =	sshll.u32 s26, $0x8;
	s11 =	sshll.u32 s26, $0x7  }
0xd7: {  	s2 =	sand.u32 $0xFFFFF800, s2;
	s11 =	sand.u32 $0x380, s11  }
0xd8: {  	s2 =	sor.u32 s11, s2  }
0xd9: {  	[tilespmem:s2+$0x7080] =	vst.add.f32.msk $0xffff, v3  }
0xda: {  	[tilespmem:s2+$0x7090] =	vst.add.f32.msk $0xffff, v4  }
0xdb: {  	[tilespmem:s2+$0x70A0] =	vst.add.f32.msk $0xffff, v5  }
0xdc: {  	[tilespmem:s2+$0x70B0] =	vst.add.f32.msk $0xffff, v6  }
0xdd: {  	[tilespmem:s2+$0x70C0] =	vst.add.f32.msk $0xffff, v7  }
0xde: {  	[tilespmem:s2+$0x70D0] =	vst.add.f32.msk $0xffff, v8  }
0xdf: {  	[tilespmem:s2+$0x70E0] =	vst.add.f32.msk $0xffff, v9  }
0xe0: {  	[tilespmem:s2+$0x70F0] =	vst.add.f32.msk $0xffff, v10  }
0xe1: {  	[tilespmem:s2+$0x7480] =	vst.add.f32.msk $0xffff, v11  }
0xe2: {  	[tilespmem:s2+$0x7490] =	vst.add.f32.msk $0xffff, v13  }
0xe3: {  	[tilespmem:s2+$0x74A0] =	vst.add.f32.msk $0xffff, v14  }
0xe4: {  	p0 =	sne.s32 s26, s25;
	[tilespmem:s2+$0x74B0] =	vst.add.f32.msk $0xffff, v2  }
.Ltmp8:
0xe5: {  	[tilespmem:s2+$0x74C0] =	vst.add.f32.msk $0xffff, v15;
	(pc) =	sbr.rel @!p0 .LBB2_19-.Ltmp8, $4  }
0xe6: {  	s0 =	scvt.s32.f32 s0;
	[tilespmem:s2+$0x74D0] =	vst.add.f32.msk $0xffff, v16  }
0xe7: {  	s14 =	sshll.u32 s26, $0x9;
	[tilespmem:s2+$0x74E0] =	vst.add.f32.msk $0xffff, v17  }
0xe8: {  	s24 =	sadd.s32 $0x1, s26;
	s23 =	sshra.s32 s14, $0x2;
	[tilespmem:s2+$0x74F0] =	vst.add.f32.msk $0xffff, v12;
	v2 =	vmov s0  }
0xe9: {  	s26 =	smov.u32 s24;
	s2 =	smov.u32 s31;
	[tilespmem:s23+$0x17080] =	vst.add.f32.msk $0xffff, v2  }
.LBB2_11:
0xea: {  	s0 =	sadd.s32 s13, s2  }
0xeb: {  	s11 =	sand.u32 $0x1, s0  }
0xec: {  	p0 =	slt.s32 s0, $0x1;
	p1 =	seq.s32 s11, $0x1  }
0xed: {  	s14 =	sshrl.u32 s0, $0x1F;
	p0 =	por !p0, !p1  }
0xee: {  	s0 =	sadd.s32 s14, s0;
	s11 =	simm.s32 $0x1;
	p0 =	por !p0, !p0  }
0xef: {  	s0 =	sshra.s32 s0, $0x1;
	s11 =	simm.s32 @!p0 $0x0  }
0xf0: {  	s11 =	ssub.s32 s0, s11  }
0xf1: {  	p0 =	slt.s32 s11, $0xFFF;
	s0 =	smov.u32 s11  }
0xf2: {  	s0 =	simm.s32 @!p0 $0xFFF  }
0xf3: {  	v2 =	vld [tilespmem:s0+$0x0];
	_ =	sdelay $0x4  }
0xf4: {  	(v2sf) =	vpush v2, $0x0;
	_ =	sdelay $0xd  }
0xf5: {  	s23 =	smov.u32 s2;
	s24 =	smov.u32 s13  }
0xf6: {  	s14 =	sadd.s32 $0x1, s11;
	s0 =	sadd.s32 s5, s26;
	s12 =	spop (v2sf)  }
0xf7: {  	p0 =	sle.s32 s12, s0;
	p1 =	sgt.s32 s12, s0;
	s12 =	smov.u32 s13  }
0xf8: {  	s23 =	smov.u32 @p0 s14;
	p0 =	slt.s32 s2, s13;
	s12 =	smov.u32 @p1 s11  }
0xf9: {  	s31 =	smov.u32 @p0 s23;
	s24 =	smov.u32 @p0 s12  }
0xfa: {  	s11 =	sadd.s32 s24, s31  }
0xfb: {  	s23 =	sand.u32 $0x1, s11  }
0xfc: {  	p3 =	slt.s32 s11, $0x1;
	p4 =	seq.s32 s23, $0x1  }
0xfd: {  	s14 =	sshrl.u32 s11, $0x1F;
	p0 =	por !p3, !p4  }
0xfe: {  	s12 =	simm.s32 $0x1;
	s11 =	sadd.s32 s14, s11;
	p0 =	por !p0, !p0  }
0xff: {  	s11 =	sshra.s32 s11, $0x1;
	s12 =	simm.s32 @!p0 $0x0  }
0x100: {  	s11 =	ssub.s32 s11, s12  }
0x101: {  	p0 =	slt.s32 s11, $0xFFF;
	s12 =	smov.u32 s11  }
0x102: {  	s12 =	simm.s32 @!p0 $0xFFF  }
0x103: {  	v2 =	vld [tilespmem:s12+$0x0];
	_ =	sdelay $0x4  }
0x104: {  	(v2sf) =	vpush v2, $0x0;
	_ =	sdelay $0xd  }
0x105: {  	s14 =	smov.u32 s31;
	p0 =	slt.s32 s31, s24;
	s12 =	sadd.s32 $0x1, s11  }
0x106: {  	s14 =	smov.u32 @p0 s12;
	s12 =	smov.u32 s24;
	s23 =	spop (v2sf)  }
0x107: {  	s12 =	smov.u32 @p0 s11;
	p1 =	sle.s32 s23, s0;
	p0 =	sgt.s32 s23, s0  }
0x108: {  	s31 =	smov.u32 @p1 s14;
	s24 =	smov.u32 @p0 s12  }
0x109: {  	s11 =	sadd.s32 s24, s31  }
0x10a: {  	s23 =	sand.u32 $0x1, s11  }
0x10b: {  	p5 =	slt.s32 s11, $0x1;
	p6 =	seq.s32 s23, $0x1  }
0x10c: {  	s14 =	sshrl.u32 s11, $0x1F;
	p0 =	por !p5, !p6  }
0x10d: {  	s12 =	simm.s32 $0x1;
	s11 =	sadd.s32 s14, s11;
	p0 =	por !p0, !p0  }
0x10e: {  	s11 =	sshra.s32 s11, $0x1;
	s12 =	simm.s32 @!p0 $0x0  }
0x10f: {  	s11 =	ssub.s32 s11, s12  }
0x110: {  	p0 =	slt.s32 s11, $0xFFF;
	s12 =	smov.u32 s11  }
0x111: {  	s12 =	simm.s32 @!p0 $0xFFF  }
0x112: {  	v2 =	vld [tilespmem:s12+$0x0];
	_ =	sdelay $0x4  }
0x113: {  	(v2sf) =	vpush v2, $0x0;
	_ =	sdelay $0xd  }
0x114: {  	s14 =	smov.u32 s31;
	p0 =	slt.s32 s31, s24;
	s12 =	sadd.s32 $0x1, s11  }
0x115: {  	s14 =	smov.u32 @p0 s12;
	s12 =	smov.u32 s24;
	s23 =	spop (v2sf)  }
0x116: {  	s12 =	smov.u32 @p0 s11;
	p1 =	sle.s32 s23, s0;
	p0 =	sgt.s32 s23, s0  }
0x117: {  	s31 =	smov.u32 @p1 s14;
	s24 =	smov.u32 @p0 s12  }
0x118: {  	s11 =	sadd.s32 s24, s31  }
0x119: {  	s23 =	sand.u32 $0x1, s11  }
0x11a: {  	p1 =	slt.s32 s11, $0x1;
	p2 =	seq.s32 s23, $0x1  }
0x11b: {  	s14 =	sshrl.u32 s11, $0x1F;
	p0 =	por !p1, !p2  }
0x11c: {  	s12 =	simm.s32 $0x1;
	s11 =	sadd.s32 s14, s11;
	p0 =	por !p0, !p0  }
0x11d: {  	s11 =	sshra.s32 s11, $0x1;
	s12 =	simm.s32 @!p0 $0x0  }
0x11e: {  	s11 =	ssub.s32 s11, s12  }
0x11f: {  	p0 =	slt.s32 s11, $0xFFF;
	s12 =	smov.u32 s11  }
0x120: {  	s12 =	simm.s32 @!p0 $0xFFF  }
0x121: {  	v2 =	vld [tilespmem:s12+$0x0];
	_ =	sdelay $0x4  }
0x122: {  	(v2sf) =	vpush v2, $0x0;
	_ =	sdelay $0xd  }
0x123: {  	s14 =	smov.u32 s31;
	p0 =	slt.s32 s31, s24;
	s12 =	sadd.s32 $0x1, s11  }
0x124: {  	s14 =	smov.u32 @p0 s12;
	s12 =	smov.u32 s24;
	s23 =	spop (v2sf)  }
0x125: {  	s12 =	smov.u32 @p0 s11;
	p1 =	sle.s32 s23, s0;
	p0 =	sgt.s32 s23, s0  }
0x126: {  	s31 =	smov.u32 @p1 s14;
	s24 =	smov.u32 @p0 s12  }
0x127: {  	s11 =	sadd.s32 s24, s31  }
0x128: {  	s23 =	sand.u32 $0x1, s11  }
0x129: {  	p3 =	slt.s32 s11, $0x1;
	p4 =	seq.s32 s23, $0x1  }
0x12a: {  	s14 =	sshrl.u32 s11, $0x1F;
	p0 =	por !p3, !p4  }
0x12b: {  	s12 =	simm.s32 $0x1;
	s11 =	sadd.s32 s14, s11;
	p0 =	por !p0, !p0  }
0x12c: {  	s11 =	sshra.s32 s11, $0x1;
	s12 =	simm.s32 @!p0 $0x0  }
0x12d: {  	s11 =	ssub.s32 s11, s12  }
0x12e: {  	p0 =	slt.s32 s11, $0xFFF;
	s12 =	smov.u32 s11  }
0x12f: {  	s12 =	simm.s32 @!p0 $0xFFF  }
0x130: {  	v2 =	vld [tilespmem:s12+$0x0];
	_ =	sdelay $0x4  }
0x131: {  	(v2sf) =	vpush v2, $0x0;
	_ =	sdelay $0xd  }
0x132: {  	s14 =	smov.u32 s31;
	p0 =	slt.s32 s31, s24;
	s12 =	sadd.s32 $0x1, s11  }
0x133: {  	s14 =	smov.u32 @p0 s12;
	s12 =	smov.u32 s24;
	s23 =	spop (v2sf)  }
0x134: {  	s12 =	smov.u32 @p0 s11;
	p1 =	sle.s32 s23, s0;
	p0 =	sgt.s32 s23, s0  }
0x135: {  	s31 =	smov.u32 @p1 s14;
	s24 =	smov.u32 @p0 s12  }
0x136: {  	s11 =	sadd.s32 s24, s31  }
0x137: {  	s23 =	sand.u32 $0x1, s11  }
0x138: {  	p5 =	slt.s32 s11, $0x1;
	p6 =	seq.s32 s23, $0x1  }
0x139: {  	s14 =	sshrl.u32 s11, $0x1F;
	p0 =	por !p5, !p6  }
0x13a: {  	s12 =	simm.s32 $0x1;
	s11 =	sadd.s32 s14, s11;
	p0 =	por !p0, !p0  }
0x13b: {  	s11 =	sshra.s32 s11, $0x1;
	s12 =	simm.s32 @!p0 $0x0  }
0x13c: {  	s11 =	ssub.s32 s11, s12  }
0x13d: {  	p0 =	slt.s32 s11, $0xFFF  }
0x13e: {  	s12 =	sadd.s32 $0x1, s11;
	s11 =	simm.s32 @!p0 $0xFFF  }
0x13f: {  	v2 =	vld [tilespmem:s11+$0x0];
	_ =	sdelay $0x4  }
0x140: {  	(v2sf) =	vpush v2, $0x0;
	_ =	sdelay $0xe  }
0x141: {  	s14 =	smov.u32 s31;
	p0 =	slt.s32 s31, s24;
	s23 =	spop (v2sf)  }
0x142: {  	s14 =	smov.u32 @p0 s12;
	p1 =	sle.s32 s23, s0  }
0x143: {  	s31 =	smov.u32 @p1 s14  }
0x144: {  	s23 =	ssub.s32 s2, s6;
	s24 =	ssub.s32 s31, s6  }
0x145: {  	v3 =	vimm.f32 $0.0e+00;
	p0 =	sge.s32 s23, s24  }
.Ltmp9:
0x146: {  	v4 =	vimm.f32 $0.0e+00;
	v5 =	vimm.f32 $0.0e+00;
	v6 =	vimm.f32 $0.0e+00;
	(pc) =	sbr.rel @p0 .LBB2_18-.Ltmp9, $4  }
0x147: {  	v7 =	vimm.f32 $0.0e+00;
	v8 =	vimm.f32 $0.0e+00;
	v9 =	vimm.f32 $0.0e+00  }
0x148: {  	v10 =	vimm.f32 $0.0e+00;
	v11 =	vimm.f32 $0.0e+00;
	v13 =	vimm.f32 $0.0e+00  }
0x149: {  	v14 =	vimm.f32 $0.0e+00;
	v15 =	vimm.f32 $0.0e+00;
	v16 =	vimm.f32 $0.0e+00  }
0x14a: {  	v17 =	vimm.f32 $0.0e+00;
	v12 =	vimm.f32 $0.0e+00;
	v2 =	vimm.f32 $0.0e+00;
	s0 =	ssub.s32 s31, s2  }
0x14b: {  	p1 =	sne.s32 s0, $0x1  }
.Ltmp10:
0x14c: {  	_ = 	snop;
	(pc) =	sbr.rel @!p1 .LBB2_13-.Ltmp10, $4  }
0x14d: {  	_ = 	snop  }
0x14e: {  	s11 =	sshll.u32 s2, $0x7;
	s24 =	sshll.u32 s2, $0x8  }
0x14f: {  	s23 =	sadd.s32 s11, s28;
	s11 =	sadd.s32 s24, s30  }
0x150: {  	v2 =	vimm.f32 $0.0e+00;
	s12 =	sadd.s32 $0xFFFFFFFF, s0;
	p0 =	por $0x0, $0x0;
	s14 =	sand.u32 $0xFFFFF800, s11  }
0x151: {  	s2 =	sand.u32 $0x380, s23;
	s14 =	sadd.s32 s14, s29  }
0x152: {  	s24 =	sadd.s32 s2, s14  }
0x153: {  	v3 =	vld [tilespmem:s24+$0x470]  }
0x154: {  	v4 =	vld [tilespmem:s24+$0x0]  }
0x155: {  	v5 =	vld [tilespmem:s24+$0x10]  }
0x156: {  	v6 =	vld [tilespmem:s24+$0x20]  }
0x157: {  	v7 =	vld [tilespmem:s24+$0x30]  }
0x158: {  	v8 =	vld [tilespmem:s24+$0x40]  }
0x159: {  	v9 =	vld [tilespmem:s24+$0x50]  }
0x15a: {  	v10 =	vld [tilespmem:s24+$0x60]  }
0x15b: {  	v12 =	vimm.f32 $0.0e+00;
	p1 =	sne.s32 s12, $0x1;
	v11 =	vld [tilespmem:s24+$0x70]  }
.Ltmp11:
0x15c: {  	v13 =	vimm.f32 $0.0e+00;
	v14 =	vimm.f32 $0.0e+00;
	v19 =	vld [tilespmem:s24+$0x400];
	v3 =	vadd.f32 v3, v2;
	(pc) =	sbr.rel @!p1 .LBB2_15-.Ltmp11, $4  }
0x15d: {  	v15 =	vimm.f32 $0.0e+00;
	v20 =	vld [tilespmem:s24+$0x410];
	v4 =	vadd.f32 v4, v2;
	v5 =	vadd.f32 v5, v2  }
0x15e: {  	v16 =	vimm.f32 $0.0e+00;
	v21 =	vld [tilespmem:s24+$0x420];
	v6 =	vadd.f32 v6, v2;
	v7 =	vadd.f32 v7, v2  }
0x15f: {  	s11 =	sadd.s32 $0x100, s11;
	s12 =	sadd.s32 $0xFFFFFFFF, s12;
	v17 =	vimm.f32 $0.0e+00;
	v22 =	vld [tilespmem:s24+$0x430];
	v8 =	vadd.f32 v8, v2;
	v9 =	vadd.f32 v9, v2  }
0x160: {  	s23 =	sadd.s32 $0x80, s23;
	p0 =	por $0x1, $0x1;
	v18 =	vimm.f32 $0.0e+00;
	s14 =	sand.u32 $0xFFFFF800, s11;
	v23 =	vld [tilespmem:s24+$0x440];
	v10 =	vadd.f32 v10, v2;
	v11 =	vadd.f32 v11, v2  }
.LBB2_16:
0x161: {  	p1 =	sne.s32 s12, $0x1;
	s2 =	sand.u32 $0x380, s23;
	s14 =	sadd.s32 s14, s29;
	v12 =	vadd.f32 v19, v12;
	v19 =	vld [tilespmem:s24+$0x450]  }
0x162: {  	v13 =	vadd.f32 v20, v13;
	v20 =	vld [tilespmem:s24+$0x460];
	s24 =	sadd.s32 s2, s14  }
0x163: {  	v14 =	vadd.f32 v21, v14;
	v24 =	vld [tilespmem:s24+$0x470]  }
0x164: {  	v15 =	vadd.f32 v22, v15;
	v21 =	vld [tilespmem:s24+$0x0]  }
0x165: {  	v16 =	vadd.f32 v23, v16;
	v22 =	vld [tilespmem:s24+$0x10]  }
0x166: {  	v23 =	vld [tilespmem:s24+$0x20];
	v17 =	vadd.f32 v19, v17  }
0x167: {  	v19 =	vld [tilespmem:s24+$0x30];
	v18 =	vadd.f32 v20, v18  }
0x168: {  	v20 =	vld [tilespmem:s24+$0x40];
	v3 =	vadd.f32 v24, v3  }
0x169: {  	v4 =	vadd.f32 v21, v4;
	v21 =	vld [tilespmem:s24+$0x50]  }
0x16a: {  	v5 =	vadd.f32 v22, v5;
	v22 =	vld [tilespmem:s24+$0x60]  }
0x16b: {  	v6 =	vadd.f32 v23, v6;
	v23 =	vld [tilespmem:s24+$0x70]  }
.Ltmp12:
0x16c: {  	v7 =	vadd.f32 v19, v7;
	v19 =	vld [tilespmem:s24+$0x400];
	(pc) =	sbr.rel @p1 .LBB2_16-.Ltmp12, $4  }
0x16d: {  	v8 =	vadd.f32 v20, v8;
	v20 =	vld [tilespmem:s24+$0x410]  }
0x16e: {  	v9 =	vadd.f32 v21, v9;
	v21 =	vld [tilespmem:s24+$0x420]  }
0x16f: {  	s11 =	sadd.s32 $0x100, s11;
	v10 =	vadd.f32 v22, v10;
	v22 =	vld [tilespmem:s24+$0x430]  }
0x170: {  	s12 =	sadd.s32 $0xFFFFFFFF, s12;
	s23 =	sadd.s32 $0x80, s23;
	s14 =	sand.u32 $0xFFFFF800, s11;
	v11 =	vadd.f32 v23, v11;
	v23 =	vld [tilespmem:s24+$0x440]  }
.Ltmp13:
0x171: {  	_ = 	snop;
	(pc) =	sbr.rel .LBB2_17-.Ltmp13, $1  }
0x172: {  	_ =	sdelay $0x3  }
.LBB2_15:
.Ltmp14:
0x173: {  	(pc) =	sbr.rel .LBB2_17-.Ltmp14, $4  }
0x174: {  	_ = 	snop  }
0x175: {  	v12 =	vimm.f32 $0.0e+00  }
0x176: {  	v13 =	vimm.f32 $0.0e+00;
	v14 =	vimm.f32 $0.0e+00;
	v15 =	vimm.f32 $0.0e+00  }
0x177: {  	v16 =	vimm.f32 $0.0e+00;
	v17 =	vimm.f32 $0.0e+00;
	v18 =	vimm.f32 $0.0e+00  }
.LBB2_20:
0x178: {  	s2 =	simm.s32 $0x17080  }
0x179: {  	s13 =	simm.s32 $0x0;
	s17 =	simm.s32 $0x100;
	s0 =	simm.s32 $0x0;
	v2 =	vld [tilespmem:s2+$0x0]  }
.LBB2_21:
0x17a: {  	p0 =	sne.s32 s17, $0xFF00;
	s6 =	sand.u32 $0xF800, s13;
	s11 =	sand.u32 $0x380, s0  }
0x17b: {  	s13 =	smov.u32 s17;
	s18 =	sor.u32 s11, s6  }
0x17c: {  	v3 =	vld [tilespmem:s18+$0x74F0]  }
0x17d: {  	v4 =	vld [tilespmem:s18+$0x74D0]  }
0x17e: {  	v2 =	vmax.f32 v2, $1.000000000e+00;
	v5 =	vld [tilespmem:s18+$0x74B0]  }
0x17f: {  	v6 =	vld [tilespmem:s18+$0x7490];
	(erf) = vrcp.f32 v2  }
0x180: {  	v2 =	vld [tilespmem:s18+$0x70F0]  }
0x181: {  	v7 =	vld [tilespmem:s18+$0x70D0]  }
0x182: {  	v8 =	vld [tilespmem:s18+$0x70B0]  }
0x183: {  	v9 =	vld [tilespmem:s18+$0x7090]  }
0x184: {  	v10 =	vld [tilespmem:s18+$0x7080]  }
0x185: {  	v11 =	vld [tilespmem:s18+$0x70A0]  }
0x186: {  	v12 =	vld [tilespmem:s18+$0x70C0]  }
0x187: {  	v13 =	vld [tilespmem:s18+$0x70E0]  }
0x188: {  	v14 =	vld [tilespmem:s18+$0x7480];
	v15 =	vpop (erf)  }
0x189: {  	v10 =	vmul.f32 v15, v10;
	v9 =	vmul.f32 v9, v15;
	v16 =	vld [tilespmem:s18+$0x74A0]  }
0x18a: {  	v8 =	vmul.f32 v8, v15;
	v11 =	vmul.f32 v11, v15;
	v17 =	vld [tilespmem:s18+$0x74C0]  }
0x18b: {  	v7 =	vmul.f32 v7, v15;
	[tilespmem:s18+$0x7080] =	vst v10;
	v10 =	vmul.f32 v12, v15;
	v12 =	vld [tilespmem:s18+$0x74E0]  }
0x18c: {  	v2 =	vmul.f32 v2, v15;
	[tilespmem:s18+$0x7090] =	vst v9;
	v9 =	vmul.f32 v13, v15  }
0x18d: {  	v6 =	vmul.f32 v6, v15;
	[tilespmem:s18+$0x70A0] =	vst v11;
	v11 =	vmul.f32 v14, v15  }
0x18e: {  	v5 =	vmul.f32 v5, v15;
	[tilespmem:s18+$0x70B0] =	vst v8;
	v8 =	vmul.f32 v16, v15  }
0x18f: {  	v4 =	vmul.f32 v4, v15;
	[tilespmem:s18+$0x70C0] =	vst v10;
	v10 =	vmul.f32 v17, v15  }
0x190: {  	v3 =	vmul.f32 v3, v15;
	[tilespmem:s18+$0x70D0] =	vst v7;
	v7 =	vmul.f32 v12, v15  }
0x191: {  	[tilespmem:s18+$0x70E0] =	vst v9  }
0x192: {  	[tilespmem:s18+$0x70F0] =	vst v2  }
0x193: {  	[tilespmem:s18+$0x7480] =	vst v11  }
0x194: {  	[tilespmem:s18+$0x7490] =	vst v6  }
0x195: {  	[tilespmem:s18+$0x74A0] =	vst v8  }
0x196: {  	[tilespmem:s18+$0x74B0] =	vst v5  }
.Ltmp15:
0x197: {  	[tilespmem:s18+$0x74C0] =	vst v10;
	(pc) =	sbr.rel @p0 .LBB2_21-.Ltmp15, $4  }
0x198: {  	[tilespmem:s18+$0x74D0] =	vst v4  }
0x199: {  	[tilespmem:s18+$0x74E0] =	vst v7  }
0x19a: {  	s2 =	sadd.s32 $0x80, s2;
	[tilespmem:s18+$0x74F0] =	vst v3  }
0x19b: {  	s17 =	sadd.s32 $0x100, s17;
	s0 =	sadd.s32 $0x80, s0;
	v2 =	vld [tilespmem:s2+$0x0]  }
0x19c: {  	_ =	sdelay $0x3  }
0x19d: {  	v2 =	vmax.f32 v2, $1.000000000e+00  }
0x19e: {  	(erf) = vrcp.f32 v2;
	_ =	sdelay $0x2  }
0x19f: {  	s2 =	sand.u32 $0xF800, s13;
	s0 =	sand.u32 $0x380, s0  }
0x1a0: {  	s0 =	sor.u32 s0, s2  }
0x1a1: {  	v2 =	vld [tilespmem:s0+$0x7080]  }
0x1a2: {  	v3 =	vld [tilespmem:s0+$0x7090]  }
0x1a3: {  	v4 =	vld [tilespmem:s0+$0x70A0]  }
0x1a4: {  	v5 =	vld [tilespmem:s0+$0x70B0]  }
0x1a5: {  	v6 =	vld [tilespmem:s0+$0x70C0];
	v7 =	vpop (erf)  }
0x1a6: {  	v8 =	vld [tilespmem:s0+$0x70D0];
	v2 =	vmul.f32 v7, v2  }
0x1a7: {  	v9 =	vld [tilespmem:s0+$0x70E0];
	v3 =	vmul.f32 v3, v7  }
0x1a8: {  	v10 =	vld [tilespmem:s0+$0x70F0];
	v4 =	vmul.f32 v4, v7;
	[tilespmem:s0+$0x7080] =	vst v2  }
0x1a9: {  	v60 =	vld [tilespmem:s0+$0x74D0];
	v5 =	vmul.f32 v5, v7;
	[tilespmem:s0+$0x7090] =	vst v3  }
0x1aa: {  	v57 =	vld [tilespmem:s0+$0x74A0];
	v6 =	vmul.f32 v6, v7;
	[tilespmem:s0+$0x70A0] =	vst v4  }
0x1ab: {  	v8 =	vmul.f32 v8, v7;
	v2 =	vld [tilespmem:s0+$0x7480];
	[tilespmem:s0+$0x70B0] =	vst v5  }
0x1ac: {  	v9 =	vmul.f32 v9, v7;
	v3 =	vld [tilespmem:s0+$0x7490];
	[tilespmem:s0+$0x70C0] =	vst v6  }
0x1ad: {  	v58 =	vld [tilespmem:s0+$0x74B0];
	v10 =	vmul.f32 v10, v7;
	[tilespmem:s0+$0x70D0] =	vst v8  }
0x1ae: {  	v59 =	vld [tilespmem:s0+$0x74C0];
	v63 =	vmul.f32 v60, v7;
	[tilespmem:s0+$0x70E0] =	vst v9  }
0x1af: {  	v61 =	vld [tilespmem:s0+$0x74E0];
	[tilespmem:s0+$0x70F0] =	vst v10;
	v4 =	vmul.f32 v57, v7  }
0x1b0: {  	v62 =	vld [tilespmem:s0+$0x74F0];
	[tilespmem:s0+$0x74D0] =	vst v63;
	v2 =	vmul.f32 v2, v7  }
0x1b1: {  	[tilespmem:s0+$0x74A0] =	vst v4;
	v3 =	vmul.f32 v3, v7  }
0x1b2: {  	[tilespmem:s0+$0x7480] =	vst v2;
	v2 =	vmul.f32 v58, v7  }
0x1b3: {  	[tilespmem:s0+$0x7490] =	vst v3;
	v3 =	vmul.f32 v59, v7  }
0x1b4: {  	[tilespmem:s0+$0x74B0] =	vst v2;
	v2 =	vmul.f32 v61, v7  }
0x1b5: {  	s16 =	sadd.s32 $0x1, s16;
	[tilespmem:s0+$0x74C0] =	vst v3;
	v3 =	vmul.f32 v62, v7  }
0x1b6: {  	p0 =	sne.s32 s16, s10;
	[tilespmem:s0+$0x74E0] =	vst v2  }
.Ltmp16:
0x1b7: {  	s31 =	simm.s32 $0x7080;
	[tilespmem:s0+$0x74F0] =	vst v3;
	(pc) =	sbr.rel @p0 .LBB2_1-.Ltmp16, $4  }
0x1b8: {  	[hbm4b:s9+s3] =	stream.linear.scatter [tilespmem:s31], [sflag:$0x3], $0x10000, $0x38;
	[tilespmem:$0x1F080] =	vst v63  }
0x1b9: {  	_ =	swait.ge [sflag:s15], $0x10000  }
0x1ba: {  	[sflag:s15] =	ssyncset.done $0x0  }
0x1bb: {  	[sflag:s15] =	ssyncadd.s32 $0xFFFF0000  }
0x1bc: {  	_ =	sfence.sel $0x180000  }
0x1bd: {  	[bflag:$0x0] =	sbarrier.arrive $0xFFFF  }
0x1be: {  	_ =	strace $0x90000047  }
0x1bf: {  	s0 =	stileid.u32;
	[bflag:$0x2] =	sbarrier.arrive $0xFFFF  }
0x1c0: {  	p0 =	sne.s32 s0, $0x0;
	s0 =	rddreg [dreg:$0x3]  }
0x1c1: {  	s0 =	sadd.s32 @!p0 $0x100000, s0  }
0x1c2: {  	[sflag:s0] =	ssyncadd.tile.s32 @!p0 $0x1;
	_ =	shalt  }
.Lfunc_end2:
_tile_overlayer_lowered:
.L_overlay_start_2:
0x1c3: {  	(tag) =	ssettag $0x2  }
0x1c4: {  	s0 =	rddreg [dreg:$0x0];
	s2 =	stileid.u32  }
0x1c5: {  	s1 =	rddreg [dreg:$0x1];
	p0 =	sne.s32 s2, $0x0  }
0x1c6: {  	s3 =	rddreg [dreg:$0x2];
	[bflag:$0x3] =	sbarrier.arrive $0xFFFF;
	s2 =	simm.s32 @!p0 $0x1C03  }
0x1c7: {  	[timem:s3], [sflag:s2] =	dma.local @!p0 [hbm:s0], s1  }
0x1c8: {  	s0 =	simm.s32 @!p0 $0x3  }
0x1c9: {  	_ =	swait.ge @!p0 [sflag:s0], s1  }
0x1ca: {  	s1 =	ssub.s32 @!p0 $0x0, s1;
	[sflag:s0] =	ssyncset.done @!p0 $0x0  }
0x1cb: {  	[sflag:s0] =	ssyncadd.s32 @!p0 s1  }
0x1cc: {  	[bflag:$0x3] =	sbarrier.arrive $0xFFFF  }
0x1cd: {  	_ =	shalt  }

</sc_bundles>
